<compile_context>
chip_gen: v7x
topology: tpu7x:2x2x1
jax: 0.10.2.dev20260603
libtpu: 0.0.44.dev20260713+nightly
codegen_flags: <defaults>
</compile_context>

<pallas_src>
import functools

import jax
import jax.numpy as jnp
from jax import lax
from jax.experimental import pallas as pl
from jax.experimental.pallas import tpu as pltpu
from jax.experimental.pallas import tpu_sc as plsc

_NUM_LAYERS = 12
_PER_LAYER_DIM = 64
_ROW = _NUM_LAYERS * _PER_LAYER_DIM
_SEQ = 2048
_NUM_WORKERS = 32
_BPW = _SEQ // _NUM_WORKERS
_LANES = 16
_CHUNK = 16
_NCH = _BPW // _CHUNK
_SCALE = float(_PER_LAYER_DIM) ** 0.5

_mesh = plsc.VectorSubcoreMesh(core_axis_name="c", subcore_axis_name="s")


@functools.partial(
    pl.kernel,
    mesh=_mesh,
    out_type=jax.ShapeDtypeStruct((_SEQ, _ROW), jnp.float32),
    scratch_types=[
        pltpu.VMEM((_BPW,), jnp.int32),
        pltpu.VMEM((_BPW, _ROW), jnp.float32),
    ]
    + [pltpu.SemaphoreType.DMA] * _NCH
    + [pltpu.SemaphoreType.DMA],
)
def _gather_scale(ids_hbm, table_hbm, out_hbm, idx_v, rows_v, *sems):
    gsems, osem = sems[:_NCH], sems[_NCH]
    wid = lax.axis_index("s") * 2 + lax.axis_index("c")
    base = wid * _BPW
    pltpu.sync_copy(ids_hbm.at[pl.ds(base, _BPW)], idx_v)

    gathers = []
    for g in range(_NCH):
        cp = pltpu.make_async_copy(
            table_hbm.at[idx_v.at[pl.ds(g * _CHUNK, _CHUNK)]],
            rows_v.at[pl.ds(g * _CHUNK, _CHUNK)],
            gsems[g],
        )
        cp.start()
        gathers.append(cp)

    copyouts = []
    for g in range(_NCH):
        gathers[g].wait()

        def scale_row(i, _):
            for j in range(_ROW // _LANES):
                sl = pl.ds(j * _LANES, _LANES)
                rows_v[i, sl] = rows_v[i, sl] * _SCALE
            return ()

        lax.fori_loop(g * _CHUNK, (g + 1) * _CHUNK, scale_row, (), unroll=False)
        out = pltpu.make_async_copy(
            rows_v.at[pl.ds(g * _CHUNK, _CHUNK)],
            out_hbm.at[pl.ds(base + g * _CHUNK, _CHUNK)],
            osem,
        )
        out.start()
        copyouts.append(out)

    for out in copyouts:
        out.wait()


def kernel(token_ids, per_layer_table):
    ids = token_ids.reshape(-1)
    out = _gather_scale(ids, per_layer_table)
    b, s = token_ids.shape
    return out.reshape(b, s, _NUM_LAYERS, _PER_LAYER_DIM)

# --- scband reference (transcript-rebuilt; emitter-appended) ---
"""Pipeline reference for scband-lite-rtexportable-module-for-per-layer-embedder-24567212933972 (READ-ONLY COPY).

The authoritative reference and input builder live on the scoring server;
editing this copy changes nothing except your own understanding.
"""

import jax, jax.numpy as jnp
import numpy as np

VOCAB = 100000
NUM_LAYERS = 12
PER_LAYER_DIM = 64
BATCH = 1
SEQ = 2048


def setup_inputs(seed: int = 0) -> dict:
    key = jax.random.key(seed)
    k_ids, k_tab = jax.random.split(key)
    token_ids = jax.random.randint(k_ids, (BATCH, SEQ), 0, VOCAB, dtype=jnp.int32)
    # Per-layer embedding table: one row per vocab entry, num_layers * per_layer_dim wide.
    per_layer_table = jax.random.normal(
        k_tab, (VOCAB, NUM_LAYERS * PER_LAYER_DIM), dtype=jnp.float32
    ) * 0.02
    return {"token_ids": token_ids, "per_layer_table": per_layer_table}


def reference(token_ids, per_layer_table):
    # get_per_layer_inputs: embedding lookup, scale, reshape to per-layer slots.
    scale = jnp.asarray(PER_LAYER_DIM, dtype=jnp.float32) ** 0.5
    emb = jnp.take(per_layer_table, token_ids, axis=0)  # [B, S, L*D]
    emb = emb * scale
    b, s = token_ids.shape
    embeddings = emb.reshape(b, s, NUM_LAYERS, PER_LAYER_DIM)
    return embeddings

if __name__ == "__main__":
    import jax
    _d = setup_inputs()
    print(jax.jit(kernel)(*tuple(_d.values())))

</pallas_src>

<mosaic_0001>
#map = affine_map<(d0, d1) -> (0)>
#map1 = affine_map<(d0, d1) -> (0, 0)>
module attributes {stable_mosaic.version = 14 : i64} {
  func.func @_gather_scale(%arg0: i32, %arg1: i32, %arg2: memref<2048xi32, #tpu.memory_space<hbm>>, %arg3: memref<100000x768xf32, #tpu.memory_space<hbm>>, %arg4: memref<2048x768xf32, #tpu.memory_space<hbm>>, %arg5: memref<64xi32, #tpu.memory_space<vmem>>, %arg6: memref<64x768xf32, #tpu.memory_space<vmem>>, %arg7: memref<!tpu.dma_semaphore, #tpu.memory_space<semaphore_mem>>, %arg8: memref<!tpu.dma_semaphore, #tpu.memory_space<semaphore_mem>>, %arg9: memref<!tpu.dma_semaphore, #tpu.memory_space<semaphore_mem>>, %arg10: memref<!tpu.dma_semaphore, #tpu.memory_space<semaphore_mem>>, %arg11: memref<!tpu.dma_semaphore, #tpu.memory_space<semaphore_mem>>) attributes {dimension_semantics = [#tpu.dimension_semantics<core_parallel>, #tpu.dimension_semantics<subcore_parallel>], iteration_bounds = array<i64: 2, 16>, scalar_prefetch = 0 : i64, scratch_operands = 7 : i64, tpu.core_type = #tpu.core_type<sc_vector_subcore>, window_params = [{transform_indices = #map}, {transform_indices = #map1}, {transform_indices = #map1}]} {
    %mul3A = arith.constant 2 : i32
    %mul3A_0 = arith.muli %arg1, %mul3A : i32
    %add3A = arith.addi %mul3A_0, %arg0 : i32
    %mul3A_1 = arith.constant 64 : i32
    %mul3A_2 = arith.muli %add3A, %mul3A_1 : i32
    "tpu.region"() ({
      %run_scoped3A = tpu.sem_alloc : memref<!tpu.dma_semaphore, #tpu.memory_space<semaphore_mem>>
      %dma_start3A_172 = tpu.memref_slice %arg2[%mul3A_2] : memref<2048xi32, #tpu.memory_space<hbm>> -> memref<64xi32, #tpu.memory_space<hbm>>
      %dma_start3A_173 = tpu.memref_slice %arg2[%mul3A_2] : memref<2048xi32, #tpu.memory_space<hbm>> -> memref<64xi32, #tpu.memory_space<hbm>>
      tpu.enqueue_dma source(%dma_start3A_173 : memref<64xi32, #tpu.memory_space<hbm>>) target(%arg5 : memref<64xi32, #tpu.memory_space<vmem>>) target_semaphore(%run_scoped3A : memref<!tpu.dma_semaphore, #tpu.memory_space<semaphore_mem>>)
      %dma_wait3A_174 = tpu.memref_slice %arg2[%mul3A_2] : memref<2048xi32, #tpu.memory_space<hbm>> -> memref<64xi32, #tpu.memory_space<hbm>>
      %dma_wait3A_175 = tpu.memref_slice %arg2[%mul3A_2] : memref<2048xi32, #tpu.memory_space<hbm>> -> memref<64xi32, #tpu.memory_space<hbm>>
      tpu.wait_dma2 semaphore(%run_scoped3A : memref<!tpu.dma_semaphore, #tpu.memory_space<semaphore_mem>>) src(%dma_wait3A_175 : memref<64xi32, #tpu.memory_space<hbm>>) dst(%arg5 : memref<64xi32, #tpu.memory_space<vmem>>)
      tpu.yield
    }) : () -> ()
    %dma_start3A = arith.constant 0 : i32
    %dma_start3A_3 = arith.constant 0 : i32
    %dma_start3A_4 = tpu.memref_slice %arg6[%dma_start3A, %dma_start3A_3] : memref<64x768xf32, #tpu.memory_space<vmem>> -> memref<16x768xf32, #tpu.memory_space<vmem>>
    %dma_start3A_5 = arith.constant 0 : i32
    %dma_start3A_6 = tpu.memref_slice %arg5[%dma_start3A_5] : memref<64xi32, #tpu.memory_space<vmem>> -> memref<16xi32, #tpu.memory_space<vmem>>
    %dma_start3A_7 = arith.constant 0 : i32
    %dma_start3A_8 = arith.constant 0 : i32
    %dma_start3A_9 = tpu.memref_slice %arg3[%dma_start3A_7, %dma_start3A_8] : memref<100000x768xf32, #tpu.memory_space<hbm>> -> memref<100000x768xf32, #tpu.memory_space<hbm>>
    tpu.enqueue_indirect_dma source(%dma_start3A_9 : memref<100000x768xf32, #tpu.memory_space<hbm>>) target(%dma_start3A_4 : memref<16x768xf32, #tpu.memory_space<vmem>>) offsets(%dma_start3A_6 : memref<16xi32, #tpu.memory_space<vmem>>) semaphore(%arg7 : memref<!tpu.dma_semaphore, #tpu.memory_space<semaphore_mem>>)
    %dma_start3A_10 = arith.constant 16 : i32
    %dma_start3A_11 = arith.constant 0 : i32
    %dma_start3A_12 = tpu.memref_slice %arg6[%dma_start3A_10, %dma_start3A_11] : memref<64x768xf32, #tpu.memory_space<vmem>> -> memref<16x768xf32, #tpu.memory_space<vmem>>
    %dma_start3A_13 = arith.constant 16 : i32
    %dma_start3A_14 = tpu.memref_slice %arg5[%dma_start3A_13] : memref<64xi32, #tpu.memory_space<vmem>> -> memref<16xi32, #tpu.memory_space<vmem>>
    %dma_start3A_15 = arith.constant 0 : i32
    %dma_start3A_16 = arith.constant 0 : i32
    %dma_start3A_17 = tpu.memref_slice %arg3[%dma_start3A_15, %dma_start3A_16] : memref<100000x768xf32, #tpu.memory_space<hbm>> -> memref<100000x768xf32, #tpu.memory_space<hbm>>
    tpu.enqueue_indirect_dma source(%dma_start3A_17 : memref<100000x768xf32, #tpu.memory_space<hbm>>) target(%dma_start3A_12 : memref<16x768xf32, #tpu.memory_space<vmem>>) offsets(%dma_start3A_14 : memref<16xi32, #tpu.memory_space<vmem>>) semaphore(%arg8 : memref<!tpu.dma_semaphore, #tpu.memory_space<semaphore_mem>>)
    %dma_start3A_18 = arith.constant 32 : i32
    %dma_start3A_19 = arith.constant 0 : i32
    %dma_start3A_20 = tpu.memref_slice %arg6[%dma_start3A_18, %dma_start3A_19] : memref<64x768xf32, #tpu.memory_space<vmem>> -> memref<16x768xf32, #tpu.memory_space<vmem>>
    %dma_start3A_21 = arith.constant 32 : i32
    %dma_start3A_22 = tpu.memref_slice %arg5[%dma_start3A_21] : memref<64xi32, #tpu.memory_space<vmem>> -> memref<16xi32, #tpu.memory_space<vmem>>
    %dma_start3A_23 = arith.constant 0 : i32
    %dma_start3A_24 = arith.constant 0 : i32
    %dma_start3A_25 = tpu.memref_slice %arg3[%dma_start3A_23, %dma_start3A_24] : memref<100000x768xf32, #tpu.memory_space<hbm>> -> memref<100000x768xf32, #tpu.memory_space<hbm>>
    tpu.enqueue_indirect_dma source(%dma_start3A_25 : memref<100000x768xf32, #tpu.memory_space<hbm>>) target(%dma_start3A_20 : memref<16x768xf32, #tpu.memory_space<vmem>>) offsets(%dma_start3A_22 : memref<16xi32, #tpu.memory_space<vmem>>) semaphore(%arg9 : memref<!tpu.dma_semaphore, #tpu.memory_space<semaphore_mem>>)
    %dma_start3A_26 = arith.constant 48 : i32
    %dma_start3A_27 = arith.constant 0 : i32
    %dma_start3A_28 = tpu.memref_slice %arg6[%dma_start3A_26, %dma_start3A_27] : memref<64x768xf32, #tpu.memory_space<vmem>> -> memref<16x768xf32, #tpu.memory_space<vmem>>
    %dma_start3A_29 = arith.constant 48 : i32
    %dma_start3A_30 = tpu.memref_slice %arg5[%dma_start3A_29] : memref<64xi32, #tpu.memory_space<vmem>> -> memref<16xi32, #tpu.memory_space<vmem>>
    %dma_start3A_31 = arith.constant 0 : i32
    %dma_start3A_32 = arith.constant 0 : i32
    %dma_start3A_33 = tpu.memref_slice %arg3[%dma_start3A_31, %dma_start3A_32] : memref<100000x768xf32, #tpu.memory_space<hbm>> -> memref<100000x768xf32, #tpu.memory_space<hbm>>
    tpu.enqueue_indirect_dma source(%dma_start3A_33 : memref<100000x768xf32, #tpu.memory_space<hbm>>) target(%dma_start3A_28 : memref<16x768xf32, #tpu.memory_space<vmem>>) offsets(%dma_start3A_30 : memref<16xi32, #tpu.memory_space<vmem>>) semaphore(%arg10 : memref<!tpu.dma_semaphore, #tpu.memory_space<semaphore_mem>>)
    %dma_wait3A = arith.constant 0 : i32
    %dma_wait3A_34 = arith.constant 0 : i32
    %dma_wait3A_35 = tpu.memref_slice %arg6[%dma_wait3A, %dma_wait3A_34] : memref<64x768xf32, #tpu.memory_space<vmem>> -> memref<16x768xf32, #tpu.memory_space<vmem>>
    %dma_wait3A_36 = arith.constant 0 : i32
    %dma_wait3A_37 = tpu.memref_slice %arg5[%dma_wait3A_36] : memref<64xi32, #tpu.memory_space<vmem>> -> memref<16xi32, #tpu.memory_space<vmem>>
    %dma_wait3A_38 = arith.constant 0 : i32
    %dma_wait3A_39 = arith.constant 0 : i32
    %dma_wait3A_40 = tpu.memref_slice %arg3[%dma_wait3A_38, %dma_wait3A_39] : memref<100000x768xf32, #tpu.memory_space<hbm>> -> memref<100000x768xf32, #tpu.memory_space<hbm>>
    tpu.wait_indirect_dma semaphore(%arg7 : memref<!tpu.dma_semaphore, #tpu.memory_space<semaphore_mem>>) src(%dma_wait3A_40 : memref<100000x768xf32, #tpu.memory_space<hbm>>) dst(%dma_wait3A_35 : memref<16x768xf32, #tpu.memory_space<vmem>>)
    %scan3A = arith.constant 0 : i32
    %scan3A_41 = arith.constant 16 : i32
    %scan3A_42 = arith.addi %scan3A, %scan3A_41 : i32
    %scan3A_43 = arith.constant 1 : i32
    scf.for %scan3A_172 = %scan3A to %scan3A_42 step %scan3A_43  : i32 {
      %get3A = arith.index_cast %scan3A_172 : i32 to index
      %get3A_173 = arith.constant 0 : index
      %get3A_174 = tpu.vector_load %arg6[%get3A, %get3A_173] {strides = array<i32>} : memref<64x768xf32, #tpu.memory_space<vmem>>, vector<1x16xf32>,
      %get3A_175 = vector.shape_cast %get3A_174 : vector<1x16xf32> to vector<16xf32>
      %mul3A_176 = arith.constant 8.000000e+00 : f32
      %mul3A_177 = vector.broadcast %mul3A_176 : f32 to vector<16xf32>
      %mul3A_178 = arith.mulf %get3A_175, %mul3A_177 : vector<16xf32>
      %swap3A = arith.index_cast %scan3A_172 : i32 to index
      %swap3A_179 = arith.constant 0 : index
      %swap3A_180 = tpu.vector_load %arg6[%swap3A, %swap3A_179] {strides = array<i32>} : memref<64x768xf32, #tpu.memory_space<vmem>>, vector<1x16xf32>,
      %swap3A_181 = vector.shape_cast %swap3A_180 : vector<1x16xf32> to vector<16xf32>
      %swap3A_182 = vector.shape_cast %mul3A_178 : vector<16xf32> to vector<1x16xf32>
      tpu.vector_store %arg6[%swap3A, %swap3A_179], %swap3A_182 {strides = array<i32>} : memref<64x768xf32, #tpu.memory_space<vmem>>, vector<1x16xf32>,
      %get3A_183 = arith.index_cast %scan3A_172 : i32 to index
      %get3A_184 = arith.constant 16 : index
      %get3A_185 = tpu.vector_load %arg6[%get3A_183, %get3A_184] {strides = array<i32>} : memref<64x768xf32, #tpu.memory_space<vmem>>, vector<1x16xf32>,
      %get3A_186 = vector.shape_cast %get3A_185 : vector<1x16xf32> to vector<16xf32>
      %mul3A_187 = arith.constant 8.000000e+00 : f32
      %mul3A_188 = vector.broadcast %mul3A_187 : f32 to vector<16xf32>
      %mul3A_189 = arith.mulf %get3A_186, %mul3A_188 : vector<16xf32>
      %swap3A_190 = arith.index_cast %scan3A_172 : i32 to index
      %swap3A_191 = arith.constant 16 : index
      %swap3A_192 = tpu.vector_load %arg6[%swap3A_190, %swap3A_191] {strides = array<i32>} : memref<64x768xf32, #tpu.memory_space<vmem>>, vector<1x16xf32>,
      %swap3A_193 = vector.shape_cast %swap3A_192 : vector<1x16xf32> to vector<16xf32>
      %swap3A_194 = vector.shape_cast %mul3A_189 : vector<16xf32> to vector<1x16xf32>
      tpu.vector_store %arg6[%swap3A_190, %swap3A_191], %swap3A_194 {strides = array<i32>} : memref<64x768xf32, #tpu.memory_space<vmem>>, vector<1x16xf32>,
      %get3A_195 = arith.index_cast %scan3A_172 : i32 to index
      %get3A_196 = arith.constant 32 : index
      %get3A_197 = tpu.vector_load %arg6[%get3A_195, %get3A_196] {strides = array<i32>} : memref<64x768xf32, #tpu.memory_space<vmem>>, vector<1x16xf32>,
      %get3A_198 = vector.shape_cast %get3A_197 : vector<1x16xf32> to vector<16xf32>
      %mul3A_199 = arith.constant 8.000000e+00 : f32
      %mul3A_200 = vector.broadcast %mul3A_199 : f32 to vector<16xf32>
      %mul3A_201 = arith.mulf %get3A_198, %mul3A_200 : vector<16xf32>
      %swap3A_202 = arith.index_cast %scan3A_172 : i32 to index
      %swap3A_203 = arith.constant 32 : index
      %swap3A_204 = tpu.vector_load %arg6[%swap3A_202, %swap3A_203] {strides = array<i32>} : memref<64x768xf32, #tpu.memory_space<vmem>>, vector<1x16xf32>,
      %swap3A_205 = vector.shape_cast %swap3A_204 : vector<1x16xf32> to vector<16xf32>
      %swap3A_206 = vector.shape_cast %mul3A_201 : vector<16xf32> to vector<1x16xf32>
      tpu.vector_store %arg6[%swap3A_202, %swap3A_203], %swap3A_206 {strides = array<i32>} : memref<64x768xf32, #tpu.memory_space<vmem>>, vector<1x16xf32>,
      %get3A_207 = arith.index_cast %scan3A_172 : i32 to index
      %get3A_208 = arith.constant 48 : index
      %get3A_209 = tpu.vector_load %arg6[%get3A_207, %get3A_208] {strides = array<i32>} : memref<64x768xf32, #tpu.memory_space<vmem>>, vector<1x16xf32>,
      %get3A_210 = vector.shape_cast %get3A_209 : vector<1x16xf32> to vector<16xf32>
      %mul3A_211 = arith.constant 8.000000e+00 : f32
      %mul3A_212 = vector.broadcast %mul3A_211 : f32 to vector<16xf32>
      %mul3A_213 = arith.mulf %get3A_210, %mul3A_212 : vector<16xf32>
      %swap3A_214 = arith.index_cast %scan3A_172 : i32 to index
      %swap3A_215 = arith.constant 48 : index
      %swap3A_216 = tpu.vector_load %arg6[%swap3A_214, %swap3A_215] {strides = array<i32>} : memref<64x768xf32, #tpu.memory_space<vmem>>, vector<1x16xf32>,
      %swap3A_217 = vector.shape_cast %swap3A_216 : vector<1x16xf32> to vector<16xf32>
      %swap3A_218 = vector.shape_cast %mul3A_213 : vector<16xf32> to vector<1x16xf32>
      tpu.vector_store %arg6[%swap3A_214, %swap3A_215], %swap3A_218 {strides = array<i32>} : memref<64x768xf32, #tpu.memory_space<vmem>>, vector<1x16xf32>,
      %get3A_219 = arith.index_cast %scan3A_172 : i32 to index
      %get3A_220 = arith.constant 64 : index
      %get3A_221 = tpu.vector_load %arg6[%get3A_219, %get3A_220] {strides = array<i32>} : memref<64x768xf32, #tpu.memory_space<vmem>>, vector<1x16xf32>,
      %get3A_222 = vector.shape_cast %get3A_221 : vector<1x16xf32> to vector<16xf32>
      %mul3A_223 = arith.constant 8.000000e+00 : f32
      %mul3A_224 = vector.broadcast %mul3A_223 : f32 to vector<16xf32>
      %mul3A_225 = arith.mulf %get3A_222, %mul3A_224 : vector<16xf32>
      %swap3A_226 = arith.index_cast %scan3A_172 : i32 to index
      %swap3A_227 = arith.constant 64 : index
      %swap3A_228 = tpu.vector_load %arg6[%swap3A_226, %swap3A_227] {strides = array<i32>} : memref<64x768xf32, #tpu.memory_space<vmem>>, vector<1x16xf32>,
      %swap3A_229 = vector.shape_cast %swap3A_228 : vector<1x16xf32> to vector<16xf32>
      %swap3A_230 = vector.shape_cast %mul3A_225 : vector<16xf32> to vector<1x16xf32>
      tpu.vector_store %arg6[%swap3A_226, %swap3A_227], %swap3A_230 {strides = array<i32>} : memref<64x768xf32, #tpu.memory_space<vmem>>, vector<1x16xf32>,
      %get3A_231 = arith.index_cast %scan3A_172 : i32 to index
      %get3A_232 = arith.constant 80 : index
      %get3A_233 = tpu.vector_load %arg6[%get3A_231, %get3A_232] {strides = array<i32>} : memref<64x768xf32, #tpu.memory_space<vmem>>, vector<1x16xf32>,
      %get3A_234 = vector.shape_cast %get3A_233 : vector<1x16xf32> to vector<16xf32>
      %mul3A_235 = arith.constant 8.000000e+00 : f32
      %mul3A_236 = vector.broadcast %mul3A_235 : f32 to vector<16xf32>
      %mul3A_237 = arith.mulf %get3A_234, %mul3A_236 : vector<16xf32>
      %swap3A_238 = arith.index_cast %scan3A_172 : i32 to index
      %swap3A_239 = arith.constant 80 : index
      %swap3A_240 = tpu.vector_load %arg6[%swap3A_238, %swap3A_239] {strides = array<i32>} : memref<64x768xf32, #tpu.memory_space<vmem>>, vector<1x16xf32>,
      %swap3A_241 = vector.shape_cast %swap3A_240 : vector<1x16xf32> to vector<16xf32>
      %swap3A_242 = vector.shape_cast %mul3A_237 : vector<16xf32> to vector<1x16xf32>
      tpu.vector_store %arg6[%swap3A_238, %swap3A_239], %swap3A_242 {strides = array<i32>} : memref<64x768xf32, #tpu.memory_space<vmem>>, vector<1x16xf32>,
      %get3A_243 = arith.index_cast %scan3A_172 : i32 to index
      %get3A_244 = arith.constant 96 : index
      %get3A_245 = tpu.vector_load %arg6[%get3A_243, %get3A_244] {strides = array<i32>} : memref<64x768xf32, #tpu.memory_space<vmem>>, vector<1x16xf32>,
      %get3A_246 = vector.shape_cast %get3A_245 : vector<1x16xf32> to vector<16xf32>
      %mul3A_247 = arith.constant 8.000000e+00 : f32
      %mul3A_248 = vector.broadcast %mul3A_247 : f32 to vector<16xf32>
      %mul3A_249 = arith.mulf %get3A_246, %mul3A_248 : vector<16xf32>
      %swap3A_250 = arith.index_cast %scan3A_172 : i32 to index
      %swap3A_251 = arith.constant 96 : index
      %swap3A_252 = tpu.vector_load %arg6[%swap3A_250, %swap3A_251] {strides = array<i32>} : memref<64x768xf32, #tpu.memory_space<vmem>>, vector<1x16xf32>,
      %swap3A_253 = vector.shape_cast %swap3A_252 : vector<1x16xf32> to vector<16xf32>
      %swap3A_254 = vector.shape_cast %mul3A_249 : vector<16xf32> to vector<1x16xf32>
      tpu.vector_store %arg6[%swap3A_250, %swap3A_251], %swap3A_254 {strides = array<i32>} : memref<64x768xf32, #tpu.memory_space<vmem>>, vector<1x16xf32>,
      %get3A_255 = arith.index_cast %scan3A_172 : i32 to index
      %get3A_256 = arith.constant 112 : index
      %get3A_257 = tpu.vector_load %arg6[%get3A_255, %get3A_256] {strides = array<i32>} : memref<64x768xf32, #tpu.memory_space<vmem>>, vector<1x16xf32>,
      %get3A_258 = vector.shape_cast %get3A_257 : vector<1x16xf32> to vector<16xf32>
      %mul3A_259 = arith.constant 8.000000e+00 : f32
      %mul3A_260 = vector.broadcast %mul3A_259 : f32 to vector<16xf32>
      %mul3A_261 = arith.mulf %get3A_258, %mul3A_260 : vector<16xf32>
      %swap3A_262 = arith.index_cast %scan3A_172 : i32 to index
      %swap3A_263 = arith.constant 112 : index
      %swap3A_264 = tpu.vector_load %arg6[%swap3A_262, %swap3A_263] {strides = array<i32>} : memref<64x768xf32, #tpu.memory_space<vmem>>, vector<1x16xf32>,
      %swap3A_265 = vector.shape_cast %swap3A_264 : vector<1x16xf32> to vector<16xf32>
      %swap3A_266 = vector.shape_cast %mul3A_261 : vector<16xf32> to vector<1x16xf32>
      tpu.vector_store %arg6[%swap3A_262, %swap3A_263], %swap3A_266 {strides = array<i32>} : memref<64x768xf32, #tpu.memory_space<vmem>>, vector<1x16xf32>,
      %get3A_267 = arith.index_cast %scan3A_172 : i32 to index
      %get3A_268 = arith.constant 128 : index
      %get3A_269 = tpu.vector_load %arg6[%get3A_267, %get3A_268] {strides = array<i32>} : memref<64x768xf32, #tpu.memory_space<vmem>>, vector<1x16xf32>,
      %get3A_270 = vector.shape_cast %get3A_269 : vector<1x16xf32> to vector<16xf32>
      %mul3A_271 = arith.constant 8.000000e+00 : f32
      %mul3A_272 = vector.broadcast %mul3A_271 : f32 to vector<16xf32>
      %mul3A_273 = arith.mulf %get3A_270, %mul3A_272 : vector<16xf32>
      %swap3A_274 = arith.index_cast %scan3A_172 : i32 to index
      %swap3A_275 = arith.constant 128 : index
      %swap3A_276 = tpu.vector_load %arg6[%swap3A_274, %swap3A_275] {strides = array<i32>} : memref<64x768xf32, #tpu.memory_space<vmem>>, vector<1x16xf32>,
      %swap3A_277 = vector.shape_cast %swap3A_276 : vector<1x16xf32> to vector<16xf32>
      %swap3A_278 = vector.shape_cast %mul3A_273 : vector<16xf32> to vector<1x16xf32>
      tpu.vector_store %arg6[%swap3A_274, %swap3A_275], %swap3A_278 {strides = array<i32>} : memref<64x768xf32, #tpu.memory_space<vmem>>, vector<1x16xf32>,
      %get3A_279 = arith.index_cast %scan3A_172 : i32 to index
      %get3A_280 = arith.constant 144 : index
      %get3A_281 = tpu.vector_load %arg6[%get3A_279, %get3A_280] {strides = array<i32>} : memref<64x768xf32, #tpu.memory_space<vmem>>, vector<1x16xf32>,
      %get3A_282 = vector.shape_cast %get3A_281 : vector<1x16xf32> to vector<16xf32>
      %mul3A_283 = arith.constant 8.000000e+00 : f32
      %mul3A_284 = vector.broadcast %mul3A_283 : f32 to vector<16xf32>
      %mul3A_285 = arith.mulf %get3A_282, %mul3A_284 : vector<16xf32>
      %swap3A_286 = arith.index_cast %scan3A_172 : i32 to index
      %swap3A_287 = arith.constant 144 : index
      %swap3A_288 = tpu.vector_load %arg6[%swap3A_286, %swap3A_287] {strides = array<i32>} : memref<64x768xf32, #tpu.memory_space<vmem>>, vector<1x16xf32>,
      %swap3A_289 = vector.shape_cast %swap3A_288 : vector<1x16xf32> to vector<16xf32>
      %swap3A_290 = vector.shape_cast %mul3A_285 : vector<16xf32> to vector<1x16xf32>
      tpu.vector_store %arg6[%swap3A_286, %swap3A_287], %swap3A_290 {strides = array<i32>} : memref<64x768xf32, #tpu.memory_space<vmem>>, vector<1x16xf32>,
      %get3A_291 = arith.index_cast %scan3A_172 : i32 to index
      %get3A_292 = arith.constant 160 : index
      %get3A_293 = tpu.vector_load %arg6[%get3A_291, %get3A_292] {strides = array<i32>} : memref<64x768xf32, #tpu.memory_space<vmem>>, vector<1x16xf32>,
      %get3A_294 = vector.shape_cast %get3A_293 : vector<1x16xf32> to vector<16xf32>
      %mul3A_295 = arith.constant 8.000000e+00 : f32
      %mul3A_296 = vector.broadcast %mul3A_295 : f32 to vector<16xf32>
      %mul3A_297 = arith.mulf %get3A_294, %mul3A_296 : vector<16xf32>
      %swap3A_298 = arith.index_cast %scan3A_172 : i32 to index
      %swap3A_299 = arith.constant 160 : index
      %swap3A_300 = tpu.vector_load %arg6[%swap3A_298, %swap3A_299] {strides = array<i32>} : memref<64x768xf32, #tpu.memory_space<vmem>>, vector<1x16xf32>,
      %swap3A_301 = vector.shape_cast %swap3A_300 : vector<1x16xf32> to vector<16xf32>
      %swap3A_302 = vector.shape_cast %mul3A_297 : vector<16xf32> to vector<1x16xf32>
      tpu.vector_store %arg6[%swap3A_298, %swap3A_299], %swap3A_302 {strides = array<i32>} : memref<64x768xf32, #tpu.memory_space<vmem>>, vector<1x16xf32>,
      %get3A_303 = arith.index_cast %scan3A_172 : i32 to index
      %get3A_304 = arith.constant 176 : index
      %get3A_305 = tpu.vector_load %arg6[%get3A_303, %get3A_304] {strides = array<i32>} : memref<64x768xf32, #tpu.memory_space<vmem>>, vector<1x16xf32>,
      %get3A_306 = vector.shape_cast %get3A_305 : vector<1x16xf32> to vector<16xf32>
      %mul3A_307 = arith.constant 8.000000e+00 : f32
      %mul3A_308 = vector.broadcast %mul3A_307 : f32 to vector<16xf32>
      %mul3A_309 = arith.mulf %get3A_306, %mul3A_308 : vector<16xf32>
      %swap3A_310 = arith.index_cast %scan3A_172 : i32 to index
      %swap3A_311 = arith.constant 176 : index
      %swap3A_312 = tpu.vector_load %arg6[%swap3A_310, %swap3A_311] {strides = array<i32>} : memref<64x768xf32, #tpu.memory_space<vmem>>, vector<1x16xf32>,
      %swap3A_313 = vector.shape_cast %swap3A_312 : vector<1x16xf32> to vector<16xf32>
      %swap3A_314 = vector.shape_cast %mul3A_309 : vector<16xf32> to vector<1x16xf32>
      tpu.vector_store %arg6[%swap3A_310, %swap3A_311], %swap3A_314 {strides = array<i32>} : memref<64x768xf32, #tpu.memory_space<vmem>>, vector<1x16xf32>,
      %get3A_315 = arith.index_cast %scan3A_172 : i32 to index
      %get3A_316 = arith.constant 192 : index
      %get3A_317 = tpu.vector_load %arg6[%get3A_315, %get3A_316] {strides = array<i32>} : memref<64x768xf32, #tpu.memory_space<vmem>>, vector<1x16xf32>,
      %get3A_318 = vector.shape_cast %get3A_317 : vector<1x16xf32> to vector<16xf32>
      %mul3A_319 = arith.constant 8.000000e+00 : f32
      %mul3A_320 = vector.broadcast %mul3A_319 : f32 to vector<16xf32>
      %mul3A_321 = arith.mulf %get3A_318, %mul3A_320 : vector<16xf32>
      %swap3A_322 = arith.index_cast %scan3A_172 : i32 to index
      %swap3A_323 = arith.constant 192 : index
      %swap3A_324 = tpu.vector_load %arg6[%swap3A_322, %swap3A_323] {strides = array<i32>} : memref<64x768xf32, #tpu.memory_space<vmem>>, vector<1x16xf32>,
      %swap3A_325 = vector.shape_cast %swap3A_324 : vector<1x16xf32> to vector<16xf32>
      %swap3A_326 = vector.shape_cast %mul3A_321 : vector<16xf32> to vector<1x16xf32>
      tpu.vector_store %arg6[%swap3A_322, %swap3A_323], %swap3A_326 {strides = array<i32>} : memref<64x768xf32, #tpu.memory_space<vmem>>, vector<1x16xf32>,
      %get3A_327 = arith.index_cast %scan3A_172 : i32 to index
      %get3A_328 = arith.constant 208 : index
      %get3A_329 = tpu.vector_load %arg6[%get3A_327, %get3A_328] {strides = array<i32>} : memref<64x768xf32, #tpu.memory_space<vmem>>, vector<1x16xf32>,
      %get3A_330 = vector.shape_cast %get3A_329 : vector<1x16xf32> to vector<16xf32>
      %mul3A_331 = arith.constant 8.000000e+00 : f32
      %mul3A_332 = vector.broadcast %mul3A_331 : f32 to vector<16xf32>
      %mul3A_333 = arith.mulf %get3A_330, %mul3A_332 : vector<16xf32>
      %swap3A_334 = arith.index_cast %scan3A_172 : i32 to index
      %swap3A_335 = arith.constant 208 : index
      %swap3A_336 = tpu.vector_load %arg6[%swap3A_334, %swap3A_335] {strides = array<i32>} : memref<64x768xf32, #tpu.memory_space<vmem>>, vector<1x16xf32>,
      %swap3A_337 = vector.shape_cast %swap3A_336 : vector<1x16xf32> to vector<16xf32>
      %swap3A_338 = vector.shape_cast %mul3A_333 : vector<16xf32> to vector<1x16xf32>
      tpu.vector_store %arg6[%swap3A_334, %swap3A_335], %swap3A_338 {strides = array<i32>} : memref<64x768xf32, #tpu.memory_space<vmem>>, vector<1x16xf32>,
      %get3A_339 = arith.index_cast %scan3A_172 : i32 to index
      %get3A_340 = arith.constant 224 : index
      %get3A_341 = tpu.vector_load %arg6[%get3A_339, %get3A_340] {strides = array<i32>} : memref<64x768xf32, #tpu.memory_space<vmem>>, vector<1x16xf32>,
      %get3A_342 = vector.shape_cast %get3A_341 : vector<1x16xf32> to vector<16xf32>
      %mul3A_343 = arith.constant 8.000000e+00 : f32
      %mul3A_344 = vector.broadcast %mul3A_343 : f32 to vector<16xf32>
      %mul3A_345 = arith.mulf %get3A_342, %mul3A_344 : vector<16xf32>
      %swap3A_346 = arith.index_cast %scan3A_172 : i32 to index
      %swap3A_347 = arith.constant 224 : index
      %swap3A_348 = tpu.vector_load %arg6[%swap3A_346, %swap3A_347] {strides = array<i32>} : memref<64x768xf32, #tpu.memory_space<vmem>>, vector<1x16xf32>,
      %swap3A_349 = vector.shape_cast %swap3A_348 : vector<1x16xf32> to vector<16xf32>
      %swap3A_350 = vector.shape_cast %mul3A_345 : vector<16xf32> to vector<1x16xf32>
      tpu.vector_store %arg6[%swap3A_346, %swap3A_347], %swap3A_350 {strides = array<i32>} : memref<64x768xf32, #tpu.memory_space<vmem>>, vector<1x16xf32>,
      %get3A_351 = arith.index_cast %scan3A_172 : i32 to index
      %get3A_352 = arith.constant 240 : index
      %get3A_353 = tpu.vector_load %arg6[%get3A_351, %get3A_352] {strides = array<i32>} : memref<64x768xf32, #tpu.memory_space<vmem>>, vector<1x16xf32>,
      %get3A_354 = vector.shape_cast %get3A_353 : vector<1x16xf32> to vector<16xf32>
      %mul3A_355 = arith.constant 8.000000e+00 : f32
      %mul3A_356 = vector.broadcast %mul3A_355 : f32 to vector<16xf32>
      %mul3A_357 = arith.mulf %get3A_354, %mul3A_356 : vector<16xf32>
      %swap3A_358 = arith.index_cast %scan3A_172 : i32 to index
      %swap3A_359 = arith.constant 240 : index
      %swap3A_360 = tpu.vector_load %arg6[%swap3A_358, %swap3A_359] {strides = array<i32>} : memref<64x768xf32, #tpu.memory_space<vmem>>, vector<1x16xf32>,
      %swap3A_361 = vector.shape_cast %swap3A_360 : vector<1x16xf32> to vector<16xf32>
      %swap3A_362 = vector.shape_cast %mul3A_357 : vector<16xf32> to vector<1x16xf32>
      tpu.vector_store %arg6[%swap3A_358, %swap3A_359], %swap3A_362 {strides = array<i32>} : memref<64x768xf32, #tpu.memory_space<vmem>>, vector<1x16xf32>,
      %get3A_363 = arith.index_cast %scan3A_172 : i32 to index
      %get3A_364 = arith.constant 256 : index
      %get3A_365 = tpu.vector_load %arg6[%get3A_363, %get3A_364] {strides = array<i32>} : memref<64x768xf32, #tpu.memory_space<vmem>>, vector<1x16xf32>,
      %get3A_366 = vector.shape_cast %get3A_365 : vector<1x16xf32> to vector<16xf32>
      %mul3A_367 = arith.constant 8.000000e+00 : f32
      %mul3A_368 = vector.broadcast %mul3A_367 : f32 to vector<16xf32>
      %mul3A_369 = arith.mulf %get3A_366, %mul3A_368 : vector<16xf32>
      %swap3A_370 = arith.index_cast %scan3A_172 : i32 to index
      %swap3A_371 = arith.constant 256 : index
      %swap3A_372 = tpu.vector_load %arg6[%swap3A_370, %swap3A_371] {strides = array<i32>} : memref<64x768xf32, #tpu.memory_space<vmem>>, vector<1x16xf32>,
      %swap3A_373 = vector.shape_cast %swap3A_372 : vector<1x16xf32> to vector<16xf32>
      %swap3A_374 = vector.shape_cast %mul3A_369 : vector<16xf32> to vector<1x16xf32>
      tpu.vector_store %arg6[%swap3A_370, %swap3A_371], %swap3A_374 {strides = array<i32>} : memref<64x768xf32, #tpu.memory_space<vmem>>, vector<1x16xf32>,
      %get3A_375 = arith.index_cast %scan3A_172 : i32 to index
      %get3A_376 = arith.constant 272 : index
      %get3A_377 = tpu.vector_load %arg6[%get3A_375, %get3A_376] {strides = array<i32>} : memref<64x768xf32, #tpu.memory_space<vmem>>, vector<1x16xf32>,
      %get3A_378 = vector.shape_cast %get3A_377 : vector<1x16xf32> to vector<16xf32>
      %mul3A_379 = arith.constant 8.000000e+00 : f32
      %mul3A_380 = vector.broadcast %mul3A_379 : f32 to vector<16xf32>
      %mul3A_381 = arith.mulf %get3A_378, %mul3A_380 : vector<16xf32>
      %swap3A_382 = arith.index_cast %scan3A_172 : i32 to index
      %swap3A_383 = arith.constant 272 : index
      %swap3A_384 = tpu.vector_load %arg6[%swap3A_382, %swap3A_383] {strides = array<i32>} : memref<64x768xf32, #tpu.memory_space<vmem>>, vector<1x16xf32>,
      %swap3A_385 = vector.shape_cast %swap3A_384 : vector<1x16xf32> to vector<16xf32>
      %swap3A_386 = vector.shape_cast %mul3A_381 : vector<16xf32> to vector<1x16xf32>
      tpu.vector_store %arg6[%swap3A_382, %swap3A_383], %swap3A_386 {strides = array<i32>} : memref<64x768xf32, #tpu.memory_space<vmem>>, vector<1x16xf32>,
      %get3A_387 = arith.index_cast %scan3A_172 : i32 to index
      %get3A_388 = arith.constant 288 : index
      %get3A_389 = tpu.vector_load %arg6[%get3A_387, %get3A_388] {strides = array<i32>} : memref<64x768xf32, #tpu.memory_space<vmem>>, vector<1x16xf32>,
      %get3A_390 = vector.shape_cast %get3A_389 : vector<1x16xf32> to vector<16xf32>
      %mul3A_391 = arith.constant 8.000000e+00 : f32
      %mul3A_392 = vector.broadcast %mul3A_391 : f32 to vector<16xf32>
      %mul3A_393 = arith.mulf %get3A_390, %mul3A_392 : vector<16xf32>
      %swap3A_394 = arith.index_cast %scan3A_172 : i32 to index
      %swap3A_395 = arith.constant 288 : index
      %swap3A_396 = tpu.vector_load %arg6[%swap3A_394, %swap3A_395] {strides = array<i32>} : memref<64x768xf32, #tpu.memory_space<vmem>>, vector<1x16xf32>,
      %swap3A_397 = vector.shape_cast %swap3A_396 : vector<1x16xf32> to vector<16xf32>
      %swap3A_398 = vector.shape_cast %mul3A_393 : vector<16xf32> to vector<1x16xf32>
      tpu.vector_store %arg6[%swap3A_394, %swap3A_395], %swap3A_398 {strides = array<i32>} : memref<64x768xf32, #tpu.memory_space<vmem>>, vector<1x16xf32>,
      %get3A_399 = arith.index_cast %scan3A_172 : i32 to index
      %get3A_400 = arith.constant 304 : index
      %get3A_401 = tpu.vector_load %arg6[%get3A_399, %get3A_400] {strides = array<i32>} : memref<64x768xf32, #tpu.memory_space<vmem>>, vector<1x16xf32>,
      %get3A_402 = vector.shape_cast %get3A_401 : vector<1x16xf32> to vector<16xf32>
      %mul3A_403 = arith.constant 8.000000e+00 : f32
      %mul3A_404 = vector.broadcast %mul3A_403 : f32 to vector<16xf32>
      %mul3A_405 = arith.mulf %get3A_402, %mul3A_404 : vector<16xf32>
      %swap3A_406 = arith.index_cast %scan3A_172 : i32 to index
      %swap3A_407 = arith.constant 304 : index
      %swap3A_408 = tpu.vector_load %arg6[%swap3A_406, %swap3A_407] {strides = array<i32>} : memref<64x768xf32, #tpu.memory_space<vmem>>, vector<1x16xf32>,
      %swap3A_409 = vector.shape_cast %swap3A_408 : vector<1x16xf32> to vector<16xf32>
      %swap3A_410 = vector.shape_cast %mul3A_405 : vector<16xf32> to vector<1x16xf32>
      tpu.vector_store %arg6[%swap3A_406, %swap3A_407], %swap3A_410 {strides = array<i32>} : memref<64x768xf32, #tpu.memory_space<vmem>>, vector<1x16xf32>,
      %get3A_411 = arith.index_cast %scan3A_172 : i32 to index
      %get3A_412 = arith.constant 320 : index
      %get3A_413 = tpu.vector_load %arg6[%get3A_411, %get3A_412] {strides = array<i32>} : memref<64x768xf32, #tpu.memory_space<vmem>>, vector<1x16xf32>,
      %get3A_414 = vector.shape_cast %get3A_413 : vector<1x16xf32> to vector<16xf32>
      %mul3A_415 = arith.constant 8.000000e+00 : f32
      %mul3A_416 = vector.broadcast %mul3A_415 : f32 to vector<16xf32>
      %mul3A_417 = arith.mulf %get3A_414, %mul3A_416 : vector<16xf32>
      %swap3A_418 = arith.index_cast %scan3A_172 : i32 to index
      %swap3A_419 = arith.constant 320 : index
      %swap3A_420 = tpu.vector_load %arg6[%swap3A_418, %swap3A_419] {strides = array<i32>} : memref<64x768xf32, #tpu.memory_space<vmem>>, vector<1x16xf32>,
      %swap3A_421 = vector.shape_cast %swap3A_420 : vector<1x16xf32> to vector<16xf32>
      %swap3A_422 = vector.shape_cast %mul3A_417 : vector<16xf32> to vector<1x16xf32>
      tpu.vector_store %arg6[%swap3A_418, %swap3A_419], %swap3A_422 {strides = array<i32>} : memref<64x768xf32, #tpu.memory_space<vmem>>, vector<1x16xf32>,
      %get3A_423 = arith.index_cast %scan3A_172 : i32 to index
      %get3A_424 = arith.constant 336 : index
      %get3A_425 = tpu.vector_load %arg6[%get3A_423, %get3A_424] {strides = array<i32>} : memref<64x768xf32, #tpu.memory_space<vmem>>, vector<1x16xf32>,
      %get3A_426 = vector.shape_cast %get3A_425 : vector<1x16xf32> to vector<16xf32>
      %mul3A_427 = arith.constant 8.000000e+00 : f32
      %mul3A_428 = vector.broadcast %mul3A_427 : f32 to vector<16xf32>
      %mul3A_429 = arith.mulf %get3A_426, %mul3A_428 : vector<16xf32>
      %swap3A_430 = arith.index_cast %scan3A_172 : i32 to index
      %swap3A_431 = arith.constant 336 : index
      %swap3A_432 = tpu.vector_load %arg6[%swap3A_430, %swap3A_431] {strides = array<i32>} : memref<64x768xf32, #tpu.memory_space<vmem>>, vector<1x16xf32>,
      %swap3A_433 = vector.shape_cast %swap3A_432 : vector<1x16xf32> to vector<16xf32>
      %swap3A_434 = vector.shape_cast %mul3A_429 : vector<16xf32> to vector<1x16xf32>
      tpu.vector_store %arg6[%swap3A_430, %swap3A_431], %swap3A_434 {strides = array<i32>} : memref<64x768xf32, #tpu.memory_space<vmem>>, vector<1x16xf32>,
      %get3A_435 = arith.index_cast %scan3A_172 : i32 to index
      %get3A_436 = arith.constant 352 : index
      %get3A_437 = tpu.vector_load %arg6[%get3A_435, %get3A_436] {strides = array<i32>} : memref<64x768xf32, #tpu.memory_space<vmem>>, vector<1x16xf32>,
      %get3A_438 = vector.shape_cast %get3A_437 : vector<1x16xf32> to vector<16xf32>
      %mul3A_439 = arith.constant 8.000000e+00 : f32
      %mul3A_440 = vector.broadcast %mul3A_439 : f32 to vector<16xf32>
      %mul3A_441 = arith.mulf %get3A_438, %mul3A_440 : vector<16xf32>
      %swap3A_442 = arith.index_cast %scan3A_172 : i32 to index
      %swap3A_443 = arith.constant 352 : index
      %swap3A_444 = tpu.vector_load %arg6[%swap3A_442, %swap3A_443] {strides = array<i32>} : memref<64x768xf32, #tpu.memory_space<vmem>>, vector<1x16xf32>,
      %swap3A_445 = vector.shape_cast %swap3A_444 : vector<1x16xf32> to vector<16xf32>
      %swap3A_446 = vector.shape_cast %mul3A_441 : vector<16xf32> to vector<1x16xf32>
      tpu.vector_store %arg6[%swap3A_442, %swap3A_443], %swap3A_446 {strides = array<i32>} : memref<64x768xf32, #tpu.memory_space<vmem>>, vector<1x16xf32>,
      %get3A_447 = arith.index_cast %scan3A_172 : i32 to index
      %get3A_448 = arith.constant 368 : index
      %get3A_449 = tpu.vector_load %arg6[%get3A_447, %get3A_448] {strides = array<i32>} : memref<64x768xf32, #tpu.memory_space<vmem>>, vector<1x16xf32>,
      %get3A_450 = vector.shape_cast %get3A_449 : vector<1x16xf32> to vector<16xf32>
      %mul3A_451 = arith.constant 8.000000e+00 : f32
      %mul3A_452 = vector.broadcast %mul3A_451 : f32 to vector<16xf32>
      %mul3A_453 = arith.mulf %get3A_450, %mul3A_452 : vector<16xf32>
      %swap3A_454 = arith.index_cast %scan3A_172 : i32 to index
      %swap3A_455 = arith.constant 368 : index
      %swap3A_456 = tpu.vector_load %arg6[%swap3A_454, %swap3A_455] {strides = array<i32>} : memref<64x768xf32, #tpu.memory_space<vmem>>, vector<1x16xf32>,
      %swap3A_457 = vector.shape_cast %swap3A_456 : vector<1x16xf32> to vector<16xf32>
      %swap3A_458 = vector.shape_cast %mul3A_453 : vector<16xf32> to vector<1x16xf32>
      tpu.vector_store %arg6[%swap3A_454, %swap3A_455], %swap3A_458 {strides = array<i32>} : memref<64x768xf32, #tpu.memory_space<vmem>>, vector<1x16xf32>,
      %get3A_459 = arith.index_cast %scan3A_172 : i32 to index
      %get3A_460 = arith.constant 384 : index
      %get3A_461 = tpu.vector_load %arg6[%get3A_459, %get3A_460] {strides = array<i32>} : memref<64x768xf32, #tpu.memory_space<vmem>>, vector<1x16xf32>,
      %get3A_462 = vector.shape_cast %get3A_461 : vector<1x16xf32> to vector<16xf32>
      %mul3A_463 = arith.constant 8.000000e+00 : f32
      %mul3A_464 = vector.broadcast %mul3A_463 : f32 to vector<16xf32>
      %mul3A_465 = arith.mulf %get3A_462, %mul3A_464 : vector<16xf32>
      %swap3A_466 = arith.index_cast %scan3A_172 : i32 to index
      %swap3A_467 = arith.constant 384 : index
      %swap3A_468 = tpu.vector_load %arg6[%swap3A_466, %swap3A_467] {strides = array<i32>} : memref<64x768xf32, #tpu.memory_space<vmem>>, vector<1x16xf32>,
      %swap3A_469 = vector.shape_cast %swap3A_468 : vector<1x16xf32> to vector<16xf32>
      %swap3A_470 = vector.shape_cast %mul3A_465 : vector<16xf32> to vector<1x16xf32>
      tpu.vector_store %arg6[%swap3A_466, %swap3A_467], %swap3A_470 {strides = array<i32>} : memref<64x768xf32, #tpu.memory_space<vmem>>, vector<1x16xf32>,
      %get3A_471 = arith.index_cast %scan3A_172 : i32 to index
      %get3A_472 = arith.constant 400 : index
      %get3A_473 = tpu.vector_load %arg6[%get3A_471, %get3A_472] {strides = array<i32>} : memref<64x768xf32, #tpu.memory_space<vmem>>, vector<1x16xf32>,
      %get3A_474 = vector.shape_cast %get3A_473 : vector<1x16xf32> to vector<16xf32>
      %mul3A_475 = arith.constant 8.000000e+00 : f32
      %mul3A_476 = vector.broadcast %mul3A_475 : f32 to vector<16xf32>
      %mul3A_477 = arith.mulf %get3A_474, %mul3A_476 : vector<16xf32>
      %swap3A_478 = arith.index_cast %scan3A_172 : i32 to index
      %swap3A_479 = arith.constant 400 : index
      %swap3A_480 = tpu.vector_load %arg6[%swap3A_478, %swap3A_479] {strides = array<i32>} : memref<64x768xf32, #tpu.memory_space<vmem>>, vector<1x16xf32>,
      %swap3A_481 = vector.shape_cast %swap3A_480 : vector<1x16xf32> to vector<16xf32>
      %swap3A_482 = vector.shape_cast %mul3A_477 : vector<16xf32> to vector<1x16xf32>
      tpu.vector_store %arg6[%swap3A_478, %swap3A_479], %swap3A_482 {strides = array<i32>} : memref<64x768xf32, #tpu.memory_space<vmem>>, vector<1x16xf32>,
      %get3A_483 = arith.index_cast %scan3A_172 : i32 to index
      %get3A_484 = arith.constant 416 : index
      %get3A_485 = tpu.vector_load %arg6[%get3A_483, %get3A_484] {strides = array<i32>} : memref<64x768xf32, #tpu.memory_space<vmem>>, vector<1x16xf32>,
      %get3A_486 = vector.shape_cast %get3A_485 : vector<1x16xf32> to vector<16xf32>
      %mul3A_487 = arith.constant 8.000000e+00 : f32
      %mul3A_488 = vector.broadcast %mul3A_487 : f32 to vector<16xf32>
      %mul3A_489 = arith.mulf %get3A_486, %mul3A_488 : vector<16xf32>
      %swap3A_490 = arith.index_cast %scan3A_172 : i32 to index
      %swap3A_491 = arith.constant 416 : index
      %swap3A_492 = tpu.vector_load %arg6[%swap3A_490, %swap3A_491] {strides = array<i32>} : memref<64x768xf32, #tpu.memory_space<vmem>>, vector<1x16xf32>,
      %swap3A_493 = vector.shape_cast %swap3A_492 : vector<1x16xf32> to vector<16xf32>
      %swap3A_494 = vector.shape_cast %mul3A_489 : vector<16xf32> to vector<1x16xf32>
      tpu.vector_store %arg6[%swap3A_490, %swap3A_491], %swap3A_494 {strides = array<i32>} : memref<64x768xf32, #tpu.memory_space<vmem>>, vector<1x16xf32>,
      %get3A_495 = arith.index_cast %scan3A_172 : i32 to index
      %get3A_496 = arith.constant 432 : index
      %get3A_497 = tpu.vector_load %arg6[%get3A_495, %get3A_496] {strides = array<i32>} : memref<64x768xf32, #tpu.memory_space<vmem>>, vector<1x16xf32>,
      %get3A_498 = vector.shape_cast %get3A_497 : vector<1x16xf32> to vector<16xf32>
      %mul3A_499 = arith.constant 8.000000e+00 : f32
      %mul3A_500 = vector.broadcast %mul3A_499 : f32 to vector<16xf32>
      %mul3A_501 = arith.mulf %get3A_498, %mul3A_500 : vector<16xf32>
      %swap3A_502 = arith.index_cast %scan3A_172 : i32 to index
      %swap3A_503 = arith.constant 432 : index
      %swap3A_504 = tpu.vector_load %arg6[%swap3A_502, %swap3A_503] {strides = array<i32>} : memref<64x768xf32, #tpu.memory_space<vmem>>, vector<1x16xf32>,
      %swap3A_505 = vector.shape_cast %swap3A_504 : vector<1x16xf32> to vector<16xf32>
      %swap3A_506 = vector.shape_cast %mul3A_501 : vector<16xf32> to vector<1x16xf32>
      tpu.vector_store %arg6[%swap3A_502, %swap3A_503], %swap3A_506 {strides = array<i32>} : memref<64x768xf32, #tpu.memory_space<vmem>>, vector<1x16xf32>,
      %get3A_507 = arith.index_cast %scan3A_172 : i32 to index
      %get3A_508 = arith.constant 448 : index
      %get3A_509 = tpu.vector_load %arg6[%get3A_507, %get3A_508] {strides = array<i32>} : memref<64x768xf32, #tpu.memory_space<vmem>>, vector<1x16xf32>,
      %get3A_510 = vector.shape_cast %get3A_509 : vector<1x16xf32> to vector<16xf32>
      %mul3A_511 = arith.constant 8.000000e+00 : f32
      %mul3A_512 = vector.broadcast %mul3A_511 : f32 to vector<16xf32>
      %mul3A_513 = arith.mulf %get3A_510, %mul3A_512 : vector<16xf32>
      %swap3A_514 = arith.index_cast %scan3A_172 : i32 to index
      %swap3A_515 = arith.constant 448 : index
      %swap3A_516 = tpu.vector_load %arg6[%swap3A_514, %swap3A_515] {strides = array<i32>} : memref<64x768xf32, #tpu.memory_space<vmem>>, vector<1x16xf32>,
      %swap3A_517 = vector.shape_cast %swap3A_516 : vector<1x16xf32> to vector<16xf32>
      %swap3A_518 = vector.shape_cast %mul3A_513 : vector<16xf32> to vector<1x16xf32>
      tpu.vector_store %arg6[%swap3A_514, %swap3A_515], %swap3A_518 {strides = array<i32>} : memref<64x768xf32, #tpu.memory_space<vmem>>, vector<1x16xf32>,
      %get3A_519 = arith.index_cast %scan3A_172 : i32 to index
      %get3A_520 = arith.constant 464 : index
      %get3A_521 = tpu.vector_load %arg6[%get3A_519, %get3A_520] {strides = array<i32>} : memref<64x768xf32, #tpu.memory_space<vmem>>, vector<1x16xf32>,
      %get3A_522 = vector.shape_cast %get3A_521 : vector<1x16xf32> to vector<16xf32>
      %mul3A_523 = arith.constant 8.000000e+00 : f32
      %mul3A_524 = vector.broadcast %mul3A_523 : f32 to vector<16xf32>
      %mul3A_525 = arith.mulf %get3A_522, %mul3A_524 : vector<16xf32>
      %swap3A_526 = arith.index_cast %scan3A_172 : i32 to index
      %swap3A_527 = arith.constant 464 : index
      %swap3A_528 = tpu.vector_load %arg6[%swap3A_526, %swap3A_527] {strides = array<i32>} : memref<64x768xf32, #tpu.memory_space<vmem>>, vector<1x16xf32>,
      %swap3A_529 = vector.shape_cast %swap3A_528 : vector<1x16xf32> to vector<16xf32>
      %swap3A_530 = vector.shape_cast %mul3A_525 : vector<16xf32> to vector<1x16xf32>
      tpu.vector_store %arg6[%swap3A_526, %swap3A_527], %swap3A_530 {strides = array<i32>} : memref<64x768xf32, #tpu.memory_space<vmem>>, vector<1x16xf32>,
      %get3A_531 = arith.index_cast %scan3A_172 : i32 to index
      %get3A_532 = arith.constant 480 : index
      %get3A_533 = tpu.vector_load %arg6[%get3A_531, %get3A_532] {strides = array<i32>} : memref<64x768xf32, #tpu.memory_space<vmem>>, vector<1x16xf32>,
      %get3A_534 = vector.shape_cast %get3A_533 : vector<1x16xf32> to vector<16xf32>
      %mul3A_535 = arith.constant 8.000000e+00 : f32
      %mul3A_536 = vector.broadcast %mul3A_535 : f32 to vector<16xf32>
      %mul3A_537 = arith.mulf %get3A_534, %mul3A_536 : vector<16xf32>
      %swap3A_538 = arith.index_cast %scan3A_172 : i32 to index
      %swap3A_539 = arith.constant 480 : index
      %swap3A_540 = tpu.vector_load %arg6[%swap3A_538, %swap3A_539] {strides = array<i32>} : memref<64x768xf32, #tpu.memory_space<vmem>>, vector<1x16xf32>,
      %swap3A_541 = vector.shape_cast %swap3A_540 : vector<1x16xf32> to vector<16xf32>
      %swap3A_542 = vector.shape_cast %mul3A_537 : vector<16xf32> to vector<1x16xf32>
      tpu.vector_store %arg6[%swap3A_538, %swap3A_539], %swap3A_542 {strides = array<i32>} : memref<64x768xf32, #tpu.memory_space<vmem>>, vector<1x16xf32>,
      %get3A_543 = arith.index_cast %scan3A_172 : i32 to index
      %get3A_544 = arith.constant 496 : index
      %get3A_545 = tpu.vector_load %arg6[%get3A_543, %get3A_544] {strides = array<i32>} : memref<64x768xf32, #tpu.memory_space<vmem>>, vector<1x16xf32>,
      %get3A_546 = vector.shape_cast %get3A_545 : vector<1x16xf32> to vector<16xf32>
      %mul3A_547 = arith.constant 8.000000e+00 : f32
      %mul3A_548 = vector.broadcast %mul3A_547 : f32 to vector<16xf32>
      %mul3A_549 = arith.mulf %get3A_546, %mul3A_548 : vector<16xf32>
      %swap3A_550 = arith.index_cast %scan3A_172 : i32 to index
      %swap3A_551 = arith.constant 496 : index
      %swap3A_552 = tpu.vector_load %arg6[%swap3A_550, %swap3A_551] {strides = array<i32>} : memref<64x768xf32, #tpu.memory_space<vmem>>, vector<1x16xf32>,
      %swap3A_553 = vector.shape_cast %swap3A_552 : vector<1x16xf32> to vector<16xf32>
      %swap3A_554 = vector.shape_cast %mul3A_549 : vector<16xf32> to vector<1x16xf32>
      tpu.vector_store %arg6[%swap3A_550, %swap3A_551], %swap3A_554 {strides = array<i32>} : memref<64x768xf32, #tpu.memory_space<vmem>>, vector<1x16xf32>,
      %get3A_555 = arith.index_cast %scan3A_172 : i32 to index
      %get3A_556 = arith.constant 512 : index
      %get3A_557 = tpu.vector_load %arg6[%get3A_555, %get3A_556] {strides = array<i32>} : memref<64x768xf32, #tpu.memory_space<vmem>>, vector<1x16xf32>,
      %get3A_558 = vector.shape_cast %get3A_557 : vector<1x16xf32> to vector<16xf32>
      %mul3A_559 = arith.constant 8.000000e+00 : f32
      %mul3A_560 = vector.broadcast %mul3A_559 : f32 to vector<16xf32>
      %mul3A_561 = arith.mulf %get3A_558, %mul3A_560 : vector<16xf32>
      %swap3A_562 = arith.index_cast %scan3A_172 : i32 to index
      %swap3A_563 = arith.constant 512 : index
      %swap3A_564 = tpu.vector_load %arg6[%swap3A_562, %swap3A_563] {strides = array<i32>} : memref<64x768xf32, #tpu.memory_space<vmem>>, vector<1x16xf32>,
      %swap3A_565 = vector.shape_cast %swap3A_564 : vector<1x16xf32> to vector<16xf32>
      %swap3A_566 = vector.shape_cast %mul3A_561 : vector<16xf32> to vector<1x16xf32>
      tpu.vector_store %arg6[%swap3A_562, %swap3A_563], %swap3A_566 {strides = array<i32>} : memref<64x768xf32, #tpu.memory_space<vmem>>, vector<1x16xf32>,
      %get3A_567 = arith.index_cast %scan3A_172 : i32 to index
      %get3A_568 = arith.constant 528 : index
      %get3A_569 = tpu.vector_load %arg6[%get3A_567, %get3A_568] {strides = array<i32>} : memref<64x768xf32, #tpu.memory_space<vmem>>, vector<1x16xf32>,
      %get3A_570 = vector.shape_cast %get3A_569 : vector<1x16xf32> to vector<16xf32>
      %mul3A_571 = arith.constant 8.000000e+00 : f32
      %mul3A_572 = vector.broadcast %mul3A_571 : f32 to vector<16xf32>
      %mul3A_573 = arith.mulf %get3A_570, %mul3A_572 : vector<16xf32>
      %swap3A_574 = arith.index_cast %scan3A_172 : i32 to index
      %swap3A_575 = arith.constant 528 : index
      %swap3A_576 = tpu.vector_load %arg6[%swap3A_574, %swap3A_575] {strides = array<i32>} : memref<64x768xf32, #tpu.memory_space<vmem>>, vector<1x16xf32>,
      %swap3A_577 = vector.shape_cast %swap3A_576 : vector<1x16xf32> to vector<16xf32>
      %swap3A_578 = vector.shape_cast %mul3A_573 : vector<16xf32> to vector<1x16xf32>
      tpu.vector_store %arg6[%swap3A_574, %swap3A_575], %swap3A_578 {strides = array<i32>} : memref<64x768xf32, #tpu.memory_space<vmem>>, vector<1x16xf32>,
      %get3A_579 = arith.index_cast %scan3A_172 : i32 to index
      %get3A_580 = arith.constant 544 : index
      %get3A_581 = tpu.vector_load %arg6[%get3A_579, %get3A_580] {strides = array<i32>} : memref<64x768xf32, #tpu.memory_space<vmem>>, vector<1x16xf32>,
      %get3A_582 = vector.shape_cast %get3A_581 : vector<1x16xf32> to vector<16xf32>
      %mul3A_583 = arith.constant 8.000000e+00 : f32
      %mul3A_584 = vector.broadcast %mul3A_583 : f32 to vector<16xf32>
      %mul3A_585 = arith.mulf %get3A_582, %mul3A_584 : vector<16xf32>
      %swap3A_586 = arith.index_cast %scan3A_172 : i32 to index
      %swap3A_587 = arith.constant 544 : index
      %swap3A_588 = tpu.vector_load %arg6[%swap3A_586, %swap3A_587] {strides = array<i32>} : memref<64x768xf32, #tpu.memory_space<vmem>>, vector<1x16xf32>,
      %swap3A_589 = vector.shape_cast %swap3A_588 : vector<1x16xf32> to vector<16xf32>
      %swap3A_590 = vector.shape_cast %mul3A_585 : vector<16xf32> to vector<1x16xf32>
      tpu.vector_store %arg6[%swap3A_586, %swap3A_587], %swap3A_590 {strides = array<i32>} : memref<64x768xf32, #tpu.memory_space<vmem>>, vector<1x16xf32>,
      %get3A_591 = arith.index_cast %scan3A_172 : i32 to index
      %get3A_592 = arith.constant 560 : index
      %get3A_593 = tpu.vector_load %arg6[%get3A_591, %get3A_592] {strides = array<i32>} : memref<64x768xf32, #tpu.memory_space<vmem>>, vector<1x16xf32>,
      %get3A_594 = vector.shape_cast %get3A_593 : vector<1x16xf32> to vector<16xf32>
      %mul3A_595 = arith.constant 8.000000e+00 : f32
      %mul3A_596 = vector.broadcast %mul3A_595 : f32 to vector<16xf32>
      %mul3A_597 = arith.mulf %get3A_594, %mul3A_596 : vector<16xf32>
      %swap3A_598 = arith.index_cast %scan3A_172 : i32 to index
      %swap3A_599 = arith.constant 560 : index
      %swap3A_600 = tpu.vector_load %arg6[%swap3A_598, %swap3A_599] {strides = array<i32>} : memref<64x768xf32, #tpu.memory_space<vmem>>, vector<1x16xf32>,
      %swap3A_601 = vector.shape_cast %swap3A_600 : vector<1x16xf32> to vector<16xf32>
      %swap3A_602 = vector.shape_cast %mul3A_597 : vector<16xf32> to vector<1x16xf32>
      tpu.vector_store %arg6[%swap3A_598, %swap3A_599], %swap3A_602 {strides = array<i32>} : memref<64x768xf32, #tpu.memory_space<vmem>>, vector<1x16xf32>,
      %get3A_603 = arith.index_cast %scan3A_172 : i32 to index
      %get3A_604 = arith.constant 576 : index
      %get3A_605 = tpu.vector_load %arg6[%get3A_603, %get3A_604] {strides = array<i32>} : memref<64x768xf32, #tpu.memory_space<vmem>>, vector<1x16xf32>,
      %get3A_606 = vector.shape_cast %get3A_605 : vector<1x16xf32> to vector<16xf32>
      %mul3A_607 = arith.constant 8.000000e+00 : f32
      %mul3A_608 = vector.broadcast %mul3A_607 : f32 to vector<16xf32>
      %mul3A_609 = arith.mulf %get3A_606, %mul3A_608 : vector<16xf32>
      %swap3A_610 = arith.index_cast %scan3A_172 : i32 to index
      %swap3A_611 = arith.constant 576 : index
      %swap3A_612 = tpu.vector_load %arg6[%swap3A_610, %swap3A_611] {strides = array<i32>} : memref<64x768xf32, #tpu.memory_space<vmem>>, vector<1x16xf32>,
      %swap3A_613 = vector.shape_cast %swap3A_612 : vector<1x16xf32> to vector<16xf32>
      %swap3A_614 = vector.shape_cast %mul3A_609 : vector<16xf32> to vector<1x16xf32>
      tpu.vector_store %arg6[%swap3A_610, %swap3A_611], %swap3A_614 {strides = array<i32>} : memref<64x768xf32, #tpu.memory_space<vmem>>, vector<1x16xf32>,
      %get3A_615 = arith.index_cast %scan3A_172 : i32 to index
      %get3A_616 = arith.constant 592 : index
      %get3A_617 = tpu.vector_load %arg6[%get3A_615, %get3A_616] {strides = array<i32>} : memref<64x768xf32, #tpu.memory_space<vmem>>, vector<1x16xf32>,
      %get3A_618 = vector.shape_cast %get3A_617 : vector<1x16xf32> to vector<16xf32>
      %mul3A_619 = arith.constant 8.000000e+00 : f32
      %mul3A_620 = vector.broadcast %mul3A_619 : f32 to vector<16xf32>
      %mul3A_621 = arith.mulf %get3A_618, %mul3A_620 : vector<16xf32>
      %swap3A_622 = arith.index_cast %scan3A_172 : i32 to index
      %swap3A_623 = arith.constant 592 : index
      %swap3A_624 = tpu.vector_load %arg6[%swap3A_622, %swap3A_623] {strides = array<i32>} : memref<64x768xf32, #tpu.memory_space<vmem>>, vector<1x16xf32>,
      %swap3A_625 = vector.shape_cast %swap3A_624 : vector<1x16xf32> to vector<16xf32>
      %swap3A_626 = vector.shape_cast %mul3A_621 : vector<16xf32> to vector<1x16xf32>
      tpu.vector_store %arg6[%swap3A_622, %swap3A_623], %swap3A_626 {strides = array<i32>} : memref<64x768xf32, #tpu.memory_space<vmem>>, vector<1x16xf32>,
      %get3A_627 = arith.index_cast %scan3A_172 : i32 to index
      %get3A_628 = arith.constant 608 : index
      %get3A_629 = tpu.vector_load %arg6[%get3A_627, %get3A_628] {strides = array<i32>} : memref<64x768xf32, #tpu.memory_space<vmem>>, vector<1x16xf32>,
      %get3A_630 = vector.shape_cast %get3A_629 : vector<1x16xf32> to vector<16xf32>
      %mul3A_631 = arith.constant 8.000000e+00 : f32
      %mul3A_632 = vector.broadcast %mul3A_631 : f32 to vector<16xf32>
      %mul3A_633 = arith.mulf %get3A_630, %mul3A_632 : vector<16xf32>
      %swap3A_634 = arith.index_cast %scan3A_172 : i32 to index
      %swap3A_635 = arith.constant 608 : index
      %swap3A_636 = tpu.vector_load %arg6[%swap3A_634, %swap3A_635] {strides = array<i32>} : memref<64x768xf32, #tpu.memory_space<vmem>>, vector<1x16xf32>,
      %swap3A_637 = vector.shape_cast %swap3A_636 : vector<1x16xf32> to vector<16xf32>
      %swap3A_638 = vector.shape_cast %mul3A_633 : vector<16xf32> to vector<1x16xf32>
      tpu.vector_store %arg6[%swap3A_634, %swap3A_635], %swap3A_638 {strides = array<i32>} : memref<64x768xf32, #tpu.memory_space<vmem>>, vector<1x16xf32>,
      %get3A_639 = arith.index_cast %scan3A_172 : i32 to index
      %get3A_640 = arith.constant 624 : index
      %get3A_641 = tpu.vector_load %arg6[%get3A_639, %get3A_640] {strides = array<i32>} : memref<64x768xf32, #tpu.memory_space<vmem>>, vector<1x16xf32>,
      %get3A_642 = vector.shape_cast %get3A_641 : vector<1x16xf32> to vector<16xf32>
      %mul3A_643 = arith.constant 8.000000e+00 : f32
      %mul3A_644 = vector.broadcast %mul3A_643 : f32 to vector<16xf32>
      %mul3A_645 = arith.mulf %get3A_642, %mul3A_644 : vector<16xf32>
      %swap3A_646 = arith.index_cast %scan3A_172 : i32 to index
      %swap3A_647 = arith.constant 624 : index
      %swap3A_648 = tpu.vector_load %arg6[%swap3A_646, %swap3A_647] {strides = array<i32>} : memref<64x768xf32, #tpu.memory_space<vmem>>, vector<1x16xf32>,
      %swap3A_649 = vector.shape_cast %swap3A_648 : vector<1x16xf32> to vector<16xf32>
      %swap3A_650 = vector.shape_cast %mul3A_645 : vector<16xf32> to vector<1x16xf32>
      tpu.vector_store %arg6[%swap3A_646, %swap3A_647], %swap3A_650 {strides = array<i32>} : memref<64x768xf32, #tpu.memory_space<vmem>>, vector<1x16xf32>,
      %get3A_651 = arith.index_cast %scan3A_172 : i32 to index
      %get3A_652 = arith.constant 640 : index
      %get3A_653 = tpu.vector_load %arg6[%get3A_651, %get3A_652] {strides = array<i32>} : memref<64x768xf32, #tpu.memory_space<vmem>>, vector<1x16xf32>,
      %get3A_654 = vector.shape_cast %get3A_653 : vector<1x16xf32> to vector<16xf32>
      %mul3A_655 = arith.constant 8.000000e+00 : f32
      %mul3A_656 = vector.broadcast %mul3A_655 : f32 to vector<16xf32>
      %mul3A_657 = arith.mulf %get3A_654, %mul3A_656 : vector<16xf32>
      %swap3A_658 = arith.index_cast %scan3A_172 : i32 to index
      %swap3A_659 = arith.constant 640 : index
      %swap3A_660 = tpu.vector_load %arg6[%swap3A_658, %swap3A_659] {strides = array<i32>} : memref<64x768xf32, #tpu.memory_space<vmem>>, vector<1x16xf32>,
      %swap3A_661 = vector.shape_cast %swap3A_660 : vector<1x16xf32> to vector<16xf32>
      %swap3A_662 = vector.shape_cast %mul3A_657 : vector<16xf32> to vector<1x16xf32>
      tpu.vector_store %arg6[%swap3A_658, %swap3A_659], %swap3A_662 {strides = array<i32>} : memref<64x768xf32, #tpu.memory_space<vmem>>, vector<1x16xf32>,
      %get3A_663 = arith.index_cast %scan3A_172 : i32 to index
      %get3A_664 = arith.constant 656 : index
      %get3A_665 = tpu.vector_load %arg6[%get3A_663, %get3A_664] {strides = array<i32>} : memref<64x768xf32, #tpu.memory_space<vmem>>, vector<1x16xf32>,
      %get3A_666 = vector.shape_cast %get3A_665 : vector<1x16xf32> to vector<16xf32>
      %mul3A_667 = arith.constant 8.000000e+00 : f32
      %mul3A_668 = vector.broadcast %mul3A_667 : f32 to vector<16xf32>
      %mul3A_669 = arith.mulf %get3A_666, %mul3A_668 : vector<16xf32>
      %swap3A_670 = arith.index_cast %scan3A_172 : i32 to index
      %swap3A_671 = arith.constant 656 : index
      %swap3A_672 = tpu.vector_load %arg6[%swap3A_670, %swap3A_671] {strides = array<i32>} : memref<64x768xf32, #tpu.memory_space<vmem>>, vector<1x16xf32>,
      %swap3A_673 = vector.shape_cast %swap3A_672 : vector<1x16xf32> to vector<16xf32>
      %swap3A_674 = vector.shape_cast %mul3A_669 : vector<16xf32> to vector<1x16xf32>
      tpu.vector_store %arg6[%swap3A_670, %swap3A_671], %swap3A_674 {strides = array<i32>} : memref<64x768xf32, #tpu.memory_space<vmem>>, vector<1x16xf32>,
      %get3A_675 = arith.index_cast %scan3A_172 : i32 to index
      %get3A_676 = arith.constant 672 : index
      %get3A_677 = tpu.vector_load %arg6[%get3A_675, %get3A_676] {strides = array<i32>} : memref<64x768xf32, #tpu.memory_space<vmem>>, vector<1x16xf32>,
      %get3A_678 = vector.shape_cast %get3A_677 : vector<1x16xf32> to vector<16xf32>
      %mul3A_679 = arith.constant 8.000000e+00 : f32
      %mul3A_680 = vector.broadcast %mul3A_679 : f32 to vector<16xf32>
      %mul3A_681 = arith.mulf %get3A_678, %mul3A_680 : vector<16xf32>
      %swap3A_682 = arith.index_cast %scan3A_172 : i32 to index
      %swap3A_683 = arith.constant 672 : index
      %swap3A_684 = tpu.vector_load %arg6[%swap3A_682, %swap3A_683] {strides = array<i32>} : memref<64x768xf32, #tpu.memory_space<vmem>>, vector<1x16xf32>,
      %swap3A_685 = vector.shape_cast %swap3A_684 : vector<1x16xf32> to vector<16xf32>
      %swap3A_686 = vector.shape_cast %mul3A_681 : vector<16xf32> to vector<1x16xf32>
      tpu.vector_store %arg6[%swap3A_682, %swap3A_683], %swap3A_686 {strides = array<i32>} : memref<64x768xf32, #tpu.memory_space<vmem>>, vector<1x16xf32>,
      %get3A_687 = arith.index_cast %scan3A_172 : i32 to index
      %get3A_688 = arith.constant 688 : index
      %get3A_689 = tpu.vector_load %arg6[%get3A_687, %get3A_688] {strides = array<i32>} : memref<64x768xf32, #tpu.memory_space<vmem>>, vector<1x16xf32>,
      %get3A_690 = vector.shape_cast %get3A_689 : vector<1x16xf32> to vector<16xf32>
      %mul3A_691 = arith.constant 8.000000e+00 : f32
      %mul3A_692 = vector.broadcast %mul3A_691 : f32 to vector<16xf32>
      %mul3A_693 = arith.mulf %get3A_690, %mul3A_692 : vector<16xf32>
      %swap3A_694 = arith.index_cast %scan3A_172 : i32 to index
      %swap3A_695 = arith.constant 688 : index
      %swap3A_696 = tpu.vector_load %arg6[%swap3A_694, %swap3A_695] {strides = array<i32>} : memref<64x768xf32, #tpu.memory_space<vmem>>, vector<1x16xf32>,
      %swap3A_697 = vector.shape_cast %swap3A_696 : vector<1x16xf32> to vector<16xf32>
      %swap3A_698 = vector.shape_cast %mul3A_693 : vector<16xf32> to vector<1x16xf32>
      tpu.vector_store %arg6[%swap3A_694, %swap3A_695], %swap3A_698 {strides = array<i32>} : memref<64x768xf32, #tpu.memory_space<vmem>>, vector<1x16xf32>,
      %get3A_699 = arith.index_cast %scan3A_172 : i32 to index
      %get3A_700 = arith.constant 704 : index
      %get3A_701 = tpu.vector_load %arg6[%get3A_699, %get3A_700] {strides = array<i32>} : memref<64x768xf32, #tpu.memory_space<vmem>>, vector<1x16xf32>,
      %get3A_702 = vector.shape_cast %get3A_701 : vector<1x16xf32> to vector<16xf32>
      %mul3A_703 = arith.constant 8.000000e+00 : f32
      %mul3A_704 = vector.broadcast %mul3A_703 : f32 to vector<16xf32>
      %mul3A_705 = arith.mulf %get3A_702, %mul3A_704 : vector<16xf32>
      %swap3A_706 = arith.index_cast %scan3A_172 : i32 to index
      %swap3A_707 = arith.constant 704 : index
      %swap3A_708 = tpu.vector_load %arg6[%swap3A_706, %swap3A_707] {strides = array<i32>} : memref<64x768xf32, #tpu.memory_space<vmem>>, vector<1x16xf32>,
      %swap3A_709 = vector.shape_cast %swap3A_708 : vector<1x16xf32> to vector<16xf32>
      %swap3A_710 = vector.shape_cast %mul3A_705 : vector<16xf32> to vector<1x16xf32>
      tpu.vector_store %arg6[%swap3A_706, %swap3A_707], %swap3A_710 {strides = array<i32>} : memref<64x768xf32, #tpu.memory_space<vmem>>, vector<1x16xf32>,
      %get3A_711 = arith.index_cast %scan3A_172 : i32 to index
      %get3A_712 = arith.constant 720 : index
      %get3A_713 = tpu.vector_load %arg6[%get3A_711, %get3A_712] {strides = array<i32>} : memref<64x768xf32, #tpu.memory_space<vmem>>, vector<1x16xf32>,
      %get3A_714 = vector.shape_cast %get3A_713 : vector<1x16xf32> to vector<16xf32>
      %mul3A_715 = arith.constant 8.000000e+00 : f32
      %mul3A_716 = vector.broadcast %mul3A_715 : f32 to vector<16xf32>
      %mul3A_717 = arith.mulf %get3A_714, %mul3A_716 : vector<16xf32>
      %swap3A_718 = arith.index_cast %scan3A_172 : i32 to index
      %swap3A_719 = arith.constant 720 : index
      %swap3A_720 = tpu.vector_load %arg6[%swap3A_718, %swap3A_719] {strides = array<i32>} : memref<64x768xf32, #tpu.memory_space<vmem>>, vector<1x16xf32>,
      %swap3A_721 = vector.shape_cast %swap3A_720 : vector<1x16xf32> to vector<16xf32>
      %swap3A_722 = vector.shape_cast %mul3A_717 : vector<16xf32> to vector<1x16xf32>
      tpu.vector_store %arg6[%swap3A_718, %swap3A_719], %swap3A_722 {strides = array<i32>} : memref<64x768xf32, #tpu.memory_space<vmem>>, vector<1x16xf32>,
      %get3A_723 = arith.index_cast %scan3A_172 : i32 to index
      %get3A_724 = arith.constant 736 : index
      %get3A_725 = tpu.vector_load %arg6[%get3A_723, %get3A_724] {strides = array<i32>} : memref<64x768xf32, #tpu.memory_space<vmem>>, vector<1x16xf32>,
      %get3A_726 = vector.shape_cast %get3A_725 : vector<1x16xf32> to vector<16xf32>
      %mul3A_727 = arith.constant 8.000000e+00 : f32
      %mul3A_728 = vector.broadcast %mul3A_727 : f32 to vector<16xf32>
      %mul3A_729 = arith.mulf %get3A_726, %mul3A_728 : vector<16xf32>
      %swap3A_730 = arith.index_cast %scan3A_172 : i32 to index
      %swap3A_731 = arith.constant 736 : index
      %swap3A_732 = tpu.vector_load %arg6[%swap3A_730, %swap3A_731] {strides = array<i32>} : memref<64x768xf32, #tpu.memory_space<vmem>>, vector<1x16xf32>,
      %swap3A_733 = vector.shape_cast %swap3A_732 : vector<1x16xf32> to vector<16xf32>
      %swap3A_734 = vector.shape_cast %mul3A_729 : vector<16xf32> to vector<1x16xf32>
      tpu.vector_store %arg6[%swap3A_730, %swap3A_731], %swap3A_734 {strides = array<i32>} : memref<64x768xf32, #tpu.memory_space<vmem>>, vector<1x16xf32>,
      %get3A_735 = arith.index_cast %scan3A_172 : i32 to index
      %get3A_736 = arith.constant 752 : index
      %get3A_737 = tpu.vector_load %arg6[%get3A_735, %get3A_736] {strides = array<i32>} : memref<64x768xf32, #tpu.memory_space<vmem>>, vector<1x16xf32>,
      %get3A_738 = vector.shape_cast %get3A_737 : vector<1x16xf32> to vector<16xf32>
      %mul3A_739 = arith.constant 8.000000e+00 : f32
      %mul3A_740 = vector.broadcast %mul3A_739 : f32 to vector<16xf32>
      %mul3A_741 = arith.mulf %get3A_738, %mul3A_740 : vector<16xf32>
      %swap3A_742 = arith.index_cast %scan3A_172 : i32 to index
      %swap3A_743 = arith.constant 752 : index
      %swap3A_744 = tpu.vector_load %arg6[%swap3A_742, %swap3A_743] {strides = array<i32>} : memref<64x768xf32, #tpu.memory_space<vmem>>, vector<1x16xf32>,
      %swap3A_745 = vector.shape_cast %swap3A_744 : vector<1x16xf32> to vector<16xf32>
      %swap3A_746 = vector.shape_cast %mul3A_741 : vector<16xf32> to vector<1x16xf32>
      tpu.vector_store %arg6[%swap3A_742, %swap3A_743], %swap3A_746 {strides = array<i32>} : memref<64x768xf32, #tpu.memory_space<vmem>>, vector<1x16xf32>,
    }
    %scan3A_44 = arith.constant 16 : i32
    %add3A_45 = arith.constant 0 : i32
    %add3A_46 = arith.addi %mul3A_2, %add3A_45 : i32
    %dma_start3A_47 = arith.constant 0 : i32
    %dma_start3A_48 = arith.constant 0 : i32
    %dma_start3A_49 = tpu.memref_slice %arg6[%dma_start3A_47, %dma_start3A_48] : memref<64x768xf32, #tpu.memory_space<vmem>> -> memref<16x768xf32, #tpu.memory_space<vmem>>
    %dma_start3A_50 = arith.constant 0 : i32
    %dma_start3A_51 = tpu.memref_slice %arg4[%add3A_46, %dma_start3A_50] : memref<2048x768xf32, #tpu.memory_space<hbm>> -> memref<16x768xf32, #tpu.memory_space<hbm>>
    %dma_start3A_52 = arith.constant 0 : i32
    %dma_start3A_53 = tpu.memref_slice %arg4[%add3A_46, %dma_start3A_52] : memref<2048x768xf32, #tpu.memory_space<hbm>> -> memref<16x768xf32, #tpu.memory_space<hbm>>
    %dma_start3A_54 = arith.constant 0 : i32
    %dma_start3A_55 = arith.constant 0 : i32
    %dma_start3A_56 = tpu.memref_slice %arg6[%dma_start3A_54, %dma_start3A_55] : memref<64x768xf32, #tpu.memory_space<vmem>> -> memref<16x768xf32, #tpu.memory_space<vmem>>
    tpu.enqueue_dma source(%dma_start3A_56 : memref<16x768xf32, #tpu.memory_space<vmem>>) target(%dma_start3A_53 : memref<16x768xf32, #tpu.memory_space<hbm>>) target_semaphore(%arg11 : memref<!tpu.dma_semaphore, #tpu.memory_space<semaphore_mem>>)
    %dma_wait3A_57 = arith.constant 16 : i32
    %dma_wait3A_58 = arith.constant 0 : i32
    %dma_wait3A_59 = tpu.memref_slice %arg6[%dma_wait3A_57, %dma_wait3A_58] : memref<64x768xf32, #tpu.memory_space<vmem>> -> memref<16x768xf32, #tpu.memory_space<vmem>>
    %dma_wait3A_60 = arith.constant 16 : i32
    %dma_wait3A_61 = tpu.memref_slice %arg5[%dma_wait3A_60] : memref<64xi32, #tpu.memory_space<vmem>> -> memref<16xi32, #tpu.memory_space<vmem>>
    %dma_wait3A_62 = arith.constant 0 : i32
    %dma_wait3A_63 = arith.constant 0 : i32
    %dma_wait3A_64 = tpu.memref_slice %arg3[%dma_wait3A_62, %dma_wait3A_63] : memref<100000x768xf32, #tpu.memory_space<hbm>> -> memref<100000x768xf32, #tpu.memory_space<hbm>>
    tpu.wait_indirect_dma semaphore(%arg8 : memref<!tpu.dma_semaphore, #tpu.memory_space<semaphore_mem>>) src(%dma_wait3A_64 : memref<100000x768xf32, #tpu.memory_space<hbm>>) dst(%dma_wait3A_59 : memref<16x768xf32, #tpu.memory_space<vmem>>)
    %scan3A_65 = arith.constant 16 : i32
    %scan3A_66 = arith.constant 16 : i32
    %scan3A_67 = arith.addi %scan3A_65, %scan3A_66 : i32
    %scan3A_68 = arith.constant 1 : i32
    scf.for %scan3A_172 = %scan3A_65 to %scan3A_67 step %scan3A_68  : i32 {
      %get3A = arith.index_cast %scan3A_172 : i32 to index
      %get3A_173 = arith.constant 0 : index
      %get3A_174 = tpu.vector_load %arg6[%get3A, %get3A_173] {strides = array<i32>} : memref<64x768xf32, #tpu.memory_space<vmem>>, vector<1x16xf32>,
      %get3A_175 = vector.shape_cast %get3A_174 : vector<1x16xf32> to vector<16xf32>
      %mul3A_176 = arith.constant 8.000000e+00 : f32
      %mul3A_177 = vector.broadcast %mul3A_176 : f32 to vector<16xf32>
      %mul3A_178 = arith.mulf %get3A_175, %mul3A_177 : vector<16xf32>
      %swap3A = arith.index_cast %scan3A_172 : i32 to index
      %swap3A_179 = arith.constant 0 : index
      %swap3A_180 = tpu.vector_load %arg6[%swap3A, %swap3A_179] {strides = array<i32>} : memref<64x768xf32, #tpu.memory_space<vmem>>, vector<1x16xf32>,
      %swap3A_181 = vector.shape_cast %swap3A_180 : vector<1x16xf32> to vector<16xf32>
      %swap3A_182 = vector.shape_cast %mul3A_178 : vector<16xf32> to vector<1x16xf32>
      tpu.vector_store %arg6[%swap3A, %swap3A_179], %swap3A_182 {strides = array<i32>} : memref<64x768xf32, #tpu.memory_space<vmem>>, vector<1x16xf32>,
      %get3A_183 = arith.index_cast %scan3A_172 : i32 to index
      %get3A_184 = arith.constant 16 : index
      %get3A_185 = tpu.vector_load %arg6[%get3A_183, %get3A_184] {strides = array<i32>} : memref<64x768xf32, #tpu.memory_space<vmem>>, vector<1x16xf32>,
      %get3A_186 = vector.shape_cast %get3A_185 : vector<1x16xf32> to vector<16xf32>
      %mul3A_187 = arith.constant 8.000000e+00 : f32
      %mul3A_188 = vector.broadcast %mul3A_187 : f32 to vector<16xf32>
      %mul3A_189 = arith.mulf %get3A_186, %mul3A_188 : vector<16xf32>
      %swap3A_190 = arith.index_cast %scan3A_172 : i32 to index
      %swap3A_191 = arith.constant 16 : index
      %swap3A_192 = tpu.vector_load %arg6[%swap3A_190, %swap3A_191] {strides = array<i32>} : memref<64x768xf32, #tpu.memory_space<vmem>>, vector<1x16xf32>,
      %swap3A_193 = vector.shape_cast %swap3A_192 : vector<1x16xf32> to vector<16xf32>
      %swap3A_194 = vector.shape_cast %mul3A_189 : vector<16xf32> to vector<1x16xf32>
      tpu.vector_store %arg6[%swap3A_190, %swap3A_191], %swap3A_194 {strides = array<i32>} : memref<64x768xf32, #tpu.memory_space<vmem>>, vector<1x16xf32>,
      %get3A_195 = arith.index_cast %scan3A_172 : i32 to index
      %get3A_196 = arith.constant 32 : index
      %get3A_197 = tpu.vector_load %arg6[%get3A_195, %get3A_196] {strides = array<i32>} : memref<64x768xf32, #tpu.memory_space<vmem>>, vector<1x16xf32>,
      %get3A_198 = vector.shape_cast %get3A_197 : vector<1x16xf32> to vector<16xf32>
      %mul3A_199 = arith.constant 8.000000e+00 : f32
      %mul3A_200 = vector.broadcast %mul3A_199 : f32 to vector<16xf32>
      %mul3A_201 = arith.mulf %get3A_198, %mul3A_200 : vector<16xf32>
      %swap3A_202 = arith.index_cast %scan3A_172 : i32 to index
      %swap3A_203 = arith.constant 32 : index
      %swap3A_204 = tpu.vector_load %arg6[%swap3A_202, %swap3A_203] {strides = array<i32>} : memref<64x768xf32, #tpu.memory_space<vmem>>, vector<1x16xf32>,
      %swap3A_205 = vector.shape_cast %swap3A_204 : vector<1x16xf32> to vector<16xf32>
      %swap3A_206 = vector.shape_cast %mul3A_201 : vector<16xf32> to vector<1x16xf32>
      tpu.vector_store %arg6[%swap3A_202, %swap3A_203], %swap3A_206 {strides = array<i32>} : memref<64x768xf32, #tpu.memory_space<vmem>>, vector<1x16xf32>,
      %get3A_207 = arith.index_cast %scan3A_172 : i32 to index
      %get3A_208 = arith.constant 48 : index
      %get3A_209 = tpu.vector_load %arg6[%get3A_207, %get3A_208] {strides = array<i32>} : memref<64x768xf32, #tpu.memory_space<vmem>>, vector<1x16xf32>,
      %get3A_210 = vector.shape_cast %get3A_209 : vector<1x16xf32> to vector<16xf32>
      %mul3A_211 = arith.constant 8.000000e+00 : f32
      %mul3A_212 = vector.broadcast %mul3A_211 : f32 to vector<16xf32>
      %mul3A_213 = arith.mulf %get3A_210, %mul3A_212 : vector<16xf32>
      %swap3A_214 = arith.index_cast %scan3A_172 : i32 to index
      %swap3A_215 = arith.constant 48 : index
      %swap3A_216 = tpu.vector_load %arg6[%swap3A_214, %swap3A_215] {strides = array<i32>} : memref<64x768xf32, #tpu.memory_space<vmem>>, vector<1x16xf32>,
      %swap3A_217 = vector.shape_cast %swap3A_216 : vector<1x16xf32> to vector<16xf32>
      %swap3A_218 = vector.shape_cast %mul3A_213 : vector<16xf32> to vector<1x16xf32>
      tpu.vector_store %arg6[%swap3A_214, %swap3A_215], %swap3A_218 {strides = array<i32>} : memref<64x768xf32, #tpu.memory_space<vmem>>, vector<1x16xf32>,
      %get3A_219 = arith.index_cast %scan3A_172 : i32 to index
      %get3A_220 = arith.constant 64 : index
      %get3A_221 = tpu.vector_load %arg6[%get3A_219, %get3A_220] {strides = array<i32>} : memref<64x768xf32, #tpu.memory_space<vmem>>, vector<1x16xf32>,
      %get3A_222 = vector.shape_cast %get3A_221 : vector<1x16xf32> to vector<16xf32>
      %mul3A_223 = arith.constant 8.000000e+00 : f32
      %mul3A_224 = vector.broadcast %mul3A_223 : f32 to vector<16xf32>
      %mul3A_225 = arith.mulf %get3A_222, %mul3A_224 : vector<16xf32>
      %swap3A_226 = arith.index_cast %scan3A_172 : i32 to index
      %swap3A_227 = arith.constant 64 : index
      %swap3A_228 = tpu.vector_load %arg6[%swap3A_226, %swap3A_227] {strides = array<i32>} : memref<64x768xf32, #tpu.memory_space<vmem>>, vector<1x16xf32>,
      %swap3A_229 = vector.shape_cast %swap3A_228 : vector<1x16xf32> to vector<16xf32>
      %swap3A_230 = vector.shape_cast %mul3A_225 : vector<16xf32> to vector<1x16xf32>
      tpu.vector_store %arg6[%swap3A_226, %swap3A_227], %swap3A_230 {strides = array<i32>} : memref<64x768xf32, #tpu.memory_space<vmem>>, vector<1x16xf32>,
      %get3A_231 = arith.index_cast %scan3A_172 : i32 to index
      %get3A_232 = arith.constant 80 : index
      %get3A_233 = tpu.vector_load %arg6[%get3A_231, %get3A_232] {strides = array<i32>} : memref<64x768xf32, #tpu.memory_space<vmem>>, vector<1x16xf32>,
      %get3A_234 = vector.shape_cast %get3A_233 : vector<1x16xf32> to vector<16xf32>
      %mul3A_235 = arith.constant 8.000000e+00 : f32
      %mul3A_236 = vector.broadcast %mul3A_235 : f32 to vector<16xf32>
      %mul3A_237 = arith.mulf %get3A_234, %mul3A_236 : vector<16xf32>
      %swap3A_238 = arith.index_cast %scan3A_172 : i32 to index
      %swap3A_239 = arith.constant 80 : index
      %swap3A_240 = tpu.vector_load %arg6[%swap3A_238, %swap3A_239] {strides = array<i32>} : memref<64x768xf32, #tpu.memory_space<vmem>>, vector<1x16xf32>,
      %swap3A_241 = vector.shape_cast %swap3A_240 : vector<1x16xf32> to vector<16xf32>
      %swap3A_242 = vector.shape_cast %mul3A_237 : vector<16xf32> to vector<1x16xf32>
      tpu.vector_store %arg6[%swap3A_238, %swap3A_239], %swap3A_242 {strides = array<i32>} : memref<64x768xf32, #tpu.memory_space<vmem>>, vector<1x16xf32>,
      %get3A_243 = arith.index_cast %scan3A_172 : i32 to index
      %get3A_244 = arith.constant 96 : index
      %get3A_245 = tpu.vector_load %arg6[%get3A_243, %get3A_244] {strides = array<i32>} : memref<64x768xf32, #tpu.memory_space<vmem>>, vector<1x16xf32>,
      %get3A_246 = vector.shape_cast %get3A_245 : vector<1x16xf32> to vector<16xf32>
      %mul3A_247 = arith.constant 8.000000e+00 : f32
      %mul3A_248 = vector.broadcast %mul3A_247 : f32 to vector<16xf32>
      %mul3A_249 = arith.mulf %get3A_246, %mul3A_248 : vector<16xf32>
      %swap3A_250 = arith.index_cast %scan3A_172 : i32 to index
      %swap3A_251 = arith.constant 96 : index
      %swap3A_252 = tpu.vector_load %arg6[%swap3A_250, %swap3A_251] {strides = array<i32>} : memref<64x768xf32, #tpu.memory_space<vmem>>, vector<1x16xf32>,
      %swap3A_253 = vector.shape_cast %swap3A_252 : vector<1x16xf32> to vector<16xf32>
      %swap3A_254 = vector.shape_cast %mul3A_249 : vector<16xf32> to vector<1x16xf32>
      tpu.vector_store %arg6[%swap3A_250, %swap3A_251], %swap3A_254 {strides = array<i32>} : memref<64x768xf32, #tpu.memory_space<vmem>>, vector<1x16xf32>,
      %get3A_255 = arith.index_cast %scan3A_172 : i32 to index
      %get3A_256 = arith.constant 112 : index
      %get3A_257 = tpu.vector_load %arg6[%get3A_255, %get3A_256] {strides = array<i32>} : memref<64x768xf32, #tpu.memory_space<vmem>>, vector<1x16xf32>,
      %get3A_258 = vector.shape_cast %get3A_257 : vector<1x16xf32> to vector<16xf32>
      %mul3A_259 = arith.constant 8.000000e+00 : f32
      %mul3A_260 = vector.broadcast %mul3A_259 : f32 to vector<16xf32>
      %mul3A_261 = arith.mulf %get3A_258, %mul3A_260 : vector<16xf32>
      %swap3A_262 = arith.index_cast %scan3A_172 : i32 to index
      %swap3A_263 = arith.constant 112 : index
      %swap3A_264 = tpu.vector_load %arg6[%swap3A_262, %swap3A_263] {strides = array<i32>} : memref<64x768xf32, #tpu.memory_space<vmem>>, vector<1x16xf32>,
      %swap3A_265 = vector.shape_cast %swap3A_264 : vector<1x16xf32> to vector<16xf32>
      %swap3A_266 = vector.shape_cast %mul3A_261 : vector<16xf32> to vector<1x16xf32>
      tpu.vector_store %arg6[%swap3A_262, %swap3A_263], %swap3A_266 {strides = array<i32>} : memref<64x768xf32, #tpu.memory_space<vmem>>, vector<1x16xf32>,
      %get3A_267 = arith.index_cast %scan3A_172 : i32 to index
      %get3A_268 = arith.constant 128 : index
      %get3A_269 = tpu.vector_load %arg6[%get3A_267, %get3A_268] {strides = array<i32>} : memref<64x768xf32, #tpu.memory_space<vmem>>, vector<1x16xf32>,
      %get3A_270 = vector.shape_cast %get3A_269 : vector<1x16xf32> to vector<16xf32>
      %mul3A_271 = arith.constant 8.000000e+00 : f32
      %mul3A_272 = vector.broadcast %mul3A_271 : f32 to vector<16xf32>
      %mul3A_273 = arith.mulf %get3A_270, %mul3A_272 : vector<16xf32>
      %swap3A_274 = arith.index_cast %scan3A_172 : i32 to index
      %swap3A_275 = arith.constant 128 : index
      %swap3A_276 = tpu.vector_load %arg6[%swap3A_274, %swap3A_275] {strides = array<i32>} : memref<64x768xf32, #tpu.memory_space<vmem>>, vector<1x16xf32>,
      %swap3A_277 = vector.shape_cast %swap3A_276 : vector<1x16xf32> to vector<16xf32>
      %swap3A_278 = vector.shape_cast %mul3A_273 : vector<16xf32> to vector<1x16xf32>
      tpu.vector_store %arg6[%swap3A_274, %swap3A_275], %swap3A_278 {strides = array<i32>} : memref<64x768xf32, #tpu.memory_space<vmem>>, vector<1x16xf32>,
      %get3A_279 = arith.index_cast %scan3A_172 : i32 to index
      %get3A_280 = arith.constant 144 : index
      %get3A_281 = tpu.vector_load %arg6[%get3A_279, %get3A_280] {strides = array<i32>} : memref<64x768xf32, #tpu.memory_space<vmem>>, vector<1x16xf32>,
      %get3A_282 = vector.shape_cast %get3A_281 : vector<1x16xf32> to vector<16xf32>
      %mul3A_283 = arith.constant 8.000000e+00 : f32
      %mul3A_284 = vector.broadcast %mul3A_283 : f32 to vector<16xf32>
      %mul3A_285 = arith.mulf %get3A_282, %mul3A_284 : vector<16xf32>
      %swap3A_286 = arith.index_cast %scan3A_172 : i32 to index
      %swap3A_287 = arith.constant 144 : index
      %swap3A_288 = tpu.vector_load %arg6[%swap3A_286, %swap3A_287] {strides = array<i32>} : memref<64x768xf32, #tpu.memory_space<vmem>>, vector<1x16xf32>,
      %swap3A_289 = vector.shape_cast %swap3A_288 : vector<1x16xf32> to vector<16xf32>
      %swap3A_290 = vector.shape_cast %mul3A_285 : vector<16xf32> to vector<1x16xf32>
      tpu.vector_store %arg6[%swap3A_286, %swap3A_287], %swap3A_290 {strides = array<i32>} : memref<64x768xf32, #tpu.memory_space<vmem>>, vector<1x16xf32>,
      %get3A_291 = arith.index_cast %scan3A_172 : i32 to index
      %get3A_292 = arith.constant 160 : index
      %get3A_293 = tpu.vector_load %arg6[%get3A_291, %get3A_292] {strides = array<i32>} : memref<64x768xf32, #tpu.memory_space<vmem>>, vector<1x16xf32>,
      %get3A_294 = vector.shape_cast %get3A_293 : vector<1x16xf32> to vector<16xf32>
      %mul3A_295 = arith.constant 8.000000e+00 : f32
      %mul3A_296 = vector.broadcast %mul3A_295 : f32 to vector<16xf32>
      %mul3A_297 = arith.mulf %get3A_294, %mul3A_296 : vector<16xf32>
      %swap3A_298 = arith.index_cast %scan3A_172 : i32 to index
      %swap3A_299 = arith.constant 160 : index
      %swap3A_300 = tpu.vector_load %arg6[%swap3A_298, %swap3A_299] {strides = array<i32>} : memref<64x768xf32, #tpu.memory_space<vmem>>, vector<1x16xf32>,
      %swap3A_301 = vector.shape_cast %swap3A_300 : vector<1x16xf32> to vector<16xf32>
      %swap3A_302 = vector.shape_cast %mul3A_297 : vector<16xf32> to vector<1x16xf32>
      tpu.vector_store %arg6[%swap3A_298, %swap3A_299], %swap3A_302 {strides = array<i32>} : memref<64x768xf32, #tpu.memory_space<vmem>>, vector<1x16xf32>,
      %get3A_303 = arith.index_cast %scan3A_172 : i32 to index
      %get3A_304 = arith.constant 176 : index
      %get3A_305 = tpu.vector_load %arg6[%get3A_303, %get3A_304] {strides = array<i32>} : memref<64x768xf32, #tpu.memory_space<vmem>>, vector<1x16xf32>,
      %get3A_306 = vector.shape_cast %get3A_305 : vector<1x16xf32> to vector<16xf32>
      %mul3A_307 = arith.constant 8.000000e+00 : f32
      %mul3A_308 = vector.broadcast %mul3A_307 : f32 to vector<16xf32>
      %mul3A_309 = arith.mulf %get3A_306, %mul3A_308 : vector<16xf32>
      %swap3A_310 = arith.index_cast %scan3A_172 : i32 to index
      %swap3A_311 = arith.constant 176 : index
      %swap3A_312 = tpu.vector_load %arg6[%swap3A_310, %swap3A_311] {strides = array<i32>} : memref<64x768xf32, #tpu.memory_space<vmem>>, vector<1x16xf32>,
      %swap3A_313 = vector.shape_cast %swap3A_312 : vector<1x16xf32> to vector<16xf32>
      %swap3A_314 = vector.shape_cast %mul3A_309 : vector<16xf32> to vector<1x16xf32>
      tpu.vector_store %arg6[%swap3A_310, %swap3A_311], %swap3A_314 {strides = array<i32>} : memref<64x768xf32, #tpu.memory_space<vmem>>, vector<1x16xf32>,
      %get3A_315 = arith.index_cast %scan3A_172 : i32 to index
      %get3A_316 = arith.constant 192 : index
      %get3A_317 = tpu.vector_load %arg6[%get3A_315, %get3A_316] {strides = array<i32>} : memref<64x768xf32, #tpu.memory_space<vmem>>, vector<1x16xf32>,
      %get3A_318 = vector.shape_cast %get3A_317 : vector<1x16xf32> to vector<16xf32>
      %mul3A_319 = arith.constant 8.000000e+00 : f32
      %mul3A_320 = vector.broadcast %mul3A_319 : f32 to vector<16xf32>
      %mul3A_321 = arith.mulf %get3A_318, %mul3A_320 : vector<16xf32>
      %swap3A_322 = arith.index_cast %scan3A_172 : i32 to index
      %swap3A_323 = arith.constant 192 : index
      %swap3A_324 = tpu.vector_load %arg6[%swap3A_322, %swap3A_323] {strides = array<i32>} : memref<64x768xf32, #tpu.memory_space<vmem>>, vector<1x16xf32>,
      %swap3A_325 = vector.shape_cast %swap3A_324 : vector<1x16xf32> to vector<16xf32>
      %swap3A_326 = vector.shape_cast %mul3A_321 : vector<16xf32> to vector<1x16xf32>
      tpu.vector_store %arg6[%swap3A_322, %swap3A_323], %swap3A_326 {strides = array<i32>} : memref<64x768xf32, #tpu.memory_space<vmem>>, vector<1x16xf32>,
      %get3A_327 = arith.index_cast %scan3A_172 : i32 to index
      %get3A_328 = arith.constant 208 : index
      %get3A_329 = tpu.vector_load %arg6[%get3A_327, %get3A_328] {strides = array<i32>} : memref<64x768xf32, #tpu.memory_space<vmem>>, vector<1x16xf32>,
      %get3A_330 = vector.shape_cast %get3A_329 : vector<1x16xf32> to vector<16xf32>
      %mul3A_331 = arith.constant 8.000000e+00 : f32
      %mul3A_332 = vector.broadcast %mul3A_331 : f32 to vector<16xf32>
      %mul3A_333 = arith.mulf %get3A_330, %mul3A_332 : vector<16xf32>
      %swap3A_334 = arith.index_cast %scan3A_172 : i32 to index
      %swap3A_335 = arith.constant 208 : index
      %swap3A_336 = tpu.vector_load %arg6[%swap3A_334, %swap3A_335] {strides = array<i32>} : memref<64x768xf32, #tpu.memory_space<vmem>>, vector<1x16xf32>,
      %swap3A_337 = vector.shape_cast %swap3A_336 : vector<1x16xf32> to vector<16xf32>
      %swap3A_338 = vector.shape_cast %mul3A_333 : vector<16xf32> to vector<1x16xf32>
      tpu.vector_store %arg6[%swap3A_334, %swap3A_335], %swap3A_338 {strides = array<i32>} : memref<64x768xf32, #tpu.memory_space<vmem>>, vector<1x16xf32>,
      %get3A_339 = arith.index_cast %scan3A_172 : i32 to index
      %get3A_340 = arith.constant 224 : index
      %get3A_341 = tpu.vector_load %arg6[%get3A_339, %get3A_340] {strides = array<i32>} : memref<64x768xf32, #tpu.memory_space<vmem>>, vector<1x16xf32>,
      %get3A_342 = vector.shape_cast %get3A_341 : vector<1x16xf32> to vector<16xf32>
      %mul3A_343 = arith.constant 8.000000e+00 : f32
      %mul3A_344 = vector.broadcast %mul3A_343 : f32 to vector<16xf32>
      %mul3A_345 = arith.mulf %get3A_342, %mul3A_344 : vector<16xf32>
      %swap3A_346 = arith.index_cast %scan3A_172 : i32 to index
      %swap3A_347 = arith.constant 224 : index
      %swap3A_348 = tpu.vector_load %arg6[%swap3A_346, %swap3A_347] {strides = array<i32>} : memref<64x768xf32, #tpu.memory_space<vmem>>, vector<1x16xf32>,
      %swap3A_349 = vector.shape_cast %swap3A_348 : vector<1x16xf32> to vector<16xf32>
      %swap3A_350 = vector.shape_cast %mul3A_345 : vector<16xf32> to vector<1x16xf32>
      tpu.vector_store %arg6[%swap3A_346, %swap3A_347], %swap3A_350 {strides = array<i32>} : memref<64x768xf32, #tpu.memory_space<vmem>>, vector<1x16xf32>,
      %get3A_351 = arith.index_cast %scan3A_172 : i32 to index
      %get3A_352 = arith.constant 240 : index
      %get3A_353 = tpu.vector_load %arg6[%get3A_351, %get3A_352] {strides = array<i32>} : memref<64x768xf32, #tpu.memory_space<vmem>>, vector<1x16xf32>,
      %get3A_354 = vector.shape_cast %get3A_353 : vector<1x16xf32> to vector<16xf32>
      %mul3A_355 = arith.constant 8.000000e+00 : f32
      %mul3A_356 = vector.broadcast %mul3A_355 : f32 to vector<16xf32>
      %mul3A_357 = arith.mulf %get3A_354, %mul3A_356 : vector<16xf32>
      %swap3A_358 = arith.index_cast %scan3A_172 : i32 to index
      %swap3A_359 = arith.constant 240 : index
      %swap3A_360 = tpu.vector_load %arg6[%swap3A_358, %swap3A_359] {strides = array<i32>} : memref<64x768xf32, #tpu.memory_space<vmem>>, vector<1x16xf32>,
      %swap3A_361 = vector.shape_cast %swap3A_360 : vector<1x16xf32> to vector<16xf32>
      %swap3A_362 = vector.shape_cast %mul3A_357 : vector<16xf32> to vector<1x16xf32>
      tpu.vector_store %arg6[%swap3A_358, %swap3A_359], %swap3A_362 {strides = array<i32>} : memref<64x768xf32, #tpu.memory_space<vmem>>, vector<1x16xf32>,
      %get3A_363 = arith.index_cast %scan3A_172 : i32 to index
      %get3A_364 = arith.constant 256 : index
      %get3A_365 = tpu.vector_load %arg6[%get3A_363, %get3A_364] {strides = array<i32>} : memref<64x768xf32, #tpu.memory_space<vmem>>, vector<1x16xf32>,
      %get3A_366 = vector.shape_cast %get3A_365 : vector<1x16xf32> to vector<16xf32>
      %mul3A_367 = arith.constant 8.000000e+00 : f32
      %mul3A_368 = vector.broadcast %mul3A_367 : f32 to vector<16xf32>
      %mul3A_369 = arith.mulf %get3A_366, %mul3A_368 : vector<16xf32>
      %swap3A_370 = arith.index_cast %scan3A_172 : i32 to index
      %swap3A_371 = arith.constant 256 : index
      %swap3A_372 = tpu.vector_load %arg6[%swap3A_370, %swap3A_371] {strides = array<i32>} : memref<64x768xf32, #tpu.memory_space<vmem>>, vector<1x16xf32>,
      %swap3A_373 = vector.shape_cast %swap3A_372 : vector<1x16xf32> to vector<16xf32>
      %swap3A_374 = vector.shape_cast %mul3A_369 : vector<16xf32> to vector<1x16xf32>
      tpu.vector_store %arg6[%swap3A_370, %swap3A_371], %swap3A_374 {strides = array<i32>} : memref<64x768xf32, #tpu.memory_space<vmem>>, vector<1x16xf32>,
      %get3A_375 = arith.index_cast %scan3A_172 : i32 to index
      %get3A_376 = arith.constant 272 : index
      %get3A_377 = tpu.vector_load %arg6[%get3A_375, %get3A_376] {strides = array<i32>} : memref<64x768xf32, #tpu.memory_space<vmem>>, vector<1x16xf32>,
      %get3A_378 = vector.shape_cast %get3A_377 : vector<1x16xf32> to vector<16xf32>
      %mul3A_379 = arith.constant 8.000000e+00 : f32
      %mul3A_380 = vector.broadcast %mul3A_379 : f32 to vector<16xf32>
      %mul3A_381 = arith.mulf %get3A_378, %mul3A_380 : vector<16xf32>
      %swap3A_382 = arith.index_cast %scan3A_172 : i32 to index
      %swap3A_383 = arith.constant 272 : index
      %swap3A_384 = tpu.vector_load %arg6[%swap3A_382, %swap3A_383] {strides = array<i32>} : memref<64x768xf32, #tpu.memory_space<vmem>>, vector<1x16xf32>,
      %swap3A_385 = vector.shape_cast %swap3A_384 : vector<1x16xf32> to vector<16xf32>
      %swap3A_386 = vector.shape_cast %mul3A_381 : vector<16xf32> to vector<1x16xf32>
      tpu.vector_store %arg6[%swap3A_382, %swap3A_383], %swap3A_386 {strides = array<i32>} : memref<64x768xf32, #tpu.memory_space<vmem>>, vector<1x16xf32>,
      %get3A_387 = arith.index_cast %scan3A_172 : i32 to index
      %get3A_388 = arith.constant 288 : index
      %get3A_389 = tpu.vector_load %arg6[%get3A_387, %get3A_388] {strides = array<i32>} : memref<64x768xf32, #tpu.memory_space<vmem>>, vector<1x16xf32>,
      %get3A_390 = vector.shape_cast %get3A_389 : vector<1x16xf32> to vector<16xf32>
      %mul3A_391 = arith.constant 8.000000e+00 : f32
      %mul3A_392 = vector.broadcast %mul3A_391 : f32 to vector<16xf32>
      %mul3A_393 = arith.mulf %get3A_390, %mul3A_392 : vector<16xf32>
      %swap3A_394 = arith.index_cast %scan3A_172 : i32 to index
      %swap3A_395 = arith.constant 288 : index
      %swap3A_396 = tpu.vector_load %arg6[%swap3A_394, %swap3A_395] {strides = array<i32>} : memref<64x768xf32, #tpu.memory_space<vmem>>, vector<1x16xf32>,
      %swap3A_397 = vector.shape_cast %swap3A_396 : vector<1x16xf32> to vector<16xf32>
      %swap3A_398 = vector.shape_cast %mul3A_393 : vector<16xf32> to vector<1x16xf32>
      tpu.vector_store %arg6[%swap3A_394, %swap3A_395], %swap3A_398 {strides = array<i32>} : memref<64x768xf32, #tpu.memory_space<vmem>>, vector<1x16xf32>,
      %get3A_399 = arith.index_cast %scan3A_172 : i32 to index
      %get3A_400 = arith.constant 304 : index
      %get3A_401 = tpu.vector_load %arg6[%get3A_399, %get3A_400] {strides = array<i32>} : memref<64x768xf32, #tpu.memory_space<vmem>>, vector<1x16xf32>,
      %get3A_402 = vector.shape_cast %get3A_401 : vector<1x16xf32> to vector<16xf32>
      %mul3A_403 = arith.constant 8.000000e+00 : f32
      %mul3A_404 = vector.broadcast %mul3A_403 : f32 to vector<16xf32>
      %mul3A_405 = arith.mulf %get3A_402, %mul3A_404 : vector<16xf32>
      %swap3A_406 = arith.index_cast %scan3A_172 : i32 to index
      %swap3A_407 = arith.constant 304 : index
      %swap3A_408 = tpu.vector_load %arg6[%swap3A_406, %swap3A_407] {strides = array<i32>} : memref<64x768xf32, #tpu.memory_space<vmem>>, vector<1x16xf32>,
      %swap3A_409 = vector.shape_cast %swap3A_408 : vector<1x16xf32> to vector<16xf32>
      %swap3A_410 = vector.shape_cast %mul3A_405 : vector<16xf32> to vector<1x16xf32>
      tpu.vector_store %arg6[%swap3A_406, %swap3A_407], %swap3A_410 {strides = array<i32>} : memref<64x768xf32, #tpu.memory_space<vmem>>, vector<1x16xf32>,
      %get3A_411 = arith.index_cast %scan3A_172 : i32 to index
      %get3A_412 = arith.constant 320 : index
      %get3A_413 = tpu.vector_load %arg6[%get3A_411, %get3A_412] {strides = array<i32>} : memref<64x768xf32, #tpu.memory_space<vmem>>, vector<1x16xf32>,
      %get3A_414 = vector.shape_cast %get3A_413 : vector<1x16xf32> to vector<16xf32>
      %mul3A_415 = arith.constant 8.000000e+00 : f32
      %mul3A_416 = vector.broadcast %mul3A_415 : f32 to vector<16xf32>
      %mul3A_417 = arith.mulf %get3A_414, %mul3A_416 : vector<16xf32>
      %swap3A_418 = arith.index_cast %scan3A_172 : i32 to index
      %swap3A_419 = arith.constant 320 : index
      %swap3A_420 = tpu.vector_load %arg6[%swap3A_418, %swap3A_419] {strides = array<i32>} : memref<64x768xf32, #tpu.memory_space<vmem>>, vector<1x16xf32>,
      %swap3A_421 = vector.shape_cast %swap3A_420 : vector<1x16xf32> to vector<16xf32>
      %swap3A_422 = vector.shape_cast %mul3A_417 : vector<16xf32> to vector<1x16xf32>
      tpu.vector_store %arg6[%swap3A_418, %swap3A_419], %swap3A_422 {strides = array<i32>} : memref<64x768xf32, #tpu.memory_space<vmem>>, vector<1x16xf32>,
      %get3A_423 = arith.index_cast %scan3A_172 : i32 to index
      %get3A_424 = arith.constant 336 : index
      %get3A_425 = tpu.vector_load %arg6[%get3A_423, %get3A_424] {strides = array<i32>} : memref<64x768xf32, #tpu.memory_space<vmem>>, vector<1x16xf32>,
      %get3A_426 = vector.shape_cast %get3A_425 : vector<1x16xf32> to vector<16xf32>
      %mul3A_427 = arith.constant 8.000000e+00 : f32
      %mul3A_428 = vector.broadcast %mul3A_427 : f32 to vector<16xf32>
      %mul3A_429 = arith.mulf %get3A_426, %mul3A_428 : vector<16xf32>
      %swap3A_430 = arith.index_cast %scan3A_172 : i32 to index
      %swap3A_431 = arith.constant 336 : index
      %swap3A_432 = tpu.vector_load %arg6[%swap3A_430, %swap3A_431] {strides = array<i32>} : memref<64x768xf32, #tpu.memory_space<vmem>>, vector<1x16xf32>,
      %swap3A_433 = vector.shape_cast %swap3A_432 : vector<1x16xf32> to vector<16xf32>
      %swap3A_434 = vector.shape_cast %mul3A_429 : vector<16xf32> to vector<1x16xf32>
      tpu.vector_store %arg6[%swap3A_430, %swap3A_431], %swap3A_434 {strides = array<i32>} : memref<64x768xf32, #tpu.memory_space<vmem>>, vector<1x16xf32>,
      %get3A_435 = arith.index_cast %scan3A_172 : i32 to index
      %get3A_436 = arith.constant 352 : index
      %get3A_437 = tpu.vector_load %arg6[%get3A_435, %get3A_436] {strides = array<i32>} : memref<64x768xf32, #tpu.memory_space<vmem>>, vector<1x16xf32>,
      %get3A_438 = vector.shape_cast %get3A_437 : vector<1x16xf32> to vector<16xf32>
      %mul3A_439 = arith.constant 8.000000e+00 : f32
      %mul3A_440 = vector.broadcast %mul3A_439 : f32 to vector<16xf32>
      %mul3A_441 = arith.mulf %get3A_438, %mul3A_440 : vector<16xf32>
      %swap3A_442 = arith.index_cast %scan3A_172 : i32 to index
      %swap3A_443 = arith.constant 352 : index
      %swap3A_444 = tpu.vector_load %arg6[%swap3A_442, %swap3A_443] {strides = array<i32>} : memref<64x768xf32, #tpu.memory_space<vmem>>, vector<1x16xf32>,
      %swap3A_445 = vector.shape_cast %swap3A_444 : vector<1x16xf32> to vector<16xf32>
      %swap3A_446 = vector.shape_cast %mul3A_441 : vector<16xf32> to vector<1x16xf32>
      tpu.vector_store %arg6[%swap3A_442, %swap3A_443], %swap3A_446 {strides = array<i32>} : memref<64x768xf32, #tpu.memory_space<vmem>>, vector<1x16xf32>,
      %get3A_447 = arith.index_cast %scan3A_172 : i32 to index
      %get3A_448 = arith.constant 368 : index
      %get3A_449 = tpu.vector_load %arg6[%get3A_447, %get3A_448] {strides = array<i32>} : memref<64x768xf32, #tpu.memory_space<vmem>>, vector<1x16xf32>,
      %get3A_450 = vector.shape_cast %get3A_449 : vector<1x16xf32> to vector<16xf32>
      %mul3A_451 = arith.constant 8.000000e+00 : f32
      %mul3A_452 = vector.broadcast %mul3A_451 : f32 to vector<16xf32>
      %mul3A_453 = arith.mulf %get3A_450, %mul3A_452 : vector<16xf32>
      %swap3A_454 = arith.index_cast %scan3A_172 : i32 to index
      %swap3A_455 = arith.constant 368 : index
      %swap3A_456 = tpu.vector_load %arg6[%swap3A_454, %swap3A_455] {strides = array<i32>} : memref<64x768xf32, #tpu.memory_space<vmem>>, vector<1x16xf32>,
      %swap3A_457 = vector.shape_cast %swap3A_456 : vector<1x16xf32> to vector<16xf32>
      %swap3A_458 = vector.shape_cast %mul3A_453 : vector<16xf32> to vector<1x16xf32>
      tpu.vector_store %arg6[%swap3A_454, %swap3A_455], %swap3A_458 {strides = array<i32>} : memref<64x768xf32, #tpu.memory_space<vmem>>, vector<1x16xf32>,
      %get3A_459 = arith.index_cast %scan3A_172 : i32 to index
      %get3A_460 = arith.constant 384 : index
      %get3A_461 = tpu.vector_load %arg6[%get3A_459, %get3A_460] {strides = array<i32>} : memref<64x768xf32, #tpu.memory_space<vmem>>, vector<1x16xf32>,
      %get3A_462 = vector.shape_cast %get3A_461 : vector<1x16xf32> to vector<16xf32>
      %mul3A_463 = arith.constant 8.000000e+00 : f32
      %mul3A_464 = vector.broadcast %mul3A_463 : f32 to vector<16xf32>
      %mul3A_465 = arith.mulf %get3A_462, %mul3A_464 : vector<16xf32>
      %swap3A_466 = arith.index_cast %scan3A_172 : i32 to index
      %swap3A_467 = arith.constant 384 : index
      %swap3A_468 = tpu.vector_load %arg6[%swap3A_466, %swap3A_467] {strides = array<i32>} : memref<64x768xf32, #tpu.memory_space<vmem>>, vector<1x16xf32>,
      %swap3A_469 = vector.shape_cast %swap3A_468 : vector<1x16xf32> to vector<16xf32>
      %swap3A_470 = vector.shape_cast %mul3A_465 : vector<16xf32> to vector<1x16xf32>
      tpu.vector_store %arg6[%swap3A_466, %swap3A_467], %swap3A_470 {strides = array<i32>} : memref<64x768xf32, #tpu.memory_space<vmem>>, vector<1x16xf32>,
      %get3A_471 = arith.index_cast %scan3A_172 : i32 to index
      %get3A_472 = arith.constant 400 : index
      %get3A_473 = tpu.vector_load %arg6[%get3A_471, %get3A_472] {strides = array<i32>} : memref<64x768xf32, #tpu.memory_space<vmem>>, vector<1x16xf32>,
      %get3A_474 = vector.shape_cast %get3A_473 : vector<1x16xf32> to vector<16xf32>
      %mul3A_475 = arith.constant 8.000000e+00 : f32
      %mul3A_476 = vector.broadcast %mul3A_475 : f32 to vector<16xf32>
      %mul3A_477 = arith.mulf %get3A_474, %mul3A_476 : vector<16xf32>
      %swap3A_478 = arith.index_cast %scan3A_172 : i32 to index
      %swap3A_479 = arith.constant 400 : index
      %swap3A_480 = tpu.vector_load %arg6[%swap3A_478, %swap3A_479] {strides = array<i32>} : memref<64x768xf32, #tpu.memory_space<vmem>>, vector<1x16xf32>,
      %swap3A_481 = vector.shape_cast %swap3A_480 : vector<1x16xf32> to vector<16xf32>
      %swap3A_482 = vector.shape_cast %mul3A_477 : vector<16xf32> to vector<1x16xf32>
      tpu.vector_store %arg6[%swap3A_478, %swap3A_479], %swap3A_482 {strides = array<i32>} : memref<64x768xf32, #tpu.memory_space<vmem>>, vector<1x16xf32>,
      %get3A_483 = arith.index_cast %scan3A_172 : i32 to index
      %get3A_484 = arith.constant 416 : index
      %get3A_485 = tpu.vector_load %arg6[%get3A_483, %get3A_484] {strides = array<i32>} : memref<64x768xf32, #tpu.memory_space<vmem>>, vector<1x16xf32>,
      %get3A_486 = vector.shape_cast %get3A_485 : vector<1x16xf32> to vector<16xf32>
      %mul3A_487 = arith.constant 8.000000e+00 : f32
      %mul3A_488 = vector.broadcast %mul3A_487 : f32 to vector<16xf32>
      %mul3A_489 = arith.mulf %get3A_486, %mul3A_488 : vector<16xf32>
      %swap3A_490 = arith.index_cast %scan3A_172 : i32 to index
      %swap3A_491 = arith.constant 416 : index
      %swap3A_492 = tpu.vector_load %arg6[%swap3A_490, %swap3A_491] {strides = array<i32>} : memref<64x768xf32, #tpu.memory_space<vmem>>, vector<1x16xf32>,
      %swap3A_493 = vector.shape_cast %swap3A_492 : vector<1x16xf32> to vector<16xf32>
      %swap3A_494 = vector.shape_cast %mul3A_489 : vector<16xf32> to vector<1x16xf32>
      tpu.vector_store %arg6[%swap3A_490, %swap3A_491], %swap3A_494 {strides = array<i32>} : memref<64x768xf32, #tpu.memory_space<vmem>>, vector<1x16xf32>,
      %get3A_495 = arith.index_cast %scan3A_172 : i32 to index
      %get3A_496 = arith.constant 432 : index
      %get3A_497 = tpu.vector_load %arg6[%get3A_495, %get3A_496] {strides = array<i32>} : memref<64x768xf32, #tpu.memory_space<vmem>>, vector<1x16xf32>,
      %get3A_498 = vector.shape_cast %get3A_497 : vector<1x16xf32> to vector<16xf32>
      %mul3A_499 = arith.constant 8.000000e+00 : f32
      %mul3A_500 = vector.broadcast %mul3A_499 : f32 to vector<16xf32>
      %mul3A_501 = arith.mulf %get3A_498, %mul3A_500 : vector<16xf32>
      %swap3A_502 = arith.index_cast %scan3A_172 : i32 to index
      %swap3A_503 = arith.constant 432 : index
      %swap3A_504 = tpu.vector_load %arg6[%swap3A_502, %swap3A_503] {strides = array<i32>} : memref<64x768xf32, #tpu.memory_space<vmem>>, vector<1x16xf32>,
      %swap3A_505 = vector.shape_cast %swap3A_504 : vector<1x16xf32> to vector<16xf32>
      %swap3A_506 = vector.shape_cast %mul3A_501 : vector<16xf32> to vector<1x16xf32>
      tpu.vector_store %arg6[%swap3A_502, %swap3A_503], %swap3A_506 {strides = array<i32>} : memref<64x768xf32, #tpu.memory_space<vmem>>, vector<1x16xf32>,
      %get3A_507 = arith.index_cast %scan3A_172 : i32 to index
      %get3A_508 = arith.constant 448 : index
      %get3A_509 = tpu.vector_load %arg6[%get3A_507, %get3A_508] {strides = array<i32>} : memref<64x768xf32, #tpu.memory_space<vmem>>, vector<1x16xf32>,
      %get3A_510 = vector.shape_cast %get3A_509 : vector<1x16xf32> to vector<16xf32>
      %mul3A_511 = arith.constant 8.000000e+00 : f32
      %mul3A_512 = vector.broadcast %mul3A_511 : f32 to vector<16xf32>
      %mul3A_513 = arith.mulf %get3A_510, %mul3A_512 : vector<16xf32>
      %swap3A_514 = arith.index_cast %scan3A_172 : i32 to index
      %swap3A_515 = arith.constant 448 : index
      %swap3A_516 = tpu.vector_load %arg6[%swap3A_514, %swap3A_515] {strides = array<i32>} : memref<64x768xf32, #tpu.memory_space<vmem>>, vector<1x16xf32>,
      %swap3A_517 = vector.shape_cast %swap3A_516 : vector<1x16xf32> to vector<16xf32>
      %swap3A_518 = vector.shape_cast %mul3A_513 : vector<16xf32> to vector<1x16xf32>
      tpu.vector_store %arg6[%swap3A_514, %swap3A_515], %swap3A_518 {strides = array<i32>} : memref<64x768xf32, #tpu.memory_space<vmem>>, vector<1x16xf32>,
      %get3A_519 = arith.index_cast %scan3A_172 : i32 to index
      %get3A_520 = arith.constant 464 : index
      %get3A_521 = tpu.vector_load %arg6[%get3A_519, %get3A_520] {strides = array<i32>} : memref<64x768xf32, #tpu.memory_space<vmem>>, vector<1x16xf32>,
      %get3A_522 = vector.shape_cast %get3A_521 : vector<1x16xf32> to vector<16xf32>
      %mul3A_523 = arith.constant 8.000000e+00 : f32
      %mul3A_524 = vector.broadcast %mul3A_523 : f32 to vector<16xf32>
      %mul3A_525 = arith.mulf %get3A_522, %mul3A_524 : vector<16xf32>
      %swap3A_526 = arith.index_cast %scan3A_172 : i32 to index
      %swap3A_527 = arith.constant 464 : index
      %swap3A_528 = tpu.vector_load %arg6[%swap3A_526, %swap3A_527] {strides = array<i32>} : memref<64x768xf32, #tpu.memory_space<vmem>>, vector<1x16xf32>,
      %swap3A_529 = vector.shape_cast %swap3A_528 : vector<1x16xf32> to vector<16xf32>
      %swap3A_530 = vector.shape_cast %mul3A_525 : vector<16xf32> to vector<1x16xf32>
      tpu.vector_store %arg6[%swap3A_526, %swap3A_527], %swap3A_530 {strides = array<i32>} : memref<64x768xf32, #tpu.memory_space<vmem>>, vector<1x16xf32>,
      %get3A_531 = arith.index_cast %scan3A_172 : i32 to index
      %get3A_532 = arith.constant 480 : index
      %get3A_533 = tpu.vector_load %arg6[%get3A_531, %get3A_532] {strides = array<i32>} : memref<64x768xf32, #tpu.memory_space<vmem>>, vector<1x16xf32>,
      %get3A_534 = vector.shape_cast %get3A_533 : vector<1x16xf32> to vector<16xf32>
      %mul3A_535 = arith.constant 8.000000e+00 : f32
      %mul3A_536 = vector.broadcast %mul3A_535 : f32 to vector<16xf32>
      %mul3A_537 = arith.mulf %get3A_534, %mul3A_536 : vector<16xf32>
      %swap3A_538 = arith.index_cast %scan3A_172 : i32 to index
      %swap3A_539 = arith.constant 480 : index
      %swap3A_540 = tpu.vector_load %arg6[%swap3A_538, %swap3A_539] {strides = array<i32>} : memref<64x768xf32, #tpu.memory_space<vmem>>, vector<1x16xf32>,
      %swap3A_541 = vector.shape_cast %swap3A_540 : vector<1x16xf32> to vector<16xf32>
      %swap3A_542 = vector.shape_cast %mul3A_537 : vector<16xf32> to vector<1x16xf32>
      tpu.vector_store %arg6[%swap3A_538, %swap3A_539], %swap3A_542 {strides = array<i32>} : memref<64x768xf32, #tpu.memory_space<vmem>>, vector<1x16xf32>,
      %get3A_543 = arith.index_cast %scan3A_172 : i32 to index
      %get3A_544 = arith.constant 496 : index
      %get3A_545 = tpu.vector_load %arg6[%get3A_543, %get3A_544] {strides = array<i32>} : memref<64x768xf32, #tpu.memory_space<vmem>>, vector<1x16xf32>,
      %get3A_546 = vector.shape_cast %get3A_545 : vector<1x16xf32> to vector<16xf32>
      %mul3A_547 = arith.constant 8.000000e+00 : f32
      %mul3A_548 = vector.broadcast %mul3A_547 : f32 to vector<16xf32>
      %mul3A_549 = arith.mulf %get3A_546, %mul3A_548 : vector<16xf32>
      %swap3A_550 = arith.index_cast %scan3A_172 : i32 to index
      %swap3A_551 = arith.constant 496 : index
      %swap3A_552 = tpu.vector_load %arg6[%swap3A_550, %swap3A_551] {strides = array<i32>} : memref<64x768xf32, #tpu.memory_space<vmem>>, vector<1x16xf32>,
      %swap3A_553 = vector.shape_cast %swap3A_552 : vector<1x16xf32> to vector<16xf32>
      %swap3A_554 = vector.shape_cast %mul3A_549 : vector<16xf32> to vector<1x16xf32>
      tpu.vector_store %arg6[%swap3A_550, %swap3A_551], %swap3A_554 {strides = array<i32>} : memref<64x768xf32, #tpu.memory_space<vmem>>, vector<1x16xf32>,
      %get3A_555 = arith.index_cast %scan3A_172 : i32 to index
      %get3A_556 = arith.constant 512 : index
      %get3A_557 = tpu.vector_load %arg6[%get3A_555, %get3A_556] {strides = array<i32>} : memref<64x768xf32, #tpu.memory_space<vmem>>, vector<1x16xf32>,
      %get3A_558 = vector.shape_cast %get3A_557 : vector<1x16xf32> to vector<16xf32>
      %mul3A_559 = arith.constant 8.000000e+00 : f32
      %mul3A_560 = vector.broadcast %mul3A_559 : f32 to vector<16xf32>
      %mul3A_561 = arith.mulf %get3A_558, %mul3A_560 : vector<16xf32>
      %swap3A_562 = arith.index_cast %scan3A_172 : i32 to index
      %swap3A_563 = arith.constant 512 : index
      %swap3A_564 = tpu.vector_load %arg6[%swap3A_562, %swap3A_563] {strides = array<i32>} : memref<64x768xf32, #tpu.memory_space<vmem>>, vector<1x16xf32>,
      %swap3A_565 = vector.shape_cast %swap3A_564 : vector<1x16xf32> to vector<16xf32>
      %swap3A_566 = vector.shape_cast %mul3A_561 : vector<16xf32> to vector<1x16xf32>
      tpu.vector_store %arg6[%swap3A_562, %swap3A_563], %swap3A_566 {strides = array<i32>} : memref<64x768xf32, #tpu.memory_space<vmem>>, vector<1x16xf32>,
      %get3A_567 = arith.index_cast %scan3A_172 : i32 to index
      %get3A_568 = arith.constant 528 : index
      %get3A_569 = tpu.vector_load %arg6[%get3A_567, %get3A_568] {strides = array<i32>} : memref<64x768xf32, #tpu.memory_space<vmem>>, vector<1x16xf32>,
      %get3A_570 = vector.shape_cast %get3A_569 : vector<1x16xf32> to vector<16xf32>
      %mul3A_571 = arith.constant 8.000000e+00 : f32
      %mul3A_572 = vector.broadcast %mul3A_571 : f32 to vector<16xf32>
      %mul3A_573 = arith.mulf %get3A_570, %mul3A_572 : vector<16xf32>
      %swap3A_574 = arith.index_cast %scan3A_172 : i32 to index
      %swap3A_575 = arith.constant 528 : index
      %swap3A_576 = tpu.vector_load %arg6[%swap3A_574, %swap3A_575] {strides = array<i32>} : memref<64x768xf32, #tpu.memory_space<vmem>>, vector<1x16xf32>,
      %swap3A_577 = vector.shape_cast %swap3A_576 : vector<1x16xf32> to vector<16xf32>
      %swap3A_578 = vector.shape_cast %mul3A_573 : vector<16xf32> to vector<1x16xf32>
      tpu.vector_store %arg6[%swap3A_574, %swap3A_575], %swap3A_578 {strides = array<i32>} : memref<64x768xf32, #tpu.memory_space<vmem>>, vector<1x16xf32>,
      %get3A_579 = arith.index_cast %scan3A_172 : i32 to index
      %get3A_580 = arith.constant 544 : index
      %get3A_581 = tpu.vector_load %arg6[%get3A_579, %get3A_580] {strides = array<i32>} : memref<64x768xf32, #tpu.memory_space<vmem>>, vector<1x16xf32>,
      %get3A_582 = vector.shape_cast %get3A_581 : vector<1x16xf32> to vector<16xf32>
      %mul3A_583 = arith.constant 8.000000e+00 : f32
      %mul3A_584 = vector.broadcast %mul3A_583 : f32 to vector<16xf32>
      %mul3A_585 = arith.mulf %get3A_582, %mul3A_584 : vector<16xf32>
      %swap3A_586 = arith.index_cast %scan3A_172 : i32 to index
      %swap3A_587 = arith.constant 544 : index
      %swap3A_588 = tpu.vector_load %arg6[%swap3A_586, %swap3A_587] {strides = array<i32>} : memref<64x768xf32, #tpu.memory_space<vmem>>, vector<1x16xf32>,
      %swap3A_589 = vector.shape_cast %swap3A_588 : vector<1x16xf32> to vector<16xf32>
      %swap3A_590 = vector.shape_cast %mul3A_585 : vector<16xf32> to vector<1x16xf32>
      tpu.vector_store %arg6[%swap3A_586, %swap3A_587], %swap3A_590 {strides = array<i32>} : memref<64x768xf32, #tpu.memory_space<vmem>>, vector<1x16xf32>,
      %get3A_591 = arith.index_cast %scan3A_172 : i32 to index
      %get3A_592 = arith.constant 560 : index
      %get3A_593 = tpu.vector_load %arg6[%get3A_591, %get3A_592] {strides = array<i32>} : memref<64x768xf32, #tpu.memory_space<vmem>>, vector<1x16xf32>,
      %get3A_594 = vector.shape_cast %get3A_593 : vector<1x16xf32> to vector<16xf32>
      %mul3A_595 = arith.constant 8.000000e+00 : f32
      %mul3A_596 = vector.broadcast %mul3A_595 : f32 to vector<16xf32>
      %mul3A_597 = arith.mulf %get3A_594, %mul3A_596 : vector<16xf32>
      %swap3A_598 = arith.index_cast %scan3A_172 : i32 to index
      %swap3A_599 = arith.constant 560 : index
      %swap3A_600 = tpu.vector_load %arg6[%swap3A_598, %swap3A_599] {strides = array<i32>} : memref<64x768xf32, #tpu.memory_space<vmem>>, vector<1x16xf32>,
      %swap3A_601 = vector.shape_cast %swap3A_600 : vector<1x16xf32> to vector<16xf32>
      %swap3A_602 = vector.shape_cast %mul3A_597 : vector<16xf32> to vector<1x16xf32>
      tpu.vector_store %arg6[%swap3A_598, %swap3A_599], %swap3A_602 {strides = array<i32>} : memref<64x768xf32, #tpu.memory_space<vmem>>, vector<1x16xf32>,
      %get3A_603 = arith.index_cast %scan3A_172 : i32 to index
      %get3A_604 = arith.constant 576 : index
      %get3A_605 = tpu.vector_load %arg6[%get3A_603, %get3A_604] {strides = array<i32>} : memref<64x768xf32, #tpu.memory_space<vmem>>, vector<1x16xf32>,
      %get3A_606 = vector.shape_cast %get3A_605 : vector<1x16xf32> to vector<16xf32>
      %mul3A_607 = arith.constant 8.000000e+00 : f32
      %mul3A_608 = vector.broadcast %mul3A_607 : f32 to vector<16xf32>
      %mul3A_609 = arith.mulf %get3A_606, %mul3A_608 : vector<16xf32>
      %swap3A_610 = arith.index_cast %scan3A_172 : i32 to index
      %swap3A_611 = arith.constant 576 : index
      %swap3A_612 = tpu.vector_load %arg6[%swap3A_610, %swap3A_611] {strides = array<i32>} : memref<64x768xf32, #tpu.memory_space<vmem>>, vector<1x16xf32>,
      %swap3A_613 = vector.shape_cast %swap3A_612 : vector<1x16xf32> to vector<16xf32>
      %swap3A_614 = vector.shape_cast %mul3A_609 : vector<16xf32> to vector<1x16xf32>
      tpu.vector_store %arg6[%swap3A_610, %swap3A_611], %swap3A_614 {strides = array<i32>} : memref<64x768xf32, #tpu.memory_space<vmem>>, vector<1x16xf32>,
      %get3A_615 = arith.index_cast %scan3A_172 : i32 to index
      %get3A_616 = arith.constant 592 : index
      %get3A_617 = tpu.vector_load %arg6[%get3A_615, %get3A_616] {strides = array<i32>} : memref<64x768xf32, #tpu.memory_space<vmem>>, vector<1x16xf32>,
      %get3A_618 = vector.shape_cast %get3A_617 : vector<1x16xf32> to vector<16xf32>
      %mul3A_619 = arith.constant 8.000000e+00 : f32
      %mul3A_620 = vector.broadcast %mul3A_619 : f32 to vector<16xf32>
      %mul3A_621 = arith.mulf %get3A_618, %mul3A_620 : vector<16xf32>
      %swap3A_622 = arith.index_cast %scan3A_172 : i32 to index
      %swap3A_623 = arith.constant 592 : index
      %swap3A_624 = tpu.vector_load %arg6[%swap3A_622, %swap3A_623] {strides = array<i32>} : memref<64x768xf32, #tpu.memory_space<vmem>>, vector<1x16xf32>,
      %swap3A_625 = vector.shape_cast %swap3A_624 : vector<1x16xf32> to vector<16xf32>
      %swap3A_626 = vector.shape_cast %mul3A_621 : vector<16xf32> to vector<1x16xf32>
      tpu.vector_store %arg6[%swap3A_622, %swap3A_623], %swap3A_626 {strides = array<i32>} : memref<64x768xf32, #tpu.memory_space<vmem>>, vector<1x16xf32>,
      %get3A_627 = arith.index_cast %scan3A_172 : i32 to index
      %get3A_628 = arith.constant 608 : index
      %get3A_629 = tpu.vector_load %arg6[%get3A_627, %get3A_628] {strides = array<i32>} : memref<64x768xf32, #tpu.memory_space<vmem>>, vector<1x16xf32>,
      %get3A_630 = vector.shape_cast %get3A_629 : vector<1x16xf32> to vector<16xf32>
      %mul3A_631 = arith.constant 8.000000e+00 : f32
      %mul3A_632 = vector.broadcast %mul3A_631 : f32 to vector<16xf32>
      %mul3A_633 = arith.mulf %get3A_630, %mul3A_632 : vector<16xf32>
      %swap3A_634 = arith.index_cast %scan3A_172 : i32 to index
      %swap3A_635 = arith.constant 608 : index
      %swap3A_636 = tpu.vector_load %arg6[%swap3A_634, %swap3A_635] {strides = array<i32>} : memref<64x768xf32, #tpu.memory_space<vmem>>, vector<1x16xf32>,
      %swap3A_637 = vector.shape_cast %swap3A_636 : vector<1x16xf32> to vector<16xf32>
      %swap3A_638 = vector.shape_cast %mul3A_633 : vector<16xf32> to vector<1x16xf32>
      tpu.vector_store %arg6[%swap3A_634, %swap3A_635], %swap3A_638 {strides = array<i32>} : memref<64x768xf32, #tpu.memory_space<vmem>>, vector<1x16xf32>,
      %get3A_639 = arith.index_cast %scan3A_172 : i32 to index
      %get3A_640 = arith.constant 624 : index
      %get3A_641 = tpu.vector_load %arg6[%get3A_639, %get3A_640] {strides = array<i32>} : memref<64x768xf32, #tpu.memory_space<vmem>>, vector<1x16xf32>,
      %get3A_642 = vector.shape_cast %get3A_641 : vector<1x16xf32> to vector<16xf32>
      %mul3A_643 = arith.constant 8.000000e+00 : f32
      %mul3A_644 = vector.broadcast %mul3A_643 : f32 to vector<16xf32>
      %mul3A_645 = arith.mulf %get3A_642, %mul3A_644 : vector<16xf32>
      %swap3A_646 = arith.index_cast %scan3A_172 : i32 to index
      %swap3A_647 = arith.constant 624 : index
      %swap3A_648 = tpu.vector_load %arg6[%swap3A_646, %swap3A_647] {strides = array<i32>} : memref<64x768xf32, #tpu.memory_space<vmem>>, vector<1x16xf32>,
      %swap3A_649 = vector.shape_cast %swap3A_648 : vector<1x16xf32> to vector<16xf32>
      %swap3A_650 = vector.shape_cast %mul3A_645 : vector<16xf32> to vector<1x16xf32>
      tpu.vector_store %arg6[%swap3A_646, %swap3A_647], %swap3A_650 {strides = array<i32>} : memref<64x768xf32, #tpu.memory_space<vmem>>, vector<1x16xf32>,
      %get3A_651 = arith.index_cast %scan3A_172 : i32 to index
      %get3A_652 = arith.constant 640 : index
      %get3A_653 = tpu.vector_load %arg6[%get3A_651, %get3A_652] {strides = array<i32>} : memref<64x768xf32, #tpu.memory_space<vmem>>, vector<1x16xf32>,
      %get3A_654 = vector.shape_cast %get3A_653 : vector<1x16xf32> to vector<16xf32>
      %mul3A_655 = arith.constant 8.000000e+00 : f32
      %mul3A_656 = vector.broadcast %mul3A_655 : f32 to vector<16xf32>
      %mul3A_657 = arith.mulf %get3A_654, %mul3A_656 : vector<16xf32>
      %swap3A_658 = arith.index_cast %scan3A_172 : i32 to index
      %swap3A_659 = arith.constant 640 : index
      %swap3A_660 = tpu.vector_load %arg6[%swap3A_658, %swap3A_659] {strides = array<i32>} : memref<64x768xf32, #tpu.memory_space<vmem>>, vector<1x16xf32>,
      %swap3A_661 = vector.shape_cast %swap3A_660 : vector<1x16xf32> to vector<16xf32>
      %swap3A_662 = vector.shape_cast %mul3A_657 : vector<16xf32> to vector<1x16xf32>
      tpu.vector_store %arg6[%swap3A_658, %swap3A_659], %swap3A_662 {strides = array<i32>} : memref<64x768xf32, #tpu.memory_space<vmem>>, vector<1x16xf32>,
      %get3A_663 = arith.index_cast %scan3A_172 : i32 to index
      %get3A_664 = arith.constant 656 : index
      %get3A_665 = tpu.vector_load %arg6[%get3A_663, %get3A_664] {strides = array<i32>} : memref<64x768xf32, #tpu.memory_space<vmem>>, vector<1x16xf32>,
      %get3A_666 = vector.shape_cast %get3A_665 : vector<1x16xf32> to vector<16xf32>
      %mul3A_667 = arith.constant 8.000000e+00 : f32
      %mul3A_668 = vector.broadcast %mul3A_667 : f32 to vector<16xf32>
      %mul3A_669 = arith.mulf %get3A_666, %mul3A_668 : vector<16xf32>
      %swap3A_670 = arith.index_cast %scan3A_172 : i32 to index
      %swap3A_671 = arith.constant 656 : index
      %swap3A_672 = tpu.vector_load %arg6[%swap3A_670, %swap3A_671] {strides = array<i32>} : memref<64x768xf32, #tpu.memory_space<vmem>>, vector<1x16xf32>,
      %swap3A_673 = vector.shape_cast %swap3A_672 : vector<1x16xf32> to vector<16xf32>
      %swap3A_674 = vector.shape_cast %mul3A_669 : vector<16xf32> to vector<1x16xf32>
      tpu.vector_store %arg6[%swap3A_670, %swap3A_671], %swap3A_674 {strides = array<i32>} : memref<64x768xf32, #tpu.memory_space<vmem>>, vector<1x16xf32>,
      %get3A_675 = arith.index_cast %scan3A_172 : i32 to index
      %get3A_676 = arith.constant 672 : index
      %get3A_677 = tpu.vector_load %arg6[%get3A_675, %get3A_676] {strides = array<i32>} : memref<64x768xf32, #tpu.memory_space<vmem>>, vector<1x16xf32>,
      %get3A_678 = vector.shape_cast %get3A_677 : vector<1x16xf32> to vector<16xf32>
      %mul3A_679 = arith.constant 8.000000e+00 : f32
      %mul3A_680 = vector.broadcast %mul3A_679 : f32 to vector<16xf32>
      %mul3A_681 = arith.mulf %get3A_678, %mul3A_680 : vector<16xf32>
      %swap3A_682 = arith.index_cast %scan3A_172 : i32 to index
      %swap3A_683 = arith.constant 672 : index
      %swap3A_684 = tpu.vector_load %arg6[%swap3A_682, %swap3A_683] {strides = array<i32>} : memref<64x768xf32, #tpu.memory_space<vmem>>, vector<1x16xf32>,
      %swap3A_685 = vector.shape_cast %swap3A_684 : vector<1x16xf32> to vector<16xf32>
      %swap3A_686 = vector.shape_cast %mul3A_681 : vector<16xf32> to vector<1x16xf32>
      tpu.vector_store %arg6[%swap3A_682, %swap3A_683], %swap3A_686 {strides = array<i32>} : memref<64x768xf32, #tpu.memory_space<vmem>>, vector<1x16xf32>,
      %get3A_687 = arith.index_cast %scan3A_172 : i32 to index
      %get3A_688 = arith.constant 688 : index
      %get3A_689 = tpu.vector_load %arg6[%get3A_687, %get3A_688] {strides = array<i32>} : memref<64x768xf32, #tpu.memory_space<vmem>>, vector<1x16xf32>,
      %get3A_690 = vector.shape_cast %get3A_689 : vector<1x16xf32> to vector<16xf32>
      %mul3A_691 = arith.constant 8.000000e+00 : f32
      %mul3A_692 = vector.broadcast %mul3A_691 : f32 to vector<16xf32>
      %mul3A_693 = arith.mulf %get3A_690, %mul3A_692 : vector<16xf32>
      %swap3A_694 = arith.index_cast %scan3A_172 : i32 to index
      %swap3A_695 = arith.constant 688 : index
      %swap3A_696 = tpu.vector_load %arg6[%swap3A_694, %swap3A_695] {strides = array<i32>} : memref<64x768xf32, #tpu.memory_space<vmem>>, vector<1x16xf32>,
      %swap3A_697 = vector.shape_cast %swap3A_696 : vector<1x16xf32> to vector<16xf32>
      %swap3A_698 = vector.shape_cast %mul3A_693 : vector<16xf32> to vector<1x16xf32>
      tpu.vector_store %arg6[%swap3A_694, %swap3A_695], %swap3A_698 {strides = array<i32>} : memref<64x768xf32, #tpu.memory_space<vmem>>, vector<1x16xf32>,
      %get3A_699 = arith.index_cast %scan3A_172 : i32 to index
      %get3A_700 = arith.constant 704 : index
      %get3A_701 = tpu.vector_load %arg6[%get3A_699, %get3A_700] {strides = array<i32>} : memref<64x768xf32, #tpu.memory_space<vmem>>, vector<1x16xf32>,
      %get3A_702 = vector.shape_cast %get3A_701 : vector<1x16xf32> to vector<16xf32>
      %mul3A_703 = arith.constant 8.000000e+00 : f32
      %mul3A_704 = vector.broadcast %mul3A_703 : f32 to vector<16xf32>
      %mul3A_705 = arith.mulf %get3A_702, %mul3A_704 : vector<16xf32>
      %swap3A_706 = arith.index_cast %scan3A_172 : i32 to index
      %swap3A_707 = arith.constant 704 : index
      %swap3A_708 = tpu.vector_load %arg6[%swap3A_706, %swap3A_707] {strides = array<i32>} : memref<64x768xf32, #tpu.memory_space<vmem>>, vector<1x16xf32>,
      %swap3A_709 = vector.shape_cast %swap3A_708 : vector<1x16xf32> to vector<16xf32>
      %swap3A_710 = vector.shape_cast %mul3A_705 : vector<16xf32> to vector<1x16xf32>
      tpu.vector_store %arg6[%swap3A_706, %swap3A_707], %swap3A_710 {strides = array<i32>} : memref<64x768xf32, #tpu.memory_space<vmem>>, vector<1x16xf32>,
      %get3A_711 = arith.index_cast %scan3A_172 : i32 to index
      %get3A_712 = arith.constant 720 : index
      %get3A_713 = tpu.vector_load %arg6[%get3A_711, %get3A_712] {strides = array<i32>} : memref<64x768xf32, #tpu.memory_space<vmem>>, vector<1x16xf32>,
      %get3A_714 = vector.shape_cast %get3A_713 : vector<1x16xf32> to vector<16xf32>
      %mul3A_715 = arith.constant 8.000000e+00 : f32
      %mul3A_716 = vector.broadcast %mul3A_715 : f32 to vector<16xf32>
      %mul3A_717 = arith.mulf %get3A_714, %mul3A_716 : vector<16xf32>
      %swap3A_718 = arith.index_cast %scan3A_172 : i32 to index
      %swap3A_719 = arith.constant 720 : index
      %swap3A_720 = tpu.vector_load %arg6[%swap3A_718, %swap3A_719] {strides = array<i32>} : memref<64x768xf32, #tpu.memory_space<vmem>>, vector<1x16xf32>,
      %swap3A_721 = vector.shape_cast %swap3A_720 : vector<1x16xf32> to vector<16xf32>
      %swap3A_722 = vector.shape_cast %mul3A_717 : vector<16xf32> to vector<1x16xf32>
      tpu.vector_store %arg6[%swap3A_718, %swap3A_719], %swap3A_722 {strides = array<i32>} : memref<64x768xf32, #tpu.memory_space<vmem>>, vector<1x16xf32>,
      %get3A_723 = arith.index_cast %scan3A_172 : i32 to index
      %get3A_724 = arith.constant 736 : index
      %get3A_725 = tpu.vector_load %arg6[%get3A_723, %get3A_724] {strides = array<i32>} : memref<64x768xf32, #tpu.memory_space<vmem>>, vector<1x16xf32>,
      %get3A_726 = vector.shape_cast %get3A_725 : vector<1x16xf32> to vector<16xf32>
      %mul3A_727 = arith.constant 8.000000e+00 : f32
      %mul3A_728 = vector.broadcast %mul3A_727 : f32 to vector<16xf32>
      %mul3A_729 = arith.mulf %get3A_726, %mul3A_728 : vector<16xf32>
      %swap3A_730 = arith.index_cast %scan3A_172 : i32 to index
      %swap3A_731 = arith.constant 736 : index
      %swap3A_732 = tpu.vector_load %arg6[%swap3A_730, %swap3A_731] {strides = array<i32>} : memref<64x768xf32, #tpu.memory_space<vmem>>, vector<1x16xf32>,
      %swap3A_733 = vector.shape_cast %swap3A_732 : vector<1x16xf32> to vector<16xf32>
      %swap3A_734 = vector.shape_cast %mul3A_729 : vector<16xf32> to vector<1x16xf32>
      tpu.vector_store %arg6[%swap3A_730, %swap3A_731], %swap3A_734 {strides = array<i32>} : memref<64x768xf32, #tpu.memory_space<vmem>>, vector<1x16xf32>,
      %get3A_735 = arith.index_cast %scan3A_172 : i32 to index
      %get3A_736 = arith.constant 752 : index
      %get3A_737 = tpu.vector_load %arg6[%get3A_735, %get3A_736] {strides = array<i32>} : memref<64x768xf32, #tpu.memory_space<vmem>>, vector<1x16xf32>,
      %get3A_738 = vector.shape_cast %get3A_737 : vector<1x16xf32> to vector<16xf32>
      %mul3A_739 = arith.constant 8.000000e+00 : f32
      %mul3A_740 = vector.broadcast %mul3A_739 : f32 to vector<16xf32>
      %mul3A_741 = arith.mulf %get3A_738, %mul3A_740 : vector<16xf32>
      %swap3A_742 = arith.index_cast %scan3A_172 : i32 to index
      %swap3A_743 = arith.constant 752 : index
      %swap3A_744 = tpu.vector_load %arg6[%swap3A_742, %swap3A_743] {strides = array<i32>} : memref<64x768xf32, #tpu.memory_space<vmem>>, vector<1x16xf32>,
      %swap3A_745 = vector.shape_cast %swap3A_744 : vector<1x16xf32> to vector<16xf32>
      %swap3A_746 = vector.shape_cast %mul3A_741 : vector<16xf32> to vector<1x16xf32>
      tpu.vector_store %arg6[%swap3A_742, %swap3A_743], %swap3A_746 {strides = array<i32>} : memref<64x768xf32, #tpu.memory_space<vmem>>, vector<1x16xf32>,
    }
    %scan3A_69 = arith.constant 16 : i32
    %add3A_70 = arith.constant 16 : i32
    %add3A_71 = arith.addi %mul3A_2, %add3A_70 : i32
    %dma_start3A_72 = arith.constant 16 : i32
    %dma_start3A_73 = arith.constant 0 : i32
    %dma_start3A_74 = tpu.memref_slice %arg6[%dma_start3A_72, %dma_start3A_73] : memref<64x768xf32, #tpu.memory_space<vmem>> -> memref<16x768xf32, #tpu.memory_space<vmem>>
    %dma_start3A_75 = arith.constant 0 : i32
    %dma_start3A_76 = tpu.memref_slice %arg4[%add3A_71, %dma_start3A_75] : memref<2048x768xf32, #tpu.memory_space<hbm>> -> memref<16x768xf32, #tpu.memory_space<hbm>>
    %dma_start3A_77 = arith.constant 0 : i32
    %dma_start3A_78 = tpu.memref_slice %arg4[%add3A_71, %dma_start3A_77] : memref<2048x768xf32, #tpu.memory_space<hbm>> -> memref<16x768xf32, #tpu.memory_space<hbm>>
    %dma_start3A_79 = arith.constant 16 : i32
    %dma_start3A_80 = arith.constant 0 : i32
    %dma_start3A_81 = tpu.memref_slice %arg6[%dma_start3A_79, %dma_start3A_80] : memref<64x768xf32, #tpu.memory_space<vmem>> -> memref<16x768xf32, #tpu.memory_space<vmem>>
    tpu.enqueue_dma source(%dma_start3A_81 : memref<16x768xf32, #tpu.memory_space<vmem>>) target(%dma_start3A_78 : memref<16x768xf32, #tpu.memory_space<hbm>>) target_semaphore(%arg11 : memref<!tpu.dma_semaphore, #tpu.memory_space<semaphore_mem>>)
    %dma_wait3A_82 = arith.constant 32 : i32
    %dma_wait3A_83 = arith.constant 0 : i32
    %dma_wait3A_84 = tpu.memref_slice %arg6[%dma_wait3A_82, %dma_wait3A_83] : memref<64x768xf32, #tpu.memory_space<vmem>> -> memref<16x768xf32, #tpu.memory_space<vmem>>
    %dma_wait3A_85 = arith.constant 32 : i32
    %dma_wait3A_86 = tpu.memref_slice %arg5[%dma_wait3A_85] : memref<64xi32, #tpu.memory_space<vmem>> -> memref<16xi32, #tpu.memory_space<vmem>>
    %dma_wait3A_87 = arith.constant 0 : i32
    %dma_wait3A_88 = arith.constant 0 : i32
    %dma_wait3A_89 = tpu.memref_slice %arg3[%dma_wait3A_87, %dma_wait3A_88] : memref<100000x768xf32, #tpu.memory_space<hbm>> -> memref<100000x768xf32, #tpu.memory_space<hbm>>
    tpu.wait_indirect_dma semaphore(%arg9 : memref<!tpu.dma_semaphore, #tpu.memory_space<semaphore_mem>>) src(%dma_wait3A_89 : memref<100000x768xf32, #tpu.memory_space<hbm>>) dst(%dma_wait3A_84 : memref<16x768xf32, #tpu.memory_space<vmem>>)
    %scan3A_90 = arith.constant 32 : i32
    %scan3A_91 = arith.constant 16 : i32
    %scan3A_92 = arith.addi %scan3A_90, %scan3A_91 : i32
    %scan3A_93 = arith.constant 1 : i32
    scf.for %scan3A_172 = %scan3A_90 to %scan3A_92 step %scan3A_93  : i32 {
      %get3A = arith.index_cast %scan3A_172 : i32 to index
      %get3A_173 = arith.constant 0 : index
      %get3A_174 = tpu.vector_load %arg6[%get3A, %get3A_173] {strides = array<i32>} : memref<64x768xf32, #tpu.memory_space<vmem>>, vector<1x16xf32>,
      %get3A_175 = vector.shape_cast %get3A_174 : vector<1x16xf32> to vector<16xf32>
      %mul3A_176 = arith.constant 8.000000e+00 : f32
      %mul3A_177 = vector.broadcast %mul3A_176 : f32 to vector<16xf32>
      %mul3A_178 = arith.mulf %get3A_175, %mul3A_177 : vector<16xf32>
      %swap3A = arith.index_cast %scan3A_172 : i32 to index
      %swap3A_179 = arith.constant 0 : index
      %swap3A_180 = tpu.vector_load %arg6[%swap3A, %swap3A_179] {strides = array<i32>} : memref<64x768xf32, #tpu.memory_space<vmem>>, vector<1x16xf32>,
      %swap3A_181 = vector.shape_cast %swap3A_180 : vector<1x16xf32> to vector<16xf32>
      %swap3A_182 = vector.shape_cast %mul3A_178 : vector<16xf32> to vector<1x16xf32>
      tpu.vector_store %arg6[%swap3A, %swap3A_179], %swap3A_182 {strides = array<i32>} : memref<64x768xf32, #tpu.memory_space<vmem>>, vector<1x16xf32>,
      %get3A_183 = arith.index_cast %scan3A_172 : i32 to index
      %get3A_184 = arith.constant 16 : index
      %get3A_185 = tpu.vector_load %arg6[%get3A_183, %get3A_184] {strides = array<i32>} : memref<64x768xf32, #tpu.memory_space<vmem>>, vector<1x16xf32>,
      %get3A_186 = vector.shape_cast %get3A_185 : vector<1x16xf32> to vector<16xf32>
      %mul3A_187 = arith.constant 8.000000e+00 : f32
      %mul3A_188 = vector.broadcast %mul3A_187 : f32 to vector<16xf32>
      %mul3A_189 = arith.mulf %get3A_186, %mul3A_188 : vector<16xf32>
      %swap3A_190 = arith.index_cast %scan3A_172 : i32 to index
      %swap3A_191 = arith.constant 16 : index
      %swap3A_192 = tpu.vector_load %arg6[%swap3A_190, %swap3A_191] {strides = array<i32>} : memref<64x768xf32, #tpu.memory_space<vmem>>, vector<1x16xf32>,
      %swap3A_193 = vector.shape_cast %swap3A_192 : vector<1x16xf32> to vector<16xf32>
      %swap3A_194 = vector.shape_cast %mul3A_189 : vector<16xf32> to vector<1x16xf32>
      tpu.vector_store %arg6[%swap3A_190, %swap3A_191], %swap3A_194 {strides = array<i32>} : memref<64x768xf32, #tpu.memory_space<vmem>>, vector<1x16xf32>,
      %get3A_195 = arith.index_cast %scan3A_172 : i32 to index
      %get3A_196 = arith.constant 32 : index
      %get3A_197 = tpu.vector_load %arg6[%get3A_195, %get3A_196] {strides = array<i32>} : memref<64x768xf32, #tpu.memory_space<vmem>>, vector<1x16xf32>,
      %get3A_198 = vector.shape_cast %get3A_197 : vector<1x16xf32> to vector<16xf32>
      %mul3A_199 = arith.constant 8.000000e+00 : f32
      %mul3A_200 = vector.broadcast %mul3A_199 : f32 to vector<16xf32>
      %mul3A_201 = arith.mulf %get3A_198, %mul3A_200 : vector<16xf32>
      %swap3A_202 = arith.index_cast %scan3A_172 : i32 to index
      %swap3A_203 = arith.constant 32 : index
      %swap3A_204 = tpu.vector_load %arg6[%swap3A_202, %swap3A_203] {strides = array<i32>} : memref<64x768xf32, #tpu.memory_space<vmem>>, vector<1x16xf32>,
      %swap3A_205 = vector.shape_cast %swap3A_204 : vector<1x16xf32> to vector<16xf32>
      %swap3A_206 = vector.shape_cast %mul3A_201 : vector<16xf32> to vector<1x16xf32>
      tpu.vector_store %arg6[%swap3A_202, %swap3A_203], %swap3A_206 {strides = array<i32>} : memref<64x768xf32, #tpu.memory_space<vmem>>, vector<1x16xf32>,
      %get3A_207 = arith.index_cast %scan3A_172 : i32 to index
      %get3A_208 = arith.constant 48 : index
      %get3A_209 = tpu.vector_load %arg6[%get3A_207, %get3A_208] {strides = array<i32>} : memref<64x768xf32, #tpu.memory_space<vmem>>, vector<1x16xf32>,
      %get3A_210 = vector.shape_cast %get3A_209 : vector<1x16xf32> to vector<16xf32>
      %mul3A_211 = arith.constant 8.000000e+00 : f32
      %mul3A_212 = vector.broadcast %mul3A_211 : f32 to vector<16xf32>
      %mul3A_213 = arith.mulf %get3A_210, %mul3A_212 : vector<16xf32>
      %swap3A_214 = arith.index_cast %scan3A_172 : i32 to index
      %swap3A_215 = arith.constant 48 : index
      %swap3A_216 = tpu.vector_load %arg6[%swap3A_214, %swap3A_215] {strides = array<i32>} : memref<64x768xf32, #tpu.memory_space<vmem>>, vector<1x16xf32>,
      %swap3A_217 = vector.shape_cast %swap3A_216 : vector<1x16xf32> to vector<16xf32>
      %swap3A_218 = vector.shape_cast %mul3A_213 : vector<16xf32> to vector<1x16xf32>
      tpu.vector_store %arg6[%swap3A_214, %swap3A_215], %swap3A_218 {strides = array<i32>} : memref<64x768xf32, #tpu.memory_space<vmem>>, vector<1x16xf32>,
      %get3A_219 = arith.index_cast %scan3A_172 : i32 to index
      %get3A_220 = arith.constant 64 : index
      %get3A_221 = tpu.vector_load %arg6[%get3A_219, %get3A_220] {strides = array<i32>} : memref<64x768xf32, #tpu.memory_space<vmem>>, vector<1x16xf32>,
      %get3A_222 = vector.shape_cast %get3A_221 : vector<1x16xf32> to vector<16xf32>
      %mul3A_223 = arith.constant 8.000000e+00 : f32
      %mul3A_224 = vector.broadcast %mul3A_223 : f32 to vector<16xf32>
      %mul3A_225 = arith.mulf %get3A_222, %mul3A_224 : vector<16xf32>
      %swap3A_226 = arith.index_cast %scan3A_172 : i32 to index
      %swap3A_227 = arith.constant 64 : index
      %swap3A_228 = tpu.vector_load %arg6[%swap3A_226, %swap3A_227] {strides = array<i32>} : memref<64x768xf32, #tpu.memory_space<vmem>>, vector<1x16xf32>,
      %swap3A_229 = vector.shape_cast %swap3A_228 : vector<1x16xf32> to vector<16xf32>
      %swap3A_230 = vector.shape_cast %mul3A_225 : vector<16xf32> to vector<1x16xf32>
      tpu.vector_store %arg6[%swap3A_226, %swap3A_227], %swap3A_230 {strides = array<i32>} : memref<64x768xf32, #tpu.memory_space<vmem>>, vector<1x16xf32>,
      %get3A_231 = arith.index_cast %scan3A_172 : i32 to index
      %get3A_232 = arith.constant 80 : index
      %get3A_233 = tpu.vector_load %arg6[%get3A_231, %get3A_232] {strides = array<i32>} : memref<64x768xf32, #tpu.memory_space<vmem>>, vector<1x16xf32>,
      %get3A_234 = vector.shape_cast %get3A_233 : vector<1x16xf32> to vector<16xf32>
      %mul3A_235 = arith.constant 8.000000e+00 : f32
      %mul3A_236 = vector.broadcast %mul3A_235 : f32 to vector<16xf32>
      %mul3A_237 = arith.mulf %get3A_234, %mul3A_236 : vector<16xf32>
      %swap3A_238 = arith.index_cast %scan3A_172 : i32 to index
      %swap3A_239 = arith.constant 80 : index
      %swap3A_240 = tpu.vector_load %arg6[%swap3A_238, %swap3A_239] {strides = array<i32>} : memref<64x768xf32, #tpu.memory_space<vmem>>, vector<1x16xf32>,
      %swap3A_241 = vector.shape_cast %swap3A_240 : vector<1x16xf32> to vector<16xf32>
      %swap3A_242 = vector.shape_cast %mul3A_237 : vector<16xf32> to vector<1x16xf32>
      tpu.vector_store %arg6[%swap3A_238, %swap3A_239], %swap3A_242 {strides = array<i32>} : memref<64x768xf32, #tpu.memory_space<vmem>>, vector<1x16xf32>,
      %get3A_243 = arith.index_cast %scan3A_172 : i32 to index
      %get3A_244 = arith.constant 96 : index
      %get3A_245 = tpu.vector_load %arg6[%get3A_243, %get3A_244] {strides = array<i32>} : memref<64x768xf32, #tpu.memory_space<vmem>>, vector<1x16xf32>,
      %get3A_246 = vector.shape_cast %get3A_245 : vector<1x16xf32> to vector<16xf32>
      %mul3A_247 = arith.constant 8.000000e+00 : f32
      %mul3A_248 = vector.broadcast %mul3A_247 : f32 to vector<16xf32>
      %mul3A_249 = arith.mulf %get3A_246, %mul3A_248 : vector<16xf32>
      %swap3A_250 = arith.index_cast %scan3A_172 : i32 to index
      %swap3A_251 = arith.constant 96 : index
      %swap3A_252 = tpu.vector_load %arg6[%swap3A_250, %swap3A_251] {strides = array<i32>} : memref<64x768xf32, #tpu.memory_space<vmem>>, vector<1x16xf32>,
      %swap3A_253 = vector.shape_cast %swap3A_252 : vector<1x16xf32> to vector<16xf32>
      %swap3A_254 = vector.shape_cast %mul3A_249 : vector<16xf32> to vector<1x16xf32>
      tpu.vector_store %arg6[%swap3A_250, %swap3A_251], %swap3A_254 {strides = array<i32>} : memref<64x768xf32, #tpu.memory_space<vmem>>, vector<1x16xf32>,
      %get3A_255 = arith.index_cast %scan3A_172 : i32 to index
      %get3A_256 = arith.constant 112 : index
      %get3A_257 = tpu.vector_load %arg6[%get3A_255, %get3A_256] {strides = array<i32>} : memref<64x768xf32, #tpu.memory_space<vmem>>, vector<1x16xf32>,
      %get3A_258 = vector.shape_cast %get3A_257 : vector<1x16xf32> to vector<16xf32>
      %mul3A_259 = arith.constant 8.000000e+00 : f32
      %mul3A_260 = vector.broadcast %mul3A_259 : f32 to vector<16xf32>
      %mul3A_261 = arith.mulf %get3A_258, %mul3A_260 : vector<16xf32>
      %swap3A_262 = arith.index_cast %scan3A_172 : i32 to index
      %swap3A_263 = arith.constant 112 : index
      %swap3A_264 = tpu.vector_load %arg6[%swap3A_262, %swap3A_263] {strides = array<i32>} : memref<64x768xf32, #tpu.memory_space<vmem>>, vector<1x16xf32>,
      %swap3A_265 = vector.shape_cast %swap3A_264 : vector<1x16xf32> to vector<16xf32>
      %swap3A_266 = vector.shape_cast %mul3A_261 : vector<16xf32> to vector<1x16xf32>
      tpu.vector_store %arg6[%swap3A_262, %swap3A_263], %swap3A_266 {strides = array<i32>} : memref<64x768xf32, #tpu.memory_space<vmem>>, vector<1x16xf32>,
      %get3A_267 = arith.index_cast %scan3A_172 : i32 to index
      %get3A_268 = arith.constant 128 : index
      %get3A_269 = tpu.vector_load %arg6[%get3A_267, %get3A_268] {strides = array<i32>} : memref<64x768xf32, #tpu.memory_space<vmem>>, vector<1x16xf32>,
      %get3A_270 = vector.shape_cast %get3A_269 : vector<1x16xf32> to vector<16xf32>
      %mul3A_271 = arith.constant 8.000000e+00 : f32
      %mul3A_272 = vector.broadcast %mul3A_271 : f32 to vector<16xf32>
      %mul3A_273 = arith.mulf %get3A_270, %mul3A_272 : vector<16xf32>
      %swap3A_274 = arith.index_cast %scan3A_172 : i32 to index
      %swap3A_275 = arith.constant 128 : index
      %swap3A_276 = tpu.vector_load %arg6[%swap3A_274, %swap3A_275] {strides = array<i32>} : memref<64x768xf32, #tpu.memory_space<vmem>>, vector<1x16xf32>,
      %swap3A_277 = vector.shape_cast %swap3A_276 : vector<1x16xf32> to vector<16xf32>
      %swap3A_278 = vector.shape_cast %mul3A_273 : vector<16xf32> to vector<1x16xf32>
      tpu.vector_store %arg6[%swap3A_274, %swap3A_275], %swap3A_278 {strides = array<i32>} : memref<64x768xf32, #tpu.memory_space<vmem>>, vector<1x16xf32>,
      %get3A_279 = arith.index_cast %scan3A_172 : i32 to index
      %get3A_280 = arith.constant 144 : index
      %get3A_281 = tpu.vector_load %arg6[%get3A_279, %get3A_280] {strides = array<i32>} : memref<64x768xf32, #tpu.memory_space<vmem>>, vector<1x16xf32>,
      %get3A_282 = vector.shape_cast %get3A_281 : vector<1x16xf32> to vector<16xf32>
      %mul3A_283 = arith.constant 8.000000e+00 : f32
      %mul3A_284 = vector.broadcast %mul3A_283 : f32 to vector<16xf32>
      %mul3A_285 = arith.mulf %get3A_282, %mul3A_284 : vector<16xf32>
      %swap3A_286 = arith.index_cast %scan3A_172 : i32 to index
      %swap3A_287 = arith.constant 144 : index
      %swap3A_288 = tpu.vector_load %arg6[%swap3A_286, %swap3A_287] {strides = array<i32>} : memref<64x768xf32, #tpu.memory_space<vmem>>, vector<1x16xf32>,
      %swap3A_289 = vector.shape_cast %swap3A_288 : vector<1x16xf32> to vector<16xf32>
      %swap3A_290 = vector.shape_cast %mul3A_285 : vector<16xf32> to vector<1x16xf32>
      tpu.vector_store %arg6[%swap3A_286, %swap3A_287], %swap3A_290 {strides = array<i32>} : memref<64x768xf32, #tpu.memory_space<vmem>>, vector<1x16xf32>,
      %get3A_291 = arith.index_cast %scan3A_172 : i32 to index
      %get3A_292 = arith.constant 160 : index
      %get3A_293 = tpu.vector_load %arg6[%get3A_291, %get3A_292] {strides = array<i32>} : memref<64x768xf32, #tpu.memory_space<vmem>>, vector<1x16xf32>,
      %get3A_294 = vector.shape_cast %get3A_293 : vector<1x16xf32> to vector<16xf32>
      %mul3A_295 = arith.constant 8.000000e+00 : f32
      %mul3A_296 = vector.broadcast %mul3A_295 : f32 to vector<16xf32>
      %mul3A_297 = arith.mulf %get3A_294, %mul3A_296 : vector<16xf32>
      %swap3A_298 = arith.index_cast %scan3A_172 : i32 to index
      %swap3A_299 = arith.constant 160 : index
      %swap3A_300 = tpu.vector_load %arg6[%swap3A_298, %swap3A_299] {strides = array<i32>} : memref<64x768xf32, #tpu.memory_space<vmem>>, vector<1x16xf32>,
      %swap3A_301 = vector.shape_cast %swap3A_300 : vector<1x16xf32> to vector<16xf32>
      %swap3A_302 = vector.shape_cast %mul3A_297 : vector<16xf32> to vector<1x16xf32>
      tpu.vector_store %arg6[%swap3A_298, %swap3A_299], %swap3A_302 {strides = array<i32>} : memref<64x768xf32, #tpu.memory_space<vmem>>, vector<1x16xf32>,
      %get3A_303 = arith.index_cast %scan3A_172 : i32 to index
      %get3A_304 = arith.constant 176 : index
      %get3A_305 = tpu.vector_load %arg6[%get3A_303, %get3A_304] {strides = array<i32>} : memref<64x768xf32, #tpu.memory_space<vmem>>, vector<1x16xf32>,
      %get3A_306 = vector.shape_cast %get3A_305 : vector<1x16xf32> to vector<16xf32>
      %mul3A_307 = arith.constant 8.000000e+00 : f32
      %mul3A_308 = vector.broadcast %mul3A_307 : f32 to vector<16xf32>
      %mul3A_309 = arith.mulf %get3A_306, %mul3A_308 : vector<16xf32>
      %swap3A_310 = arith.index_cast %scan3A_172 : i32 to index
      %swap3A_311 = arith.constant 176 : index
      %swap3A_312 = tpu.vector_load %arg6[%swap3A_310, %swap3A_311] {strides = array<i32>} : memref<64x768xf32, #tpu.memory_space<vmem>>, vector<1x16xf32>,
      %swap3A_313 = vector.shape_cast %swap3A_312 : vector<1x16xf32> to vector<16xf32>
      %swap3A_314 = vector.shape_cast %mul3A_309 : vector<16xf32> to vector<1x16xf32>
      tpu.vector_store %arg6[%swap3A_310, %swap3A_311], %swap3A_314 {strides = array<i32>} : memref<64x768xf32, #tpu.memory_space<vmem>>, vector<1x16xf32>,
      %get3A_315 = arith.index_cast %scan3A_172 : i32 to index
      %get3A_316 = arith.constant 192 : index
      %get3A_317 = tpu.vector_load %arg6[%get3A_315, %get3A_316] {strides = array<i32>} : memref<64x768xf32, #tpu.memory_space<vmem>>, vector<1x16xf32>,
      %get3A_318 = vector.shape_cast %get3A_317 : vector<1x16xf32> to vector<16xf32>
      %mul3A_319 = arith.constant 8.000000e+00 : f32
      %mul3A_320 = vector.broadcast %mul3A_319 : f32 to vector<16xf32>
      %mul3A_321 = arith.mulf %get3A_318, %mul3A_320 : vector<16xf32>
      %swap3A_322 = arith.index_cast %scan3A_172 : i32 to index
      %swap3A_323 = arith.constant 192 : index
      %swap3A_324 = tpu.vector_load %arg6[%swap3A_322, %swap3A_323] {strides = array<i32>} : memref<64x768xf32, #tpu.memory_space<vmem>>, vector<1x16xf32>,
      %swap3A_325 = vector.shape_cast %swap3A_324 : vector<1x16xf32> to vector<16xf32>
      %swap3A_326 = vector.shape_cast %mul3A_321 : vector<16xf32> to vector<1x16xf32>
      tpu.vector_store %arg6[%swap3A_322, %swap3A_323], %swap3A_326 {strides = array<i32>} : memref<64x768xf32, #tpu.memory_space<vmem>>, vector<1x16xf32>,
      %get3A_327 = arith.index_cast %scan3A_172 : i32 to index
      %get3A_328 = arith.constant 208 : index
      %get3A_329 = tpu.vector_load %arg6[%get3A_327, %get3A_328] {strides = array<i32>} : memref<64x768xf32, #tpu.memory_space<vmem>>, vector<1x16xf32>,
      %get3A_330 = vector.shape_cast %get3A_329 : vector<1x16xf32> to vector<16xf32>
      %mul3A_331 = arith.constant 8.000000e+00 : f32
      %mul3A_332 = vector.broadcast %mul3A_331 : f32 to vector<16xf32>
      %mul3A_333 = arith.mulf %get3A_330, %mul3A_332 : vector<16xf32>
      %swap3A_334 = arith.index_cast %scan3A_172 : i32 to index
      %swap3A_335 = arith.constant 208 : index
      %swap3A_336 = tpu.vector_load %arg6[%swap3A_334, %swap3A_335] {strides = array<i32>} : memref<64x768xf32, #tpu.memory_space<vmem>>, vector<1x16xf32>,
      %swap3A_337 = vector.shape_cast %swap3A_336 : vector<1x16xf32> to vector<16xf32>
      %swap3A_338 = vector.shape_cast %mul3A_333 : vector<16xf32> to vector<1x16xf32>
      tpu.vector_store %arg6[%swap3A_334, %swap3A_335], %swap3A_338 {strides = array<i32>} : memref<64x768xf32, #tpu.memory_space<vmem>>, vector<1x16xf32>,
      %get3A_339 = arith.index_cast %scan3A_172 : i32 to index
      %get3A_340 = arith.constant 224 : index
      %get3A_341 = tpu.vector_load %arg6[%get3A_339, %get3A_340] {strides = array<i32>} : memref<64x768xf32, #tpu.memory_space<vmem>>, vector<1x16xf32>,
      %get3A_342 = vector.shape_cast %get3A_341 : vector<1x16xf32> to vector<16xf32>
      %mul3A_343 = arith.constant 8.000000e+00 : f32
      %mul3A_344 = vector.broadcast %mul3A_343 : f32 to vector<16xf32>
      %mul3A_345 = arith.mulf %get3A_342, %mul3A_344 : vector<16xf32>
      %swap3A_346 = arith.index_cast %scan3A_172 : i32 to index
      %swap3A_347 = arith.constant 224 : index
      %swap3A_348 = tpu.vector_load %arg6[%swap3A_346, %swap3A_347] {strides = array<i32>} : memref<64x768xf32, #tpu.memory_space<vmem>>, vector<1x16xf32>,
      %swap3A_349 = vector.shape_cast %swap3A_348 : vector<1x16xf32> to vector<16xf32>
      %swap3A_350 = vector.shape_cast %mul3A_345 : vector<16xf32> to vector<1x16xf32>
      tpu.vector_store %arg6[%swap3A_346, %swap3A_347], %swap3A_350 {strides = array<i32>} : memref<64x768xf32, #tpu.memory_space<vmem>>, vector<1x16xf32>,
      %get3A_351 = arith.index_cast %scan3A_172 : i32 to index
      %get3A_352 = arith.constant 240 : index
      %get3A_353 = tpu.vector_load %arg6[%get3A_351, %get3A_352] {strides = array<i32>} : memref<64x768xf32, #tpu.memory_space<vmem>>, vector<1x16xf32>,
      %get3A_354 = vector.shape_cast %get3A_353 : vector<1x16xf32> to vector<16xf32>
      %mul3A_355 = arith.constant 8.000000e+00 : f32
      %mul3A_356 = vector.broadcast %mul3A_355 : f32 to vector<16xf32>
      %mul3A_357 = arith.mulf %get3A_354, %mul3A_356 : vector<16xf32>
      %swap3A_358 = arith.index_cast %scan3A_172 : i32 to index
      %swap3A_359 = arith.constant 240 : index
      %swap3A_360 = tpu.vector_load %arg6[%swap3A_358, %swap3A_359] {strides = array<i32>} : memref<64x768xf32, #tpu.memory_space<vmem>>, vector<1x16xf32>,
      %swap3A_361 = vector.shape_cast %swap3A_360 : vector<1x16xf32> to vector<16xf32>
      %swap3A_362 = vector.shape_cast %mul3A_357 : vector<16xf32> to vector<1x16xf32>
      tpu.vector_store %arg6[%swap3A_358, %swap3A_359], %swap3A_362 {strides = array<i32>} : memref<64x768xf32, #tpu.memory_space<vmem>>, vector<1x16xf32>,
      %get3A_363 = arith.index_cast %scan3A_172 : i32 to index
      %get3A_364 = arith.constant 256 : index
      %get3A_365 = tpu.vector_load %arg6[%get3A_363, %get3A_364] {strides = array<i32>} : memref<64x768xf32, #tpu.memory_space<vmem>>, vector<1x16xf32>,
      %get3A_366 = vector.shape_cast %get3A_365 : vector<1x16xf32> to vector<16xf32>
      %mul3A_367 = arith.constant 8.000000e+00 : f32
      %mul3A_368 = vector.broadcast %mul3A_367 : f32 to vector<16xf32>
      %mul3A_369 = arith.mulf %get3A_366, %mul3A_368 : vector<16xf32>
      %swap3A_370 = arith.index_cast %scan3A_172 : i32 to index
      %swap3A_371 = arith.constant 256 : index
      %swap3A_372 = tpu.vector_load %arg6[%swap3A_370, %swap3A_371] {strides = array<i32>} : memref<64x768xf32, #tpu.memory_space<vmem>>, vector<1x16xf32>,
      %swap3A_373 = vector.shape_cast %swap3A_372 : vector<1x16xf32> to vector<16xf32>
      %swap3A_374 = vector.shape_cast %mul3A_369 : vector<16xf32> to vector<1x16xf32>
      tpu.vector_store %arg6[%swap3A_370, %swap3A_371], %swap3A_374 {strides = array<i32>} : memref<64x768xf32, #tpu.memory_space<vmem>>, vector<1x16xf32>,
      %get3A_375 = arith.index_cast %scan3A_172 : i32 to index
      %get3A_376 = arith.constant 272 : index
      %get3A_377 = tpu.vector_load %arg6[%get3A_375, %get3A_376] {strides = array<i32>} : memref<64x768xf32, #tpu.memory_space<vmem>>, vector<1x16xf32>,
      %get3A_378 = vector.shape_cast %get3A_377 : vector<1x16xf32> to vector<16xf32>
      %mul3A_379 = arith.constant 8.000000e+00 : f32
      %mul3A_380 = vector.broadcast %mul3A_379 : f32 to vector<16xf32>
      %mul3A_381 = arith.mulf %get3A_378, %mul3A_380 : vector<16xf32>
      %swap3A_382 = arith.index_cast %scan3A_172 : i32 to index
      %swap3A_383 = arith.constant 272 : index
      %swap3A_384 = tpu.vector_load %arg6[%swap3A_382, %swap3A_383] {strides = array<i32>} : memref<64x768xf32, #tpu.memory_space<vmem>>, vector<1x16xf32>,
      %swap3A_385 = vector.shape_cast %swap3A_384 : vector<1x16xf32> to vector<16xf32>
      %swap3A_386 = vector.shape_cast %mul3A_381 : vector<16xf32> to vector<1x16xf32>
      tpu.vector_store %arg6[%swap3A_382, %swap3A_383], %swap3A_386 {strides = array<i32>} : memref<64x768xf32, #tpu.memory_space<vmem>>, vector<1x16xf32>,
      %get3A_387 = arith.index_cast %scan3A_172 : i32 to index
      %get3A_388 = arith.constant 288 : index
      %get3A_389 = tpu.vector_load %arg6[%get3A_387, %get3A_388] {strides = array<i32>} : memref<64x768xf32, #tpu.memory_space<vmem>>, vector<1x16xf32>,
      %get3A_390 = vector.shape_cast %get3A_389 : vector<1x16xf32> to vector<16xf32>
      %mul3A_391 = arith.constant 8.000000e+00 : f32
      %mul3A_392 = vector.broadcast %mul3A_391 : f32 to vector<16xf32>
      %mul3A_393 = arith.mulf %get3A_390, %mul3A_392 : vector<16xf32>
      %swap3A_394 = arith.index_cast %scan3A_172 : i32 to index
      %swap3A_395 = arith.constant 288 : index
      %swap3A_396 = tpu.vector_load %arg6[%swap3A_394, %swap3A_395] {strides = array<i32>} : memref<64x768xf32, #tpu.memory_space<vmem>>, vector<1x16xf32>,
      %swap3A_397 = vector.shape_cast %swap3A_396 : vector<1x16xf32> to vector<16xf32>
      %swap3A_398 = vector.shape_cast %mul3A_393 : vector<16xf32> to vector<1x16xf32>
      tpu.vector_store %arg6[%swap3A_394, %swap3A_395], %swap3A_398 {strides = array<i32>} : memref<64x768xf32, #tpu.memory_space<vmem>>, vector<1x16xf32>,
      %get3A_399 = arith.index_cast %scan3A_172 : i32 to index
      %get3A_400 = arith.constant 304 : index
      %get3A_401 = tpu.vector_load %arg6[%get3A_399, %get3A_400] {strides = array<i32>} : memref<64x768xf32, #tpu.memory_space<vmem>>, vector<1x16xf32>,
      %get3A_402 = vector.shape_cast %get3A_401 : vector<1x16xf32> to vector<16xf32>
      %mul3A_403 = arith.constant 8.000000e+00 : f32
      %mul3A_404 = vector.broadcast %mul3A_403 : f32 to vector<16xf32>
      %mul3A_405 = arith.mulf %get3A_402, %mul3A_404 : vector<16xf32>
      %swap3A_406 = arith.index_cast %scan3A_172 : i32 to index
      %swap3A_407 = arith.constant 304 : index
      %swap3A_408 = tpu.vector_load %arg6[%swap3A_406, %swap3A_407] {strides = array<i32>} : memref<64x768xf32, #tpu.memory_space<vmem>>, vector<1x16xf32>,
      %swap3A_409 = vector.shape_cast %swap3A_408 : vector<1x16xf32> to vector<16xf32>
      %swap3A_410 = vector.shape_cast %mul3A_405 : vector<16xf32> to vector<1x16xf32>
      tpu.vector_store %arg6[%swap3A_406, %swap3A_407], %swap3A_410 {strides = array<i32>} : memref<64x768xf32, #tpu.memory_space<vmem>>, vector<1x16xf32>,
      %get3A_411 = arith.index_cast %scan3A_172 : i32 to index
      %get3A_412 = arith.constant 320 : index
      %get3A_413 = tpu.vector_load %arg6[%get3A_411, %get3A_412] {strides = array<i32>} : memref<64x768xf32, #tpu.memory_space<vmem>>, vector<1x16xf32>,
      %get3A_414 = vector.shape_cast %get3A_413 : vector<1x16xf32> to vector<16xf32>
      %mul3A_415 = arith.constant 8.000000e+00 : f32
      %mul3A_416 = vector.broadcast %mul3A_415 : f32 to vector<16xf32>
      %mul3A_417 = arith.mulf %get3A_414, %mul3A_416 : vector<16xf32>
      %swap3A_418 = arith.index_cast %scan3A_172 : i32 to index
      %swap3A_419 = arith.constant 320 : index
      %swap3A_420 = tpu.vector_load %arg6[%swap3A_418, %swap3A_419] {strides = array<i32>} : memref<64x768xf32, #tpu.memory_space<vmem>>, vector<1x16xf32>,
      %swap3A_421 = vector.shape_cast %swap3A_420 : vector<1x16xf32> to vector<16xf32>
      %swap3A_422 = vector.shape_cast %mul3A_417 : vector<16xf32> to vector<1x16xf32>
      tpu.vector_store %arg6[%swap3A_418, %swap3A_419], %swap3A_422 {strides = array<i32>} : memref<64x768xf32, #tpu.memory_space<vmem>>, vector<1x16xf32>,
      %get3A_423 = arith.index_cast %scan3A_172 : i32 to index
      %get3A_424 = arith.constant 336 : index
      %get3A_425 = tpu.vector_load %arg6[%get3A_423, %get3A_424] {strides = array<i32>} : memref<64x768xf32, #tpu.memory_space<vmem>>, vector<1x16xf32>,
      %get3A_426 = vector.shape_cast %get3A_425 : vector<1x16xf32> to vector<16xf32>
      %mul3A_427 = arith.constant 8.000000e+00 : f32
      %mul3A_428 = vector.broadcast %mul3A_427 : f32 to vector<16xf32>
      %mul3A_429 = arith.mulf %get3A_426, %mul3A_428 : vector<16xf32>
      %swap3A_430 = arith.index_cast %scan3A_172 : i32 to index
      %swap3A_431 = arith.constant 336 : index
      %swap3A_432 = tpu.vector_load %arg6[%swap3A_430, %swap3A_431] {strides = array<i32>} : memref<64x768xf32, #tpu.memory_space<vmem>>, vector<1x16xf32>,
      %swap3A_433 = vector.shape_cast %swap3A_432 : vector<1x16xf32> to vector<16xf32>
      %swap3A_434 = vector.shape_cast %mul3A_429 : vector<16xf32> to vector<1x16xf32>
      tpu.vector_store %arg6[%swap3A_430, %swap3A_431], %swap3A_434 {strides = array<i32>} : memref<64x768xf32, #tpu.memory_space<vmem>>, vector<1x16xf32>,
      %get3A_435 = arith.index_cast %scan3A_172 : i32 to index
      %get3A_436 = arith.constant 352 : index
      %get3A_437 = tpu.vector_load %arg6[%get3A_435, %get3A_436] {strides = array<i32>} : memref<64x768xf32, #tpu.memory_space<vmem>>, vector<1x16xf32>,
      %get3A_438 = vector.shape_cast %get3A_437 : vector<1x16xf32> to vector<16xf32>
      %mul3A_439 = arith.constant 8.000000e+00 : f32
      %mul3A_440 = vector.broadcast %mul3A_439 : f32 to vector<16xf32>
      %mul3A_441 = arith.mulf %get3A_438, %mul3A_440 : vector<16xf32>
      %swap3A_442 = arith.index_cast %scan3A_172 : i32 to index
      %swap3A_443 = arith.constant 352 : index
      %swap3A_444 = tpu.vector_load %arg6[%swap3A_442, %swap3A_443] {strides = array<i32>} : memref<64x768xf32, #tpu.memory_space<vmem>>, vector<1x16xf32>,
      %swap3A_445 = vector.shape_cast %swap3A_444 : vector<1x16xf32> to vector<16xf32>
      %swap3A_446 = vector.shape_cast %mul3A_441 : vector<16xf32> to vector<1x16xf32>
      tpu.vector_store %arg6[%swap3A_442, %swap3A_443], %swap3A_446 {strides = array<i32>} : memref<64x768xf32, #tpu.memory_space<vmem>>, vector<1x16xf32>,
      %get3A_447 = arith.index_cast %scan3A_172 : i32 to index
      %get3A_448 = arith.constant 368 : index
      %get3A_449 = tpu.vector_load %arg6[%get3A_447, %get3A_448] {strides = array<i32>} : memref<64x768xf32, #tpu.memory_space<vmem>>, vector<1x16xf32>,
      %get3A_450 = vector.shape_cast %get3A_449 : vector<1x16xf32> to vector<16xf32>
      %mul3A_451 = arith.constant 8.000000e+00 : f32
      %mul3A_452 = vector.broadcast %mul3A_451 : f32 to vector<16xf32>
      %mul3A_453 = arith.mulf %get3A_450, %mul3A_452 : vector<16xf32>
      %swap3A_454 = arith.index_cast %scan3A_172 : i32 to index
      %swap3A_455 = arith.constant 368 : index
      %swap3A_456 = tpu.vector_load %arg6[%swap3A_454, %swap3A_455] {strides = array<i32>} : memref<64x768xf32, #tpu.memory_space<vmem>>, vector<1x16xf32>,
      %swap3A_457 = vector.shape_cast %swap3A_456 : vector<1x16xf32> to vector<16xf32>
      %swap3A_458 = vector.shape_cast %mul3A_453 : vector<16xf32> to vector<1x16xf32>
      tpu.vector_store %arg6[%swap3A_454, %swap3A_455], %swap3A_458 {strides = array<i32>} : memref<64x768xf32, #tpu.memory_space<vmem>>, vector<1x16xf32>,
      %get3A_459 = arith.index_cast %scan3A_172 : i32 to index
      %get3A_460 = arith.constant 384 : index
      %get3A_461 = tpu.vector_load %arg6[%get3A_459, %get3A_460] {strides = array<i32>} : memref<64x768xf32, #tpu.memory_space<vmem>>, vector<1x16xf32>,
      %get3A_462 = vector.shape_cast %get3A_461 : vector<1x16xf32> to vector<16xf32>
      %mul3A_463 = arith.constant 8.000000e+00 : f32
      %mul3A_464 = vector.broadcast %mul3A_463 : f32 to vector<16xf32>
      %mul3A_465 = arith.mulf %get3A_462, %mul3A_464 : vector<16xf32>
      %swap3A_466 = arith.index_cast %scan3A_172 : i32 to index
      %swap3A_467 = arith.constant 384 : index
      %swap3A_468 = tpu.vector_load %arg6[%swap3A_466, %swap3A_467] {strides = array<i32>} : memref<64x768xf32, #tpu.memory_space<vmem>>, vector<1x16xf32>,
      %swap3A_469 = vector.shape_cast %swap3A_468 : vector<1x16xf32> to vector<16xf32>
      %swap3A_470 = vector.shape_cast %mul3A_465 : vector<16xf32> to vector<1x16xf32>
      tpu.vector_store %arg6[%swap3A_466, %swap3A_467], %swap3A_470 {strides = array<i32>} : memref<64x768xf32, #tpu.memory_space<vmem>>, vector<1x16xf32>,
      %get3A_471 = arith.index_cast %scan3A_172 : i32 to index
      %get3A_472 = arith.constant 400 : index
      %get3A_473 = tpu.vector_load %arg6[%get3A_471, %get3A_472] {strides = array<i32>} : memref<64x768xf32, #tpu.memory_space<vmem>>, vector<1x16xf32>,
      %get3A_474 = vector.shape_cast %get3A_473 : vector<1x16xf32> to vector<16xf32>
      %mul3A_475 = arith.constant 8.000000e+00 : f32
      %mul3A_476 = vector.broadcast %mul3A_475 : f32 to vector<16xf32>
      %mul3A_477 = arith.mulf %get3A_474, %mul3A_476 : vector<16xf32>
      %swap3A_478 = arith.index_cast %scan3A_172 : i32 to index
      %swap3A_479 = arith.constant 400 : index
      %swap3A_480 = tpu.vector_load %arg6[%swap3A_478, %swap3A_479] {strides = array<i32>} : memref<64x768xf32, #tpu.memory_space<vmem>>, vector<1x16xf32>,
      %swap3A_481 = vector.shape_cast %swap3A_480 : vector<1x16xf32> to vector<16xf32>
      %swap3A_482 = vector.shape_cast %mul3A_477 : vector<16xf32> to vector<1x16xf32>
      tpu.vector_store %arg6[%swap3A_478, %swap3A_479], %swap3A_482 {strides = array<i32>} : memref<64x768xf32, #tpu.memory_space<vmem>>, vector<1x16xf32>,
      %get3A_483 = arith.index_cast %scan3A_172 : i32 to index
      %get3A_484 = arith.constant 416 : index
      %get3A_485 = tpu.vector_load %arg6[%get3A_483, %get3A_484] {strides = array<i32>} : memref<64x768xf32, #tpu.memory_space<vmem>>, vector<1x16xf32>,
      %get3A_486 = vector.shape_cast %get3A_485 : vector<1x16xf32> to vector<16xf32>
      %mul3A_487 = arith.constant 8.000000e+00 : f32
      %mul3A_488 = vector.broadcast %mul3A_487 : f32 to vector<16xf32>
      %mul3A_489 = arith.mulf %get3A_486, %mul3A_488 : vector<16xf32>
      %swap3A_490 = arith.index_cast %scan3A_172 : i32 to index
      %swap3A_491 = arith.constant 416 : index
      %swap3A_492 = tpu.vector_load %arg6[%swap3A_490, %swap3A_491] {strides = array<i32>} : memref<64x768xf32, #tpu.memory_space<vmem>>, vector<1x16xf32>,
      %swap3A_493 = vector.shape_cast %swap3A_492 : vector<1x16xf32> to vector<16xf32>
      %swap3A_494 = vector.shape_cast %mul3A_489 : vector<16xf32> to vector<1x16xf32>
      tpu.vector_store %arg6[%swap3A_490, %swap3A_491], %swap3A_494 {strides = array<i32>} : memref<64x768xf32, #tpu.memory_space<vmem>>, vector<1x16xf32>,
      %get3A_495 = arith.index_cast %scan3A_172 : i32 to index
      %get3A_496 = arith.constant 432 : index
      %get3A_497 = tpu.vector_load %arg6[%get3A_495, %get3A_496] {strides = array<i32>} : memref<64x768xf32, #tpu.memory_space<vmem>>, vector<1x16xf32>,
      %get3A_498 = vector.shape_cast %get3A_497 : vector<1x16xf32> to vector<16xf32>
      %mul3A_499 = arith.constant 8.000000e+00 : f32
      %mul3A_500 = vector.broadcast %mul3A_499 : f32 to vector<16xf32>
      %mul3A_501 = arith.mulf %get3A_498, %mul3A_500 : vector<16xf32>
      %swap3A_502 = arith.index_cast %scan3A_172 : i32 to index
      %swap3A_503 = arith.constant 432 : index
      %swap3A_504 = tpu.vector_load %arg6[%swap3A_502, %swap3A_503] {strides = array<i32>} : memref<64x768xf32, #tpu.memory_space<vmem>>, vector<1x16xf32>,
      %swap3A_505 = vector.shape_cast %swap3A_504 : vector<1x16xf32> to vector<16xf32>
      %swap3A_506 = vector.shape_cast %mul3A_501 : vector<16xf32> to vector<1x16xf32>
      tpu.vector_store %arg6[%swap3A_502, %swap3A_503], %swap3A_506 {strides = array<i32>} : memref<64x768xf32, #tpu.memory_space<vmem>>, vector<1x16xf32>,
      %get3A_507 = arith.index_cast %scan3A_172 : i32 to index
      %get3A_508 = arith.constant 448 : index
      %get3A_509 = tpu.vector_load %arg6[%get3A_507, %get3A_508] {strides = array<i32>} : memref<64x768xf32, #tpu.memory_space<vmem>>, vector<1x16xf32>,
      %get3A_510 = vector.shape_cast %get3A_509 : vector<1x16xf32> to vector<16xf32>
      %mul3A_511 = arith.constant 8.000000e+00 : f32
      %mul3A_512 = vector.broadcast %mul3A_511 : f32 to vector<16xf32>
      %mul3A_513 = arith.mulf %get3A_510, %mul3A_512 : vector<16xf32>
      %swap3A_514 = arith.index_cast %scan3A_172 : i32 to index
      %swap3A_515 = arith.constant 448 : index
      %swap3A_516 = tpu.vector_load %arg6[%swap3A_514, %swap3A_515] {strides = array<i32>} : memref<64x768xf32, #tpu.memory_space<vmem>>, vector<1x16xf32>,
      %swap3A_517 = vector.shape_cast %swap3A_516 : vector<1x16xf32> to vector<16xf32>
      %swap3A_518 = vector.shape_cast %mul3A_513 : vector<16xf32> to vector<1x16xf32>
      tpu.vector_store %arg6[%swap3A_514, %swap3A_515], %swap3A_518 {strides = array<i32>} : memref<64x768xf32, #tpu.memory_space<vmem>>, vector<1x16xf32>,
      %get3A_519 = arith.index_cast %scan3A_172 : i32 to index
      %get3A_520 = arith.constant 464 : index
      %get3A_521 = tpu.vector_load %arg6[%get3A_519, %get3A_520] {strides = array<i32>} : memref<64x768xf32, #tpu.memory_space<vmem>>, vector<1x16xf32>,
      %get3A_522 = vector.shape_cast %get3A_521 : vector<1x16xf32> to vector<16xf32>
      %mul3A_523 = arith.constant 8.000000e+00 : f32
      %mul3A_524 = vector.broadcast %mul3A_523 : f32 to vector<16xf32>
      %mul3A_525 = arith.mulf %get3A_522, %mul3A_524 : vector<16xf32>
      %swap3A_526 = arith.index_cast %scan3A_172 : i32 to index
      %swap3A_527 = arith.constant 464 : index
      %swap3A_528 = tpu.vector_load %arg6[%swap3A_526, %swap3A_527] {strides = array<i32>} : memref<64x768xf32, #tpu.memory_space<vmem>>, vector<1x16xf32>,
      %swap3A_529 = vector.shape_cast %swap3A_528 : vector<1x16xf32> to vector<16xf32>
      %swap3A_530 = vector.shape_cast %mul3A_525 : vector<16xf32> to vector<1x16xf32>
      tpu.vector_store %arg6[%swap3A_526, %swap3A_527], %swap3A_530 {strides = array<i32>} : memref<64x768xf32, #tpu.memory_space<vmem>>, vector<1x16xf32>,
      %get3A_531 = arith.index_cast %scan3A_172 : i32 to index
      %get3A_532 = arith.constant 480 : index
      %get3A_533 = tpu.vector_load %arg6[%get3A_531, %get3A_532] {strides = array<i32>} : memref<64x768xf32, #tpu.memory_space<vmem>>, vector<1x16xf32>,
      %get3A_534 = vector.shape_cast %get3A_533 : vector<1x16xf32> to vector<16xf32>
      %mul3A_535 = arith.constant 8.000000e+00 : f32
      %mul3A_536 = vector.broadcast %mul3A_535 : f32 to vector<16xf32>
      %mul3A_537 = arith.mulf %get3A_534, %mul3A_536 : vector<16xf32>
      %swap3A_538 = arith.index_cast %scan3A_172 : i32 to index
      %swap3A_539 = arith.constant 480 : index
      %swap3A_540 = tpu.vector_load %arg6[%swap3A_538, %swap3A_539] {strides = array<i32>} : memref<64x768xf32, #tpu.memory_space<vmem>>, vector<1x16xf32>,
      %swap3A_541 = vector.shape_cast %swap3A_540 : vector<1x16xf32> to vector<16xf32>
      %swap3A_542 = vector.shape_cast %mul3A_537 : vector<16xf32> to vector<1x16xf32>
      tpu.vector_store %arg6[%swap3A_538, %swap3A_539], %swap3A_542 {strides = array<i32>} : memref<64x768xf32, #tpu.memory_space<vmem>>, vector<1x16xf32>,
      %get3A_543 = arith.index_cast %scan3A_172 : i32 to index
      %get3A_544 = arith.constant 496 : index
      %get3A_545 = tpu.vector_load %arg6[%get3A_543, %get3A_544] {strides = array<i32>} : memref<64x768xf32, #tpu.memory_space<vmem>>, vector<1x16xf32>,
      %get3A_546 = vector.shape_cast %get3A_545 : vector<1x16xf32> to vector<16xf32>
      %mul3A_547 = arith.constant 8.000000e+00 : f32
      %mul3A_548 = vector.broadcast %mul3A_547 : f32 to vector<16xf32>
      %mul3A_549 = arith.mulf %get3A_546, %mul3A_548 : vector<16xf32>
      %swap3A_550 = arith.index_cast %scan3A_172 : i32 to index
      %swap3A_551 = arith.constant 496 : index
      %swap3A_552 = tpu.vector_load %arg6[%swap3A_550, %swap3A_551] {strides = array<i32>} : memref<64x768xf32, #tpu.memory_space<vmem>>, vector<1x16xf32>,
      %swap3A_553 = vector.shape_cast %swap3A_552 : vector<1x16xf32> to vector<16xf32>
      %swap3A_554 = vector.shape_cast %mul3A_549 : vector<16xf32> to vector<1x16xf32>
      tpu.vector_store %arg6[%swap3A_550, %swap3A_551], %swap3A_554 {strides = array<i32>} : memref<64x768xf32, #tpu.memory_space<vmem>>, vector<1x16xf32>,
      %get3A_555 = arith.index_cast %scan3A_172 : i32 to index
      %get3A_556 = arith.constant 512 : index
      %get3A_557 = tpu.vector_load %arg6[%get3A_555, %get3A_556] {strides = array<i32>} : memref<64x768xf32, #tpu.memory_space<vmem>>, vector<1x16xf32>,
      %get3A_558 = vector.shape_cast %get3A_557 : vector<1x16xf32> to vector<16xf32>
      %mul3A_559 = arith.constant 8.000000e+00 : f32
      %mul3A_560 = vector.broadcast %mul3A_559 : f32 to vector<16xf32>
      %mul3A_561 = arith.mulf %get3A_558, %mul3A_560 : vector<16xf32>
      %swap3A_562 = arith.index_cast %scan3A_172 : i32 to index
      %swap3A_563 = arith.constant 512 : index
      %swap3A_564 = tpu.vector_load %arg6[%swap3A_562, %swap3A_563] {strides = array<i32>} : memref<64x768xf32, #tpu.memory_space<vmem>>, vector<1x16xf32>,
      %swap3A_565 = vector.shape_cast %swap3A_564 : vector<1x16xf32> to vector<16xf32>
      %swap3A_566 = vector.shape_cast %mul3A_561 : vector<16xf32> to vector<1x16xf32>
      tpu.vector_store %arg6[%swap3A_562, %swap3A_563], %swap3A_566 {strides = array<i32>} : memref<64x768xf32, #tpu.memory_space<vmem>>, vector<1x16xf32>,
      %get3A_567 = arith.index_cast %scan3A_172 : i32 to index
      %get3A_568 = arith.constant 528 : index
      %get3A_569 = tpu.vector_load %arg6[%get3A_567, %get3A_568] {strides = array<i32>} : memref<64x768xf32, #tpu.memory_space<vmem>>, vector<1x16xf32>,
      %get3A_570 = vector.shape_cast %get3A_569 : vector<1x16xf32> to vector<16xf32>
      %mul3A_571 = arith.constant 8.000000e+00 : f32
      %mul3A_572 = vector.broadcast %mul3A_571 : f32 to vector<16xf32>
      %mul3A_573 = arith.mulf %get3A_570, %mul3A_572 : vector<16xf32>
      %swap3A_574 = arith.index_cast %scan3A_172 : i32 to index
      %swap3A_575 = arith.constant 528 : index
      %swap3A_576 = tpu.vector_load %arg6[%swap3A_574, %swap3A_575] {strides = array<i32>} : memref<64x768xf32, #tpu.memory_space<vmem>>, vector<1x16xf32>,
      %swap3A_577 = vector.shape_cast %swap3A_576 : vector<1x16xf32> to vector<16xf32>
      %swap3A_578 = vector.shape_cast %mul3A_573 : vector<16xf32> to vector<1x16xf32>
      tpu.vector_store %arg6[%swap3A_574, %swap3A_575], %swap3A_578 {strides = array<i32>} : memref<64x768xf32, #tpu.memory_space<vmem>>, vector<1x16xf32>,
      %get3A_579 = arith.index_cast %scan3A_172 : i32 to index
      %get3A_580 = arith.constant 544 : index
      %get3A_581 = tpu.vector_load %arg6[%get3A_579, %get3A_580] {strides = array<i32>} : memref<64x768xf32, #tpu.memory_space<vmem>>, vector<1x16xf32>,
      %get3A_582 = vector.shape_cast %get3A_581 : vector<1x16xf32> to vector<16xf32>
      %mul3A_583 = arith.constant 8.000000e+00 : f32
      %mul3A_584 = vector.broadcast %mul3A_583 : f32 to vector<16xf32>
      %mul3A_585 = arith.mulf %get3A_582, %mul3A_584 : vector<16xf32>
      %swap3A_586 = arith.index_cast %scan3A_172 : i32 to index
      %swap3A_587 = arith.constant 544 : index
      %swap3A_588 = tpu.vector_load %arg6[%swap3A_586, %swap3A_587] {strides = array<i32>} : memref<64x768xf32, #tpu.memory_space<vmem>>, vector<1x16xf32>,
      %swap3A_589 = vector.shape_cast %swap3A_588 : vector<1x16xf32> to vector<16xf32>
      %swap3A_590 = vector.shape_cast %mul3A_585 : vector<16xf32> to vector<1x16xf32>
      tpu.vector_store %arg6[%swap3A_586, %swap3A_587], %swap3A_590 {strides = array<i32>} : memref<64x768xf32, #tpu.memory_space<vmem>>, vector<1x16xf32>,
      %get3A_591 = arith.index_cast %scan3A_172 : i32 to index
      %get3A_592 = arith.constant 560 : index
      %get3A_593 = tpu.vector_load %arg6[%get3A_591, %get3A_592] {strides = array<i32>} : memref<64x768xf32, #tpu.memory_space<vmem>>, vector<1x16xf32>,
      %get3A_594 = vector.shape_cast %get3A_593 : vector<1x16xf32> to vector<16xf32>
      %mul3A_595 = arith.constant 8.000000e+00 : f32
      %mul3A_596 = vector.broadcast %mul3A_595 : f32 to vector<16xf32>
      %mul3A_597 = arith.mulf %get3A_594, %mul3A_596 : vector<16xf32>
      %swap3A_598 = arith.index_cast %scan3A_172 : i32 to index
      %swap3A_599 = arith.constant 560 : index
      %swap3A_600 = tpu.vector_load %arg6[%swap3A_598, %swap3A_599] {strides = array<i32>} : memref<64x768xf32, #tpu.memory_space<vmem>>, vector<1x16xf32>,
      %swap3A_601 = vector.shape_cast %swap3A_600 : vector<1x16xf32> to vector<16xf32>
      %swap3A_602 = vector.shape_cast %mul3A_597 : vector<16xf32> to vector<1x16xf32>
      tpu.vector_store %arg6[%swap3A_598, %swap3A_599], %swap3A_602 {strides = array<i32>} : memref<64x768xf32, #tpu.memory_space<vmem>>, vector<1x16xf32>,
      %get3A_603 = arith.index_cast %scan3A_172 : i32 to index
      %get3A_604 = arith.constant 576 : index
      %get3A_605 = tpu.vector_load %arg6[%get3A_603, %get3A_604] {strides = array<i32>} : memref<64x768xf32, #tpu.memory_space<vmem>>, vector<1x16xf32>,
      %get3A_606 = vector.shape_cast %get3A_605 : vector<1x16xf32> to vector<16xf32>
      %mul3A_607 = arith.constant 8.000000e+00 : f32
      %mul3A_608 = vector.broadcast %mul3A_607 : f32 to vector<16xf32>
      %mul3A_609 = arith.mulf %get3A_606, %mul3A_608 : vector<16xf32>
      %swap3A_610 = arith.index_cast %scan3A_172 : i32 to index
      %swap3A_611 = arith.constant 576 : index
      %swap3A_612 = tpu.vector_load %arg6[%swap3A_610, %swap3A_611] {strides = array<i32>} : memref<64x768xf32, #tpu.memory_space<vmem>>, vector<1x16xf32>,
      %swap3A_613 = vector.shape_cast %swap3A_612 : vector<1x16xf32> to vector<16xf32>
      %swap3A_614 = vector.shape_cast %mul3A_609 : vector<16xf32> to vector<1x16xf32>
      tpu.vector_store %arg6[%swap3A_610, %swap3A_611], %swap3A_614 {strides = array<i32>} : memref<64x768xf32, #tpu.memory_space<vmem>>, vector<1x16xf32>,
      %get3A_615 = arith.index_cast %scan3A_172 : i32 to index
      %get3A_616 = arith.constant 592 : index
      %get3A_617 = tpu.vector_load %arg6[%get3A_615, %get3A_616] {strides = array<i32>} : memref<64x768xf32, #tpu.memory_space<vmem>>, vector<1x16xf32>,
      %get3A_618 = vector.shape_cast %get3A_617 : vector<1x16xf32> to vector<16xf32>
      %mul3A_619 = arith.constant 8.000000e+00 : f32
      %mul3A_620 = vector.broadcast %mul3A_619 : f32 to vector<16xf32>
      %mul3A_621 = arith.mulf %get3A_618, %mul3A_620 : vector<16xf32>
      %swap3A_622 = arith.index_cast %scan3A_172 : i32 to index
      %swap3A_623 = arith.constant 592 : index
      %swap3A_624 = tpu.vector_load %arg6[%swap3A_622, %swap3A_623] {strides = array<i32>} : memref<64x768xf32, #tpu.memory_space<vmem>>, vector<1x16xf32>,
      %swap3A_625 = vector.shape_cast %swap3A_624 : vector<1x16xf32> to vector<16xf32>
      %swap3A_626 = vector.shape_cast %mul3A_621 : vector<16xf32> to vector<1x16xf32>
      tpu.vector_store %arg6[%swap3A_622, %swap3A_623], %swap3A_626 {strides = array<i32>} : memref<64x768xf32, #tpu.memory_space<vmem>>, vector<1x16xf32>,
      %get3A_627 = arith.index_cast %scan3A_172 : i32 to index
      %get3A_628 = arith.constant 608 : index
      %get3A_629 = tpu.vector_load %arg6[%get3A_627, %get3A_628] {strides = array<i32>} : memref<64x768xf32, #tpu.memory_space<vmem>>, vector<1x16xf32>,
      %get3A_630 = vector.shape_cast %get3A_629 : vector<1x16xf32> to vector<16xf32>
      %mul3A_631 = arith.constant 8.000000e+00 : f32
      %mul3A_632 = vector.broadcast %mul3A_631 : f32 to vector<16xf32>
      %mul3A_633 = arith.mulf %get3A_630, %mul3A_632 : vector<16xf32>
      %swap3A_634 = arith.index_cast %scan3A_172 : i32 to index
      %swap3A_635 = arith.constant 608 : index
      %swap3A_636 = tpu.vector_load %arg6[%swap3A_634, %swap3A_635] {strides = array<i32>} : memref<64x768xf32, #tpu.memory_space<vmem>>, vector<1x16xf32>,
      %swap3A_637 = vector.shape_cast %swap3A_636 : vector<1x16xf32> to vector<16xf32>
      %swap3A_638 = vector.shape_cast %mul3A_633 : vector<16xf32> to vector<1x16xf32>
      tpu.vector_store %arg6[%swap3A_634, %swap3A_635], %swap3A_638 {strides = array<i32>} : memref<64x768xf32, #tpu.memory_space<vmem>>, vector<1x16xf32>,
      %get3A_639 = arith.index_cast %scan3A_172 : i32 to index
      %get3A_640 = arith.constant 624 : index
      %get3A_641 = tpu.vector_load %arg6[%get3A_639, %get3A_640] {strides = array<i32>} : memref<64x768xf32, #tpu.memory_space<vmem>>, vector<1x16xf32>,
      %get3A_642 = vector.shape_cast %get3A_641 : vector<1x16xf32> to vector<16xf32>
      %mul3A_643 = arith.constant 8.000000e+00 : f32
      %mul3A_644 = vector.broadcast %mul3A_643 : f32 to vector<16xf32>
      %mul3A_645 = arith.mulf %get3A_642, %mul3A_644 : vector<16xf32>
      %swap3A_646 = arith.index_cast %scan3A_172 : i32 to index
      %swap3A_647 = arith.constant 624 : index
      %swap3A_648 = tpu.vector_load %arg6[%swap3A_646, %swap3A_647] {strides = array<i32>} : memref<64x768xf32, #tpu.memory_space<vmem>>, vector<1x16xf32>,
      %swap3A_649 = vector.shape_cast %swap3A_648 : vector<1x16xf32> to vector<16xf32>
      %swap3A_650 = vector.shape_cast %mul3A_645 : vector<16xf32> to vector<1x16xf32>
      tpu.vector_store %arg6[%swap3A_646, %swap3A_647], %swap3A_650 {strides = array<i32>} : memref<64x768xf32, #tpu.memory_space<vmem>>, vector<1x16xf32>,
      %get3A_651 = arith.index_cast %scan3A_172 : i32 to index
      %get3A_652 = arith.constant 640 : index
      %get3A_653 = tpu.vector_load %arg6[%get3A_651, %get3A_652] {strides = array<i32>} : memref<64x768xf32, #tpu.memory_space<vmem>>, vector<1x16xf32>,
      %get3A_654 = vector.shape_cast %get3A_653 : vector<1x16xf32> to vector<16xf32>
      %mul3A_655 = arith.constant 8.000000e+00 : f32
      %mul3A_656 = vector.broadcast %mul3A_655 : f32 to vector<16xf32>
      %mul3A_657 = arith.mulf %get3A_654, %mul3A_656 : vector<16xf32>
      %swap3A_658 = arith.index_cast %scan3A_172 : i32 to index
      %swap3A_659 = arith.constant 640 : index
      %swap3A_660 = tpu.vector_load %arg6[%swap3A_658, %swap3A_659] {strides = array<i32>} : memref<64x768xf32, #tpu.memory_space<vmem>>, vector<1x16xf32>,
      %swap3A_661 = vector.shape_cast %swap3A_660 : vector<1x16xf32> to vector<16xf32>
      %swap3A_662 = vector.shape_cast %mul3A_657 : vector<16xf32> to vector<1x16xf32>
      tpu.vector_store %arg6[%swap3A_658, %swap3A_659], %swap3A_662 {strides = array<i32>} : memref<64x768xf32, #tpu.memory_space<vmem>>, vector<1x16xf32>,
      %get3A_663 = arith.index_cast %scan3A_172 : i32 to index
      %get3A_664 = arith.constant 656 : index
      %get3A_665 = tpu.vector_load %arg6[%get3A_663, %get3A_664] {strides = array<i32>} : memref<64x768xf32, #tpu.memory_space<vmem>>, vector<1x16xf32>,
      %get3A_666 = vector.shape_cast %get3A_665 : vector<1x16xf32> to vector<16xf32>
      %mul3A_667 = arith.constant 8.000000e+00 : f32
      %mul3A_668 = vector.broadcast %mul3A_667 : f32 to vector<16xf32>
      %mul3A_669 = arith.mulf %get3A_666, %mul3A_668 : vector<16xf32>
      %swap3A_670 = arith.index_cast %scan3A_172 : i32 to index
      %swap3A_671 = arith.constant 656 : index
      %swap3A_672 = tpu.vector_load %arg6[%swap3A_670, %swap3A_671] {strides = array<i32>} : memref<64x768xf32, #tpu.memory_space<vmem>>, vector<1x16xf32>,
      %swap3A_673 = vector.shape_cast %swap3A_672 : vector<1x16xf32> to vector<16xf32>
      %swap3A_674 = vector.shape_cast %mul3A_669 : vector<16xf32> to vector<1x16xf32>
      tpu.vector_store %arg6[%swap3A_670, %swap3A_671], %swap3A_674 {strides = array<i32>} : memref<64x768xf32, #tpu.memory_space<vmem>>, vector<1x16xf32>,
      %get3A_675 = arith.index_cast %scan3A_172 : i32 to index
      %get3A_676 = arith.constant 672 : index
      %get3A_677 = tpu.vector_load %arg6[%get3A_675, %get3A_676] {strides = array<i32>} : memref<64x768xf32, #tpu.memory_space<vmem>>, vector<1x16xf32>,
      %get3A_678 = vector.shape_cast %get3A_677 : vector<1x16xf32> to vector<16xf32>
      %mul3A_679 = arith.constant 8.000000e+00 : f32
      %mul3A_680 = vector.broadcast %mul3A_679 : f32 to vector<16xf32>
      %mul3A_681 = arith.mulf %get3A_678, %mul3A_680 : vector<16xf32>
      %swap3A_682 = arith.index_cast %scan3A_172 : i32 to index
      %swap3A_683 = arith.constant 672 : index
      %swap3A_684 = tpu.vector_load %arg6[%swap3A_682, %swap3A_683] {strides = array<i32>} : memref<64x768xf32, #tpu.memory_space<vmem>>, vector<1x16xf32>,
      %swap3A_685 = vector.shape_cast %swap3A_684 : vector<1x16xf32> to vector<16xf32>
      %swap3A_686 = vector.shape_cast %mul3A_681 : vector<16xf32> to vector<1x16xf32>
      tpu.vector_store %arg6[%swap3A_682, %swap3A_683], %swap3A_686 {strides = array<i32>} : memref<64x768xf32, #tpu.memory_space<vmem>>, vector<1x16xf32>,
      %get3A_687 = arith.index_cast %scan3A_172 : i32 to index
      %get3A_688 = arith.constant 688 : index
      %get3A_689 = tpu.vector_load %arg6[%get3A_687, %get3A_688] {strides = array<i32>} : memref<64x768xf32, #tpu.memory_space<vmem>>, vector<1x16xf32>,
      %get3A_690 = vector.shape_cast %get3A_689 : vector<1x16xf32> to vector<16xf32>
      %mul3A_691 = arith.constant 8.000000e+00 : f32
      %mul3A_692 = vector.broadcast %mul3A_691 : f32 to vector<16xf32>
      %mul3A_693 = arith.mulf %get3A_690, %mul3A_692 : vector<16xf32>
      %swap3A_694 = arith.index_cast %scan3A_172 : i32 to index
      %swap3A_695 = arith.constant 688 : index
      %swap3A_696 = tpu.vector_load %arg6[%swap3A_694, %swap3A_695] {strides = array<i32>} : memref<64x768xf32, #tpu.memory_space<vmem>>, vector<1x16xf32>,
      %swap3A_697 = vector.shape_cast %swap3A_696 : vector<1x16xf32> to vector<16xf32>
      %swap3A_698 = vector.shape_cast %mul3A_693 : vector<16xf32> to vector<1x16xf32>
      tpu.vector_store %arg6[%swap3A_694, %swap3A_695], %swap3A_698 {strides = array<i32>} : memref<64x768xf32, #tpu.memory_space<vmem>>, vector<1x16xf32>,
      %get3A_699 = arith.index_cast %scan3A_172 : i32 to index
      %get3A_700 = arith.constant 704 : index
      %get3A_701 = tpu.vector_load %arg6[%get3A_699, %get3A_700] {strides = array<i32>} : memref<64x768xf32, #tpu.memory_space<vmem>>, vector<1x16xf32>,
      %get3A_702 = vector.shape_cast %get3A_701 : vector<1x16xf32> to vector<16xf32>
      %mul3A_703 = arith.constant 8.000000e+00 : f32
      %mul3A_704 = vector.broadcast %mul3A_703 : f32 to vector<16xf32>
      %mul3A_705 = arith.mulf %get3A_702, %mul3A_704 : vector<16xf32>
      %swap3A_706 = arith.index_cast %scan3A_172 : i32 to index
      %swap3A_707 = arith.constant 704 : index
      %swap3A_708 = tpu.vector_load %arg6[%swap3A_706, %swap3A_707] {strides = array<i32>} : memref<64x768xf32, #tpu.memory_space<vmem>>, vector<1x16xf32>,
      %swap3A_709 = vector.shape_cast %swap3A_708 : vector<1x16xf32> to vector<16xf32>
      %swap3A_710 = vector.shape_cast %mul3A_705 : vector<16xf32> to vector<1x16xf32>
      tpu.vector_store %arg6[%swap3A_706, %swap3A_707], %swap3A_710 {strides = array<i32>} : memref<64x768xf32, #tpu.memory_space<vmem>>, vector<1x16xf32>,
      %get3A_711 = arith.index_cast %scan3A_172 : i32 to index
      %get3A_712 = arith.constant 720 : index
      %get3A_713 = tpu.vector_load %arg6[%get3A_711, %get3A_712] {strides = array<i32>} : memref<64x768xf32, #tpu.memory_space<vmem>>, vector<1x16xf32>,
      %get3A_714 = vector.shape_cast %get3A_713 : vector<1x16xf32> to vector<16xf32>
      %mul3A_715 = arith.constant 8.000000e+00 : f32
      %mul3A_716 = vector.broadcast %mul3A_715 : f32 to vector<16xf32>
      %mul3A_717 = arith.mulf %get3A_714, %mul3A_716 : vector<16xf32>
      %swap3A_718 = arith.index_cast %scan3A_172 : i32 to index
      %swap3A_719 = arith.constant 720 : index
      %swap3A_720 = tpu.vector_load %arg6[%swap3A_718, %swap3A_719] {strides = array<i32>} : memref<64x768xf32, #tpu.memory_space<vmem>>, vector<1x16xf32>,
      %swap3A_721 = vector.shape_cast %swap3A_720 : vector<1x16xf32> to vector<16xf32>
      %swap3A_722 = vector.shape_cast %mul3A_717 : vector<16xf32> to vector<1x16xf32>
      tpu.vector_store %arg6[%swap3A_718, %swap3A_719], %swap3A_722 {strides = array<i32>} : memref<64x768xf32, #tpu.memory_space<vmem>>, vector<1x16xf32>,
      %get3A_723 = arith.index_cast %scan3A_172 : i32 to index
      %get3A_724 = arith.constant 736 : index
      %get3A_725 = tpu.vector_load %arg6[%get3A_723, %get3A_724] {strides = array<i32>} : memref<64x768xf32, #tpu.memory_space<vmem>>, vector<1x16xf32>,
      %get3A_726 = vector.shape_cast %get3A_725 : vector<1x16xf32> to vector<16xf32>
      %mul3A_727 = arith.constant 8.000000e+00 : f32
      %mul3A_728 = vector.broadcast %mul3A_727 : f32 to vector<16xf32>
      %mul3A_729 = arith.mulf %get3A_726, %mul3A_728 : vector<16xf32>
      %swap3A_730 = arith.index_cast %scan3A_172 : i32 to index
      %swap3A_731 = arith.constant 736 : index
      %swap3A_732 = tpu.vector_load %arg6[%swap3A_730, %swap3A_731] {strides = array<i32>} : memref<64x768xf32, #tpu.memory_space<vmem>>, vector<1x16xf32>,
      %swap3A_733 = vector.shape_cast %swap3A_732 : vector<1x16xf32> to vector<16xf32>
      %swap3A_734 = vector.shape_cast %mul3A_729 : vector<16xf32> to vector<1x16xf32>
      tpu.vector_store %arg6[%swap3A_730, %swap3A_731], %swap3A_734 {strides = array<i32>} : memref<64x768xf32, #tpu.memory_space<vmem>>, vector<1x16xf32>,
      %get3A_735 = arith.index_cast %scan3A_172 : i32 to index
      %get3A_736 = arith.constant 752 : index
      %get3A_737 = tpu.vector_load %arg6[%get3A_735, %get3A_736] {strides = array<i32>} : memref<64x768xf32, #tpu.memory_space<vmem>>, vector<1x16xf32>,
      %get3A_738 = vector.shape_cast %get3A_737 : vector<1x16xf32> to vector<16xf32>
      %mul3A_739 = arith.constant 8.000000e+00 : f32
      %mul3A_740 = vector.broadcast %mul3A_739 : f32 to vector<16xf32>
      %mul3A_741 = arith.mulf %get3A_738, %mul3A_740 : vector<16xf32>
      %swap3A_742 = arith.index_cast %scan3A_172 : i32 to index
      %swap3A_743 = arith.constant 752 : index
      %swap3A_744 = tpu.vector_load %arg6[%swap3A_742, %swap3A_743] {strides = array<i32>} : memref<64x768xf32, #tpu.memory_space<vmem>>, vector<1x16xf32>,
      %swap3A_745 = vector.shape_cast %swap3A_744 : vector<1x16xf32> to vector<16xf32>
      %swap3A_746 = vector.shape_cast %mul3A_741 : vector<16xf32> to vector<1x16xf32>
      tpu.vector_store %arg6[%swap3A_742, %swap3A_743], %swap3A_746 {strides = array<i32>} : memref<64x768xf32, #tpu.memory_space<vmem>>, vector<1x16xf32>,
    }
    %scan3A_94 = arith.constant 16 : i32
    %add3A_95 = arith.constant 32 : i32
    %add3A_96 = arith.addi %mul3A_2, %add3A_95 : i32
    %dma_start3A_97 = arith.constant 32 : i32
    %dma_start3A_98 = arith.constant 0 : i32
    %dma_start3A_99 = tpu.memref_slice %arg6[%dma_start3A_97, %dma_start3A_98] : memref<64x768xf32, #tpu.memory_space<vmem>> -> memref<16x768xf32, #tpu.memory_space<vmem>>
    %dma_start3A_100 = arith.constant 0 : i32
    %dma_start3A_101 = tpu.memref_slice %arg4[%add3A_96, %dma_start3A_100] : memref<2048x768xf32, #tpu.memory_space<hbm>> -> memref<16x768xf32, #tpu.memory_space<hbm>>
    %dma_start3A_102 = arith.constant 0 : i32
    %dma_start3A_103 = tpu.memref_slice %arg4[%add3A_96, %dma_start3A_102] : memref<2048x768xf32, #tpu.memory_space<hbm>> -> memref<16x768xf32, #tpu.memory_space<hbm>>
    %dma_start3A_104 = arith.constant 32 : i32
    %dma_start3A_105 = arith.constant 0 : i32
    %dma_start3A_106 = tpu.memref_slice %arg6[%dma_start3A_104, %dma_start3A_105] : memref<64x768xf32, #tpu.memory_space<vmem>> -> memref<16x768xf32, #tpu.memory_space<vmem>>
    tpu.enqueue_dma source(%dma_start3A_106 : memref<16x768xf32, #tpu.memory_space<vmem>>) target(%dma_start3A_103 : memref<16x768xf32, #tpu.memory_space<hbm>>) target_semaphore(%arg11 : memref<!tpu.dma_semaphore, #tpu.memory_space<semaphore_mem>>)
    %dma_wait3A_107 = arith.constant 48 : i32
    %dma_wait3A_108 = arith.constant 0 : i32
    %dma_wait3A_109 = tpu.memref_slice %arg6[%dma_wait3A_107, %dma_wait3A_108] : memref<64x768xf32, #tpu.memory_space<vmem>> -> memref<16x768xf32, #tpu.memory_space<vmem>>
    %dma_wait3A_110 = arith.constant 48 : i32
    %dma_wait3A_111 = tpu.memref_slice %arg5[%dma_wait3A_110] : memref<64xi32, #tpu.memory_space<vmem>> -> memref<16xi32, #tpu.memory_space<vmem>>
    %dma_wait3A_112 = arith.constant 0 : i32
    %dma_wait3A_113 = arith.constant 0 : i32
    %dma_wait3A_114 = tpu.memref_slice %arg3[%dma_wait3A_112, %dma_wait3A_113] : memref<100000x768xf32, #tpu.memory_space<hbm>> -> memref<100000x768xf32, #tpu.memory_space<hbm>>
    tpu.wait_indirect_dma semaphore(%arg10 : memref<!tpu.dma_semaphore, #tpu.memory_space<semaphore_mem>>) src(%dma_wait3A_114 : memref<100000x768xf32, #tpu.memory_space<hbm>>) dst(%dma_wait3A_109 : memref<16x768xf32, #tpu.memory_space<vmem>>)
    %scan3A_115 = arith.constant 48 : i32
    %scan3A_116 = arith.constant 16 : i32
    %scan3A_117 = arith.addi %scan3A_115, %scan3A_116 : i32
    %scan3A_118 = arith.constant 1 : i32
    scf.for %scan3A_172 = %scan3A_115 to %scan3A_117 step %scan3A_118  : i32 {
      %get3A = arith.index_cast %scan3A_172 : i32 to index
      %get3A_173 = arith.constant 0 : index
      %get3A_174 = tpu.vector_load %arg6[%get3A, %get3A_173] {strides = array<i32>} : memref<64x768xf32, #tpu.memory_space<vmem>>, vector<1x16xf32>,
      %get3A_175 = vector.shape_cast %get3A_174 : vector<1x16xf32> to vector<16xf32>
      %mul3A_176 = arith.constant 8.000000e+00 : f32
      %mul3A_177 = vector.broadcast %mul3A_176 : f32 to vector<16xf32>
      %mul3A_178 = arith.mulf %get3A_175, %mul3A_177 : vector<16xf32>
      %swap3A = arith.index_cast %scan3A_172 : i32 to index
      %swap3A_179 = arith.constant 0 : index
      %swap3A_180 = tpu.vector_load %arg6[%swap3A, %swap3A_179] {strides = array<i32>} : memref<64x768xf32, #tpu.memory_space<vmem>>, vector<1x16xf32>,
      %swap3A_181 = vector.shape_cast %swap3A_180 : vector<1x16xf32> to vector<16xf32>
      %swap3A_182 = vector.shape_cast %mul3A_178 : vector<16xf32> to vector<1x16xf32>
      tpu.vector_store %arg6[%swap3A, %swap3A_179], %swap3A_182 {strides = array<i32>} : memref<64x768xf32, #tpu.memory_space<vmem>>, vector<1x16xf32>,
      %get3A_183 = arith.index_cast %scan3A_172 : i32 to index
      %get3A_184 = arith.constant 16 : index
      %get3A_185 = tpu.vector_load %arg6[%get3A_183, %get3A_184] {strides = array<i32>} : memref<64x768xf32, #tpu.memory_space<vmem>>, vector<1x16xf32>,
      %get3A_186 = vector.shape_cast %get3A_185 : vector<1x16xf32> to vector<16xf32>
      %mul3A_187 = arith.constant 8.000000e+00 : f32
      %mul3A_188 = vector.broadcast %mul3A_187 : f32 to vector<16xf32>
      %mul3A_189 = arith.mulf %get3A_186, %mul3A_188 : vector<16xf32>
      %swap3A_190 = arith.index_cast %scan3A_172 : i32 to index
      %swap3A_191 = arith.constant 16 : index
      %swap3A_192 = tpu.vector_load %arg6[%swap3A_190, %swap3A_191] {strides = array<i32>} : memref<64x768xf32, #tpu.memory_space<vmem>>, vector<1x16xf32>,
      %swap3A_193 = vector.shape_cast %swap3A_192 : vector<1x16xf32> to vector<16xf32>
      %swap3A_194 = vector.shape_cast %mul3A_189 : vector<16xf32> to vector<1x16xf32>
      tpu.vector_store %arg6[%swap3A_190, %swap3A_191], %swap3A_194 {strides = array<i32>} : memref<64x768xf32, #tpu.memory_space<vmem>>, vector<1x16xf32>,
      %get3A_195 = arith.index_cast %scan3A_172 : i32 to index
      %get3A_196 = arith.constant 32 : index
      %get3A_197 = tpu.vector_load %arg6[%get3A_195, %get3A_196] {strides = array<i32>} : memref<64x768xf32, #tpu.memory_space<vmem>>, vector<1x16xf32>,
      %get3A_198 = vector.shape_cast %get3A_197 : vector<1x16xf32> to vector<16xf32>
      %mul3A_199 = arith.constant 8.000000e+00 : f32
      %mul3A_200 = vector.broadcast %mul3A_199 : f32 to vector<16xf32>
      %mul3A_201 = arith.mulf %get3A_198, %mul3A_200 : vector<16xf32>
      %swap3A_202 = arith.index_cast %scan3A_172 : i32 to index
      %swap3A_203 = arith.constant 32 : index
      %swap3A_204 = tpu.vector_load %arg6[%swap3A_202, %swap3A_203] {strides = array<i32>} : memref<64x768xf32, #tpu.memory_space<vmem>>, vector<1x16xf32>,
      %swap3A_205 = vector.shape_cast %swap3A_204 : vector<1x16xf32> to vector<16xf32>
      %swap3A_206 = vector.shape_cast %mul3A_201 : vector<16xf32> to vector<1x16xf32>
      tpu.vector_store %arg6[%swap3A_202, %swap3A_203], %swap3A_206 {strides = array<i32>} : memref<64x768xf32, #tpu.memory_space<vmem>>, vector<1x16xf32>,
      %get3A_207 = arith.index_cast %scan3A_172 : i32 to index
      %get3A_208 = arith.constant 48 : index
      %get3A_209 = tpu.vector_load %arg6[%get3A_207, %get3A_208] {strides = array<i32>} : memref<64x768xf32, #tpu.memory_space<vmem>>, vector<1x16xf32>,
      %get3A_210 = vector.shape_cast %get3A_209 : vector<1x16xf32> to vector<16xf32>
      %mul3A_211 = arith.constant 8.000000e+00 : f32
      %mul3A_212 = vector.broadcast %mul3A_211 : f32 to vector<16xf32>
      %mul3A_213 = arith.mulf %get3A_210, %mul3A_212 : vector<16xf32>
      %swap3A_214 = arith.index_cast %scan3A_172 : i32 to index
      %swap3A_215 = arith.constant 48 : index
      %swap3A_216 = tpu.vector_load %arg6[%swap3A_214, %swap3A_215] {strides = array<i32>} : memref<64x768xf32, #tpu.memory_space<vmem>>, vector<1x16xf32>,
      %swap3A_217 = vector.shape_cast %swap3A_216 : vector<1x16xf32> to vector<16xf32>
      %swap3A_218 = vector.shape_cast %mul3A_213 : vector<16xf32> to vector<1x16xf32>
      tpu.vector_store %arg6[%swap3A_214, %swap3A_215], %swap3A_218 {strides = array<i32>} : memref<64x768xf32, #tpu.memory_space<vmem>>, vector<1x16xf32>,
      %get3A_219 = arith.index_cast %scan3A_172 : i32 to index
      %get3A_220 = arith.constant 64 : index
      %get3A_221 = tpu.vector_load %arg6[%get3A_219, %get3A_220] {strides = array<i32>} : memref<64x768xf32, #tpu.memory_space<vmem>>, vector<1x16xf32>,
      %get3A_222 = vector.shape_cast %get3A_221 : vector<1x16xf32> to vector<16xf32>
      %mul3A_223 = arith.constant 8.000000e+00 : f32
      %mul3A_224 = vector.broadcast %mul3A_223 : f32 to vector<16xf32>
      %mul3A_225 = arith.mulf %get3A_222, %mul3A_224 : vector<16xf32>
      %swap3A_226 = arith.index_cast %scan3A_172 : i32 to index
      %swap3A_227 = arith.constant 64 : index
      %swap3A_228 = tpu.vector_load %arg6[%swap3A_226, %swap3A_227] {strides = array<i32>} : memref<64x768xf32, #tpu.memory_space<vmem>>, vector<1x16xf32>,
      %swap3A_229 = vector.shape_cast %swap3A_228 : vector<1x16xf32> to vector<16xf32>
      %swap3A_230 = vector.shape_cast %mul3A_225 : vector<16xf32> to vector<1x16xf32>
      tpu.vector_store %arg6[%swap3A_226, %swap3A_227], %swap3A_230 {strides = array<i32>} : memref<64x768xf32, #tpu.memory_space<vmem>>, vector<1x16xf32>,
      %get3A_231 = arith.index_cast %scan3A_172 : i32 to index
      %get3A_232 = arith.constant 80 : index
      %get3A_233 = tpu.vector_load %arg6[%get3A_231, %get3A_232] {strides = array<i32>} : memref<64x768xf32, #tpu.memory_space<vmem>>, vector<1x16xf32>,
      %get3A_234 = vector.shape_cast %get3A_233 : vector<1x16xf32> to vector<16xf32>
      %mul3A_235 = arith.constant 8.000000e+00 : f32
      %mul3A_236 = vector.broadcast %mul3A_235 : f32 to vector<16xf32>
      %mul3A_237 = arith.mulf %get3A_234, %mul3A_236 : vector<16xf32>
      %swap3A_238 = arith.index_cast %scan3A_172 : i32 to index
      %swap3A_239 = arith.constant 80 : index
      %swap3A_240 = tpu.vector_load %arg6[%swap3A_238, %swap3A_239] {strides = array<i32>} : memref<64x768xf32, #tpu.memory_space<vmem>>, vector<1x16xf32>,
      %swap3A_241 = vector.shape_cast %swap3A_240 : vector<1x16xf32> to vector<16xf32>
      %swap3A_242 = vector.shape_cast %mul3A_237 : vector<16xf32> to vector<1x16xf32>
      tpu.vector_store %arg6[%swap3A_238, %swap3A_239], %swap3A_242 {strides = array<i32>} : memref<64x768xf32, #tpu.memory_space<vmem>>, vector<1x16xf32>,
      %get3A_243 = arith.index_cast %scan3A_172 : i32 to index
      %get3A_244 = arith.constant 96 : index
      %get3A_245 = tpu.vector_load %arg6[%get3A_243, %get3A_244] {strides = array<i32>} : memref<64x768xf32, #tpu.memory_space<vmem>>, vector<1x16xf32>,
      %get3A_246 = vector.shape_cast %get3A_245 : vector<1x16xf32> to vector<16xf32>
      %mul3A_247 = arith.constant 8.000000e+00 : f32
      %mul3A_248 = vector.broadcast %mul3A_247 : f32 to vector<16xf32>
      %mul3A_249 = arith.mulf %get3A_246, %mul3A_248 : vector<16xf32>
      %swap3A_250 = arith.index_cast %scan3A_172 : i32 to index
      %swap3A_251 = arith.constant 96 : index
      %swap3A_252 = tpu.vector_load %arg6[%swap3A_250, %swap3A_251] {strides = array<i32>} : memref<64x768xf32, #tpu.memory_space<vmem>>, vector<1x16xf32>,
      %swap3A_253 = vector.shape_cast %swap3A_252 : vector<1x16xf32> to vector<16xf32>
      %swap3A_254 = vector.shape_cast %mul3A_249 : vector<16xf32> to vector<1x16xf32>
      tpu.vector_store %arg6[%swap3A_250, %swap3A_251], %swap3A_254 {strides = array<i32>} : memref<64x768xf32, #tpu.memory_space<vmem>>, vector<1x16xf32>,
      %get3A_255 = arith.index_cast %scan3A_172 : i32 to index
      %get3A_256 = arith.constant 112 : index
      %get3A_257 = tpu.vector_load %arg6[%get3A_255, %get3A_256] {strides = array<i32>} : memref<64x768xf32, #tpu.memory_space<vmem>>, vector<1x16xf32>,
      %get3A_258 = vector.shape_cast %get3A_257 : vector<1x16xf32> to vector<16xf32>
      %mul3A_259 = arith.constant 8.000000e+00 : f32
      %mul3A_260 = vector.broadcast %mul3A_259 : f32 to vector<16xf32>
      %mul3A_261 = arith.mulf %get3A_258, %mul3A_260 : vector<16xf32>
      %swap3A_262 = arith.index_cast %scan3A_172 : i32 to index
      %swap3A_263 = arith.constant 112 : index
      %swap3A_264 = tpu.vector_load %arg6[%swap3A_262, %swap3A_263] {strides = array<i32>} : memref<64x768xf32, #tpu.memory_space<vmem>>, vector<1x16xf32>,
      %swap3A_265 = vector.shape_cast %swap3A_264 : vector<1x16xf32> to vector<16xf32>
      %swap3A_266 = vector.shape_cast %mul3A_261 : vector<16xf32> to vector<1x16xf32>
      tpu.vector_store %arg6[%swap3A_262, %swap3A_263], %swap3A_266 {strides = array<i32>} : memref<64x768xf32, #tpu.memory_space<vmem>>, vector<1x16xf32>,
      %get3A_267 = arith.index_cast %scan3A_172 : i32 to index
      %get3A_268 = arith.constant 128 : index
      %get3A_269 = tpu.vector_load %arg6[%get3A_267, %get3A_268] {strides = array<i32>} : memref<64x768xf32, #tpu.memory_space<vmem>>, vector<1x16xf32>,
      %get3A_270 = vector.shape_cast %get3A_269 : vector<1x16xf32> to vector<16xf32>
      %mul3A_271 = arith.constant 8.000000e+00 : f32
      %mul3A_272 = vector.broadcast %mul3A_271 : f32 to vector<16xf32>
      %mul3A_273 = arith.mulf %get3A_270, %mul3A_272 : vector<16xf32>
      %swap3A_274 = arith.index_cast %scan3A_172 : i32 to index
      %swap3A_275 = arith.constant 128 : index
      %swap3A_276 = tpu.vector_load %arg6[%swap3A_274, %swap3A_275] {strides = array<i32>} : memref<64x768xf32, #tpu.memory_space<vmem>>, vector<1x16xf32>,
      %swap3A_277 = vector.shape_cast %swap3A_276 : vector<1x16xf32> to vector<16xf32>
      %swap3A_278 = vector.shape_cast %mul3A_273 : vector<16xf32> to vector<1x16xf32>
      tpu.vector_store %arg6[%swap3A_274, %swap3A_275], %swap3A_278 {strides = array<i32>} : memref<64x768xf32, #tpu.memory_space<vmem>>, vector<1x16xf32>,
      %get3A_279 = arith.index_cast %scan3A_172 : i32 to index
      %get3A_280 = arith.constant 144 : index
      %get3A_281 = tpu.vector_load %arg6[%get3A_279, %get3A_280] {strides = array<i32>} : memref<64x768xf32, #tpu.memory_space<vmem>>, vector<1x16xf32>,
      %get3A_282 = vector.shape_cast %get3A_281 : vector<1x16xf32> to vector<16xf32>
      %mul3A_283 = arith.constant 8.000000e+00 : f32
      %mul3A_284 = vector.broadcast %mul3A_283 : f32 to vector<16xf32>
      %mul3A_285 = arith.mulf %get3A_282, %mul3A_284 : vector<16xf32>
      %swap3A_286 = arith.index_cast %scan3A_172 : i32 to index
      %swap3A_287 = arith.constant 144 : index
      %swap3A_288 = tpu.vector_load %arg6[%swap3A_286, %swap3A_287] {strides = array<i32>} : memref<64x768xf32, #tpu.memory_space<vmem>>, vector<1x16xf32>,
      %swap3A_289 = vector.shape_cast %swap3A_288 : vector<1x16xf32> to vector<16xf32>
      %swap3A_290 = vector.shape_cast %mul3A_285 : vector<16xf32> to vector<1x16xf32>
      tpu.vector_store %arg6[%swap3A_286, %swap3A_287], %swap3A_290 {strides = array<i32>} : memref<64x768xf32, #tpu.memory_space<vmem>>, vector<1x16xf32>,
      %get3A_291 = arith.index_cast %scan3A_172 : i32 to index
      %get3A_292 = arith.constant 160 : index
      %get3A_293 = tpu.vector_load %arg6[%get3A_291, %get3A_292] {strides = array<i32>} : memref<64x768xf32, #tpu.memory_space<vmem>>, vector<1x16xf32>,
      %get3A_294 = vector.shape_cast %get3A_293 : vector<1x16xf32> to vector<16xf32>
      %mul3A_295 = arith.constant 8.000000e+00 : f32
      %mul3A_296 = vector.broadcast %mul3A_295 : f32 to vector<16xf32>
      %mul3A_297 = arith.mulf %get3A_294, %mul3A_296 : vector<16xf32>
      %swap3A_298 = arith.index_cast %scan3A_172 : i32 to index
      %swap3A_299 = arith.constant 160 : index
      %swap3A_300 = tpu.vector_load %arg6[%swap3A_298, %swap3A_299] {strides = array<i32>} : memref<64x768xf32, #tpu.memory_space<vmem>>, vector<1x16xf32>,
      %swap3A_301 = vector.shape_cast %swap3A_300 : vector<1x16xf32> to vector<16xf32>
      %swap3A_302 = vector.shape_cast %mul3A_297 : vector<16xf32> to vector<1x16xf32>
      tpu.vector_store %arg6[%swap3A_298, %swap3A_299], %swap3A_302 {strides = array<i32>} : memref<64x768xf32, #tpu.memory_space<vmem>>, vector<1x16xf32>,
      %get3A_303 = arith.index_cast %scan3A_172 : i32 to index
      %get3A_304 = arith.constant 176 : index
      %get3A_305 = tpu.vector_load %arg6[%get3A_303, %get3A_304] {strides = array<i32>} : memref<64x768xf32, #tpu.memory_space<vmem>>, vector<1x16xf32>,
      %get3A_306 = vector.shape_cast %get3A_305 : vector<1x16xf32> to vector<16xf32>
      %mul3A_307 = arith.constant 8.000000e+00 : f32
      %mul3A_308 = vector.broadcast %mul3A_307 : f32 to vector<16xf32>
      %mul3A_309 = arith.mulf %get3A_306, %mul3A_308 : vector<16xf32>
      %swap3A_310 = arith.index_cast %scan3A_172 : i32 to index
      %swap3A_311 = arith.constant 176 : index
      %swap3A_312 = tpu.vector_load %arg6[%swap3A_310, %swap3A_311] {strides = array<i32>} : memref<64x768xf32, #tpu.memory_space<vmem>>, vector<1x16xf32>,
      %swap3A_313 = vector.shape_cast %swap3A_312 : vector<1x16xf32> to vector<16xf32>
      %swap3A_314 = vector.shape_cast %mul3A_309 : vector<16xf32> to vector<1x16xf32>
      tpu.vector_store %arg6[%swap3A_310, %swap3A_311], %swap3A_314 {strides = array<i32>} : memref<64x768xf32, #tpu.memory_space<vmem>>, vector<1x16xf32>,
      %get3A_315 = arith.index_cast %scan3A_172 : i32 to index
      %get3A_316 = arith.constant 192 : index
      %get3A_317 = tpu.vector_load %arg6[%get3A_315, %get3A_316] {strides = array<i32>} : memref<64x768xf32, #tpu.memory_space<vmem>>, vector<1x16xf32>,
      %get3A_318 = vector.shape_cast %get3A_317 : vector<1x16xf32> to vector<16xf32>
      %mul3A_319 = arith.constant 8.000000e+00 : f32
      %mul3A_320 = vector.broadcast %mul3A_319 : f32 to vector<16xf32>
      %mul3A_321 = arith.mulf %get3A_318, %mul3A_320 : vector<16xf32>
      %swap3A_322 = arith.index_cast %scan3A_172 : i32 to index
      %swap3A_323 = arith.constant 192 : index
      %swap3A_324 = tpu.vector_load %arg6[%swap3A_322, %swap3A_323] {strides = array<i32>} : memref<64x768xf32, #tpu.memory_space<vmem>>, vector<1x16xf32>,
      %swap3A_325 = vector.shape_cast %swap3A_324 : vector<1x16xf32> to vector<16xf32>
      %swap3A_326 = vector.shape_cast %mul3A_321 : vector<16xf32> to vector<1x16xf32>
      tpu.vector_store %arg6[%swap3A_322, %swap3A_323], %swap3A_326 {strides = array<i32>} : memref<64x768xf32, #tpu.memory_space<vmem>>, vector<1x16xf32>,
      %get3A_327 = arith.index_cast %scan3A_172 : i32 to index
      %get3A_328 = arith.constant 208 : index
      %get3A_329 = tpu.vector_load %arg6[%get3A_327, %get3A_328] {strides = array<i32>} : memref<64x768xf32, #tpu.memory_space<vmem>>, vector<1x16xf32>,
      %get3A_330 = vector.shape_cast %get3A_329 : vector<1x16xf32> to vector<16xf32>
      %mul3A_331 = arith.constant 8.000000e+00 : f32
      %mul3A_332 = vector.broadcast %mul3A_331 : f32 to vector<16xf32>
      %mul3A_333 = arith.mulf %get3A_330, %mul3A_332 : vector<16xf32>
      %swap3A_334 = arith.index_cast %scan3A_172 : i32 to index
      %swap3A_335 = arith.constant 208 : index
      %swap3A_336 = tpu.vector_load %arg6[%swap3A_334, %swap3A_335] {strides = array<i32>} : memref<64x768xf32, #tpu.memory_space<vmem>>, vector<1x16xf32>,
      %swap3A_337 = vector.shape_cast %swap3A_336 : vector<1x16xf32> to vector<16xf32>
      %swap3A_338 = vector.shape_cast %mul3A_333 : vector<16xf32> to vector<1x16xf32>
      tpu.vector_store %arg6[%swap3A_334, %swap3A_335], %swap3A_338 {strides = array<i32>} : memref<64x768xf32, #tpu.memory_space<vmem>>, vector<1x16xf32>,
      %get3A_339 = arith.index_cast %scan3A_172 : i32 to index
      %get3A_340 = arith.constant 224 : index
      %get3A_341 = tpu.vector_load %arg6[%get3A_339, %get3A_340] {strides = array<i32>} : memref<64x768xf32, #tpu.memory_space<vmem>>, vector<1x16xf32>,
      %get3A_342 = vector.shape_cast %get3A_341 : vector<1x16xf32> to vector<16xf32>
      %mul3A_343 = arith.constant 8.000000e+00 : f32
      %mul3A_344 = vector.broadcast %mul3A_343 : f32 to vector<16xf32>
      %mul3A_345 = arith.mulf %get3A_342, %mul3A_344 : vector<16xf32>
      %swap3A_346 = arith.index_cast %scan3A_172 : i32 to index
      %swap3A_347 = arith.constant 224 : index
      %swap3A_348 = tpu.vector_load %arg6[%swap3A_346, %swap3A_347] {strides = array<i32>} : memref<64x768xf32, #tpu.memory_space<vmem>>, vector<1x16xf32>,
      %swap3A_349 = vector.shape_cast %swap3A_348 : vector<1x16xf32> to vector<16xf32>
      %swap3A_350 = vector.shape_cast %mul3A_345 : vector<16xf32> to vector<1x16xf32>
      tpu.vector_store %arg6[%swap3A_346, %swap3A_347], %swap3A_350 {strides = array<i32>} : memref<64x768xf32, #tpu.memory_space<vmem>>, vector<1x16xf32>,
      %get3A_351 = arith.index_cast %scan3A_172 : i32 to index
      %get3A_352 = arith.constant 240 : index
      %get3A_353 = tpu.vector_load %arg6[%get3A_351, %get3A_352] {strides = array<i32>} : memref<64x768xf32, #tpu.memory_space<vmem>>, vector<1x16xf32>,
      %get3A_354 = vector.shape_cast %get3A_353 : vector<1x16xf32> to vector<16xf32>
      %mul3A_355 = arith.constant 8.000000e+00 : f32
      %mul3A_356 = vector.broadcast %mul3A_355 : f32 to vector<16xf32>
      %mul3A_357 = arith.mulf %get3A_354, %mul3A_356 : vector<16xf32>
      %swap3A_358 = arith.index_cast %scan3A_172 : i32 to index
      %swap3A_359 = arith.constant 240 : index
      %swap3A_360 = tpu.vector_load %arg6[%swap3A_358, %swap3A_359] {strides = array<i32>} : memref<64x768xf32, #tpu.memory_space<vmem>>, vector<1x16xf32>,
      %swap3A_361 = vector.shape_cast %swap3A_360 : vector<1x16xf32> to vector<16xf32>
      %swap3A_362 = vector.shape_cast %mul3A_357 : vector<16xf32> to vector<1x16xf32>
      tpu.vector_store %arg6[%swap3A_358, %swap3A_359], %swap3A_362 {strides = array<i32>} : memref<64x768xf32, #tpu.memory_space<vmem>>, vector<1x16xf32>,
      %get3A_363 = arith.index_cast %scan3A_172 : i32 to index
      %get3A_364 = arith.constant 256 : index
      %get3A_365 = tpu.vector_load %arg6[%get3A_363, %get3A_364] {strides = array<i32>} : memref<64x768xf32, #tpu.memory_space<vmem>>, vector<1x16xf32>,
      %get3A_366 = vector.shape_cast %get3A_365 : vector<1x16xf32> to vector<16xf32>
      %mul3A_367 = arith.constant 8.000000e+00 : f32
      %mul3A_368 = vector.broadcast %mul3A_367 : f32 to vector<16xf32>
      %mul3A_369 = arith.mulf %get3A_366, %mul3A_368 : vector<16xf32>
      %swap3A_370 = arith.index_cast %scan3A_172 : i32 to index
      %swap3A_371 = arith.constant 256 : index
      %swap3A_372 = tpu.vector_load %arg6[%swap3A_370, %swap3A_371] {strides = array<i32>} : memref<64x768xf32, #tpu.memory_space<vmem>>, vector<1x16xf32>,
      %swap3A_373 = vector.shape_cast %swap3A_372 : vector<1x16xf32> to vector<16xf32>
      %swap3A_374 = vector.shape_cast %mul3A_369 : vector<16xf32> to vector<1x16xf32>
      tpu.vector_store %arg6[%swap3A_370, %swap3A_371], %swap3A_374 {strides = array<i32>} : memref<64x768xf32, #tpu.memory_space<vmem>>, vector<1x16xf32>,
      %get3A_375 = arith.index_cast %scan3A_172 : i32 to index
      %get3A_376 = arith.constant 272 : index
      %get3A_377 = tpu.vector_load %arg6[%get3A_375, %get3A_376] {strides = array<i32>} : memref<64x768xf32, #tpu.memory_space<vmem>>, vector<1x16xf32>,
      %get3A_378 = vector.shape_cast %get3A_377 : vector<1x16xf32> to vector<16xf32>
      %mul3A_379 = arith.constant 8.000000e+00 : f32
      %mul3A_380 = vector.broadcast %mul3A_379 : f32 to vector<16xf32>
      %mul3A_381 = arith.mulf %get3A_378, %mul3A_380 : vector<16xf32>
      %swap3A_382 = arith.index_cast %scan3A_172 : i32 to index
      %swap3A_383 = arith.constant 272 : index
      %swap3A_384 = tpu.vector_load %arg6[%swap3A_382, %swap3A_383] {strides = array<i32>} : memref<64x768xf32, #tpu.memory_space<vmem>>, vector<1x16xf32>,
      %swap3A_385 = vector.shape_cast %swap3A_384 : vector<1x16xf32> to vector<16xf32>
      %swap3A_386 = vector.shape_cast %mul3A_381 : vector<16xf32> to vector<1x16xf32>
      tpu.vector_store %arg6[%swap3A_382, %swap3A_383], %swap3A_386 {strides = array<i32>} : memref<64x768xf32, #tpu.memory_space<vmem>>, vector<1x16xf32>,
      %get3A_387 = arith.index_cast %scan3A_172 : i32 to index
      %get3A_388 = arith.constant 288 : index
      %get3A_389 = tpu.vector_load %arg6[%get3A_387, %get3A_388] {strides = array<i32>} : memref<64x768xf32, #tpu.memory_space<vmem>>, vector<1x16xf32>,
      %get3A_390 = vector.shape_cast %get3A_389 : vector<1x16xf32> to vector<16xf32>
      %mul3A_391 = arith.constant 8.000000e+00 : f32
      %mul3A_392 = vector.broadcast %mul3A_391 : f32 to vector<16xf32>
      %mul3A_393 = arith.mulf %get3A_390, %mul3A_392 : vector<16xf32>
      %swap3A_394 = arith.index_cast %scan3A_172 : i32 to index
      %swap3A_395 = arith.constant 288 : index
      %swap3A_396 = tpu.vector_load %arg6[%swap3A_394, %swap3A_395] {strides = array<i32>} : memref<64x768xf32, #tpu.memory_space<vmem>>, vector<1x16xf32>,
      %swap3A_397 = vector.shape_cast %swap3A_396 : vector<1x16xf32> to vector<16xf32>
      %swap3A_398 = vector.shape_cast %mul3A_393 : vector<16xf32> to vector<1x16xf32>
      tpu.vector_store %arg6[%swap3A_394, %swap3A_395], %swap3A_398 {strides = array<i32>} : memref<64x768xf32, #tpu.memory_space<vmem>>, vector<1x16xf32>,
      %get3A_399 = arith.index_cast %scan3A_172 : i32 to index
      %get3A_400 = arith.constant 304 : index
      %get3A_401 = tpu.vector_load %arg6[%get3A_399, %get3A_400] {strides = array<i32>} : memref<64x768xf32, #tpu.memory_space<vmem>>, vector<1x16xf32>,
      %get3A_402 = vector.shape_cast %get3A_401 : vector<1x16xf32> to vector<16xf32>
      %mul3A_403 = arith.constant 8.000000e+00 : f32
      %mul3A_404 = vector.broadcast %mul3A_403 : f32 to vector<16xf32>
      %mul3A_405 = arith.mulf %get3A_402, %mul3A_404 : vector<16xf32>
      %swap3A_406 = arith.index_cast %scan3A_172 : i32 to index
      %swap3A_407 = arith.constant 304 : index
      %swap3A_408 = tpu.vector_load %arg6[%swap3A_406, %swap3A_407] {strides = array<i32>} : memref<64x768xf32, #tpu.memory_space<vmem>>, vector<1x16xf32>,
      %swap3A_409 = vector.shape_cast %swap3A_408 : vector<1x16xf32> to vector<16xf32>
      %swap3A_410 = vector.shape_cast %mul3A_405 : vector<16xf32> to vector<1x16xf32>
      tpu.vector_store %arg6[%swap3A_406, %swap3A_407], %swap3A_410 {strides = array<i32>} : memref<64x768xf32, #tpu.memory_space<vmem>>, vector<1x16xf32>,
      %get3A_411 = arith.index_cast %scan3A_172 : i32 to index
      %get3A_412 = arith.constant 320 : index
      %get3A_413 = tpu.vector_load %arg6[%get3A_411, %get3A_412] {strides = array<i32>} : memref<64x768xf32, #tpu.memory_space<vmem>>, vector<1x16xf32>,
      %get3A_414 = vector.shape_cast %get3A_413 : vector<1x16xf32> to vector<16xf32>
      %mul3A_415 = arith.constant 8.000000e+00 : f32
      %mul3A_416 = vector.broadcast %mul3A_415 : f32 to vector<16xf32>
      %mul3A_417 = arith.mulf %get3A_414, %mul3A_416 : vector<16xf32>
      %swap3A_418 = arith.index_cast %scan3A_172 : i32 to index
      %swap3A_419 = arith.constant 320 : index
      %swap3A_420 = tpu.vector_load %arg6[%swap3A_418, %swap3A_419] {strides = array<i32>} : memref<64x768xf32, #tpu.memory_space<vmem>>, vector<1x16xf32>,
      %swap3A_421 = vector.shape_cast %swap3A_420 : vector<1x16xf32> to vector<16xf32>
      %swap3A_422 = vector.shape_cast %mul3A_417 : vector<16xf32> to vector<1x16xf32>
      tpu.vector_store %arg6[%swap3A_418, %swap3A_419], %swap3A_422 {strides = array<i32>} : memref<64x768xf32, #tpu.memory_space<vmem>>, vector<1x16xf32>,
      %get3A_423 = arith.index_cast %scan3A_172 : i32 to index
      %get3A_424 = arith.constant 336 : index
      %get3A_425 = tpu.vector_load %arg6[%get3A_423, %get3A_424] {strides = array<i32>} : memref<64x768xf32, #tpu.memory_space<vmem>>, vector<1x16xf32>,
      %get3A_426 = vector.shape_cast %get3A_425 : vector<1x16xf32> to vector<16xf32>
      %mul3A_427 = arith.constant 8.000000e+00 : f32
      %mul3A_428 = vector.broadcast %mul3A_427 : f32 to vector<16xf32>
      %mul3A_429 = arith.mulf %get3A_426, %mul3A_428 : vector<16xf32>
      %swap3A_430 = arith.index_cast %scan3A_172 : i32 to index
      %swap3A_431 = arith.constant 336 : index
      %swap3A_432 = tpu.vector_load %arg6[%swap3A_430, %swap3A_431] {strides = array<i32>} : memref<64x768xf32, #tpu.memory_space<vmem>>, vector<1x16xf32>,
      %swap3A_433 = vector.shape_cast %swap3A_432 : vector<1x16xf32> to vector<16xf32>
      %swap3A_434 = vector.shape_cast %mul3A_429 : vector<16xf32> to vector<1x16xf32>
      tpu.vector_store %arg6[%swap3A_430, %swap3A_431], %swap3A_434 {strides = array<i32>} : memref<64x768xf32, #tpu.memory_space<vmem>>, vector<1x16xf32>,
      %get3A_435 = arith.index_cast %scan3A_172 : i32 to index
      %get3A_436 = arith.constant 352 : index
      %get3A_437 = tpu.vector_load %arg6[%get3A_435, %get3A_436] {strides = array<i32>} : memref<64x768xf32, #tpu.memory_space<vmem>>, vector<1x16xf32>,
      %get3A_438 = vector.shape_cast %get3A_437 : vector<1x16xf32> to vector<16xf32>
      %mul3A_439 = arith.constant 8.000000e+00 : f32
      %mul3A_440 = vector.broadcast %mul3A_439 : f32 to vector<16xf32>
      %mul3A_441 = arith.mulf %get3A_438, %mul3A_440 : vector<16xf32>
      %swap3A_442 = arith.index_cast %scan3A_172 : i32 to index
      %swap3A_443 = arith.constant 352 : index
      %swap3A_444 = tpu.vector_load %arg6[%swap3A_442, %swap3A_443] {strides = array<i32>} : memref<64x768xf32, #tpu.memory_space<vmem>>, vector<1x16xf32>,
      %swap3A_445 = vector.shape_cast %swap3A_444 : vector<1x16xf32> to vector<16xf32>
      %swap3A_446 = vector.shape_cast %mul3A_441 : vector<16xf32> to vector<1x16xf32>
      tpu.vector_store %arg6[%swap3A_442, %swap3A_443], %swap3A_446 {strides = array<i32>} : memref<64x768xf32, #tpu.memory_space<vmem>>, vector<1x16xf32>,
      %get3A_447 = arith.index_cast %scan3A_172 : i32 to index
      %get3A_448 = arith.constant 368 : index
      %get3A_449 = tpu.vector_load %arg6[%get3A_447, %get3A_448] {strides = array<i32>} : memref<64x768xf32, #tpu.memory_space<vmem>>, vector<1x16xf32>,
      %get3A_450 = vector.shape_cast %get3A_449 : vector<1x16xf32> to vector<16xf32>
      %mul3A_451 = arith.constant 8.000000e+00 : f32
      %mul3A_452 = vector.broadcast %mul3A_451 : f32 to vector<16xf32>
      %mul3A_453 = arith.mulf %get3A_450, %mul3A_452 : vector<16xf32>
      %swap3A_454 = arith.index_cast %scan3A_172 : i32 to index
      %swap3A_455 = arith.constant 368 : index
      %swap3A_456 = tpu.vector_load %arg6[%swap3A_454, %swap3A_455] {strides = array<i32>} : memref<64x768xf32, #tpu.memory_space<vmem>>, vector<1x16xf32>,
      %swap3A_457 = vector.shape_cast %swap3A_456 : vector<1x16xf32> to vector<16xf32>
      %swap3A_458 = vector.shape_cast %mul3A_453 : vector<16xf32> to vector<1x16xf32>
      tpu.vector_store %arg6[%swap3A_454, %swap3A_455], %swap3A_458 {strides = array<i32>} : memref<64x768xf32, #tpu.memory_space<vmem>>, vector<1x16xf32>,
      %get3A_459 = arith.index_cast %scan3A_172 : i32 to index
      %get3A_460 = arith.constant 384 : index
      %get3A_461 = tpu.vector_load %arg6[%get3A_459, %get3A_460] {strides = array<i32>} : memref<64x768xf32, #tpu.memory_space<vmem>>, vector<1x16xf32>,
      %get3A_462 = vector.shape_cast %get3A_461 : vector<1x16xf32> to vector<16xf32>
      %mul3A_463 = arith.constant 8.000000e+00 : f32
      %mul3A_464 = vector.broadcast %mul3A_463 : f32 to vector<16xf32>
      %mul3A_465 = arith.mulf %get3A_462, %mul3A_464 : vector<16xf32>
      %swap3A_466 = arith.index_cast %scan3A_172 : i32 to index
      %swap3A_467 = arith.constant 384 : index
      %swap3A_468 = tpu.vector_load %arg6[%swap3A_466, %swap3A_467] {strides = array<i32>} : memref<64x768xf32, #tpu.memory_space<vmem>>, vector<1x16xf32>,
      %swap3A_469 = vector.shape_cast %swap3A_468 : vector<1x16xf32> to vector<16xf32>
      %swap3A_470 = vector.shape_cast %mul3A_465 : vector<16xf32> to vector<1x16xf32>
      tpu.vector_store %arg6[%swap3A_466, %swap3A_467], %swap3A_470 {strides = array<i32>} : memref<64x768xf32, #tpu.memory_space<vmem>>, vector<1x16xf32>,
      %get3A_471 = arith.index_cast %scan3A_172 : i32 to index
      %get3A_472 = arith.constant 400 : index
      %get3A_473 = tpu.vector_load %arg6[%get3A_471, %get3A_472] {strides = array<i32>} : memref<64x768xf32, #tpu.memory_space<vmem>>, vector<1x16xf32>,
      %get3A_474 = vector.shape_cast %get3A_473 : vector<1x16xf32> to vector<16xf32>
      %mul3A_475 = arith.constant 8.000000e+00 : f32
      %mul3A_476 = vector.broadcast %mul3A_475 : f32 to vector<16xf32>
      %mul3A_477 = arith.mulf %get3A_474, %mul3A_476 : vector<16xf32>
      %swap3A_478 = arith.index_cast %scan3A_172 : i32 to index
      %swap3A_479 = arith.constant 400 : index
      %swap3A_480 = tpu.vector_load %arg6[%swap3A_478, %swap3A_479] {strides = array<i32>} : memref<64x768xf32, #tpu.memory_space<vmem>>, vector<1x16xf32>,
      %swap3A_481 = vector.shape_cast %swap3A_480 : vector<1x16xf32> to vector<16xf32>
      %swap3A_482 = vector.shape_cast %mul3A_477 : vector<16xf32> to vector<1x16xf32>
      tpu.vector_store %arg6[%swap3A_478, %swap3A_479], %swap3A_482 {strides = array<i32>} : memref<64x768xf32, #tpu.memory_space<vmem>>, vector<1x16xf32>,
      %get3A_483 = arith.index_cast %scan3A_172 : i32 to index
      %get3A_484 = arith.constant 416 : index
      %get3A_485 = tpu.vector_load %arg6[%get3A_483, %get3A_484] {strides = array<i32>} : memref<64x768xf32, #tpu.memory_space<vmem>>, vector<1x16xf32>,
      %get3A_486 = vector.shape_cast %get3A_485 : vector<1x16xf32> to vector<16xf32>
      %mul3A_487 = arith.constant 8.000000e+00 : f32
      %mul3A_488 = vector.broadcast %mul3A_487 : f32 to vector<16xf32>
      %mul3A_489 = arith.mulf %get3A_486, %mul3A_488 : vector<16xf32>
      %swap3A_490 = arith.index_cast %scan3A_172 : i32 to index
      %swap3A_491 = arith.constant 416 : index
      %swap3A_492 = tpu.vector_load %arg6[%swap3A_490, %swap3A_491] {strides = array<i32>} : memref<64x768xf32, #tpu.memory_space<vmem>>, vector<1x16xf32>,
      %swap3A_493 = vector.shape_cast %swap3A_492 : vector<1x16xf32> to vector<16xf32>
      %swap3A_494 = vector.shape_cast %mul3A_489 : vector<16xf32> to vector<1x16xf32>
      tpu.vector_store %arg6[%swap3A_490, %swap3A_491], %swap3A_494 {strides = array<i32>} : memref<64x768xf32, #tpu.memory_space<vmem>>, vector<1x16xf32>,
      %get3A_495 = arith.index_cast %scan3A_172 : i32 to index
      %get3A_496 = arith.constant 432 : index
      %get3A_497 = tpu.vector_load %arg6[%get3A_495, %get3A_496] {strides = array<i32>} : memref<64x768xf32, #tpu.memory_space<vmem>>, vector<1x16xf32>,
      %get3A_498 = vector.shape_cast %get3A_497 : vector<1x16xf32> to vector<16xf32>
      %mul3A_499 = arith.constant 8.000000e+00 : f32
      %mul3A_500 = vector.broadcast %mul3A_499 : f32 to vector<16xf32>
      %mul3A_501 = arith.mulf %get3A_498, %mul3A_500 : vector<16xf32>
      %swap3A_502 = arith.index_cast %scan3A_172 : i32 to index
      %swap3A_503 = arith.constant 432 : index
      %swap3A_504 = tpu.vector_load %arg6[%swap3A_502, %swap3A_503] {strides = array<i32>} : memref<64x768xf32, #tpu.memory_space<vmem>>, vector<1x16xf32>,
      %swap3A_505 = vector.shape_cast %swap3A_504 : vector<1x16xf32> to vector<16xf32>
      %swap3A_506 = vector.shape_cast %mul3A_501 : vector<16xf32> to vector<1x16xf32>
      tpu.vector_store %arg6[%swap3A_502, %swap3A_503], %swap3A_506 {strides = array<i32>} : memref<64x768xf32, #tpu.memory_space<vmem>>, vector<1x16xf32>,
      %get3A_507 = arith.index_cast %scan3A_172 : i32 to index
      %get3A_508 = arith.constant 448 : index
      %get3A_509 = tpu.vector_load %arg6[%get3A_507, %get3A_508] {strides = array<i32>} : memref<64x768xf32, #tpu.memory_space<vmem>>, vector<1x16xf32>,
      %get3A_510 = vector.shape_cast %get3A_509 : vector<1x16xf32> to vector<16xf32>
      %mul3A_511 = arith.constant 8.000000e+00 : f32
      %mul3A_512 = vector.broadcast %mul3A_511 : f32 to vector<16xf32>
      %mul3A_513 = arith.mulf %get3A_510, %mul3A_512 : vector<16xf32>
      %swap3A_514 = arith.index_cast %scan3A_172 : i32 to index
      %swap3A_515 = arith.constant 448 : index
      %swap3A_516 = tpu.vector_load %arg6[%swap3A_514, %swap3A_515] {strides = array<i32>} : memref<64x768xf32, #tpu.memory_space<vmem>>, vector<1x16xf32>,
      %swap3A_517 = vector.shape_cast %swap3A_516 : vector<1x16xf32> to vector<16xf32>
      %swap3A_518 = vector.shape_cast %mul3A_513 : vector<16xf32> to vector<1x16xf32>
      tpu.vector_store %arg6[%swap3A_514, %swap3A_515], %swap3A_518 {strides = array<i32>} : memref<64x768xf32, #tpu.memory_space<vmem>>, vector<1x16xf32>,
      %get3A_519 = arith.index_cast %scan3A_172 : i32 to index
      %get3A_520 = arith.constant 464 : index
      %get3A_521 = tpu.vector_load %arg6[%get3A_519, %get3A_520] {strides = array<i32>} : memref<64x768xf32, #tpu.memory_space<vmem>>, vector<1x16xf32>,
      %get3A_522 = vector.shape_cast %get3A_521 : vector<1x16xf32> to vector<16xf32>
      %mul3A_523 = arith.constant 8.000000e+00 : f32
      %mul3A_524 = vector.broadcast %mul3A_523 : f32 to vector<16xf32>
      %mul3A_525 = arith.mulf %get3A_522, %mul3A_524 : vector<16xf32>
      %swap3A_526 = arith.index_cast %scan3A_172 : i32 to index
      %swap3A_527 = arith.constant 464 : index
      %swap3A_528 = tpu.vector_load %arg6[%swap3A_526, %swap3A_527] {strides = array<i32>} : memref<64x768xf32, #tpu.memory_space<vmem>>, vector<1x16xf32>,
      %swap3A_529 = vector.shape_cast %swap3A_528 : vector<1x16xf32> to vector<16xf32>
      %swap3A_530 = vector.shape_cast %mul3A_525 : vector<16xf32> to vector<1x16xf32>
      tpu.vector_store %arg6[%swap3A_526, %swap3A_527], %swap3A_530 {strides = array<i32>} : memref<64x768xf32, #tpu.memory_space<vmem>>, vector<1x16xf32>,
      %get3A_531 = arith.index_cast %scan3A_172 : i32 to index
      %get3A_532 = arith.constant 480 : index
      %get3A_533 = tpu.vector_load %arg6[%get3A_531, %get3A_532] {strides = array<i32>} : memref<64x768xf32, #tpu.memory_space<vmem>>, vector<1x16xf32>,
      %get3A_534 = vector.shape_cast %get3A_533 : vector<1x16xf32> to vector<16xf32>
      %mul3A_535 = arith.constant 8.000000e+00 : f32
      %mul3A_536 = vector.broadcast %mul3A_535 : f32 to vector<16xf32>
      %mul3A_537 = arith.mulf %get3A_534, %mul3A_536 : vector<16xf32>
      %swap3A_538 = arith.index_cast %scan3A_172 : i32 to index
      %swap3A_539 = arith.constant 480 : index
      %swap3A_540 = tpu.vector_load %arg6[%swap3A_538, %swap3A_539] {strides = array<i32>} : memref<64x768xf32, #tpu.memory_space<vmem>>, vector<1x16xf32>,
      %swap3A_541 = vector.shape_cast %swap3A_540 : vector<1x16xf32> to vector<16xf32>
      %swap3A_542 = vector.shape_cast %mul3A_537 : vector<16xf32> to vector<1x16xf32>
      tpu.vector_store %arg6[%swap3A_538, %swap3A_539], %swap3A_542 {strides = array<i32>} : memref<64x768xf32, #tpu.memory_space<vmem>>, vector<1x16xf32>,
      %get3A_543 = arith.index_cast %scan3A_172 : i32 to index
      %get3A_544 = arith.constant 496 : index
      %get3A_545 = tpu.vector_load %arg6[%get3A_543, %get3A_544] {strides = array<i32>} : memref<64x768xf32, #tpu.memory_space<vmem>>, vector<1x16xf32>,
      %get3A_546 = vector.shape_cast %get3A_545 : vector<1x16xf32> to vector<16xf32>
      %mul3A_547 = arith.constant 8.000000e+00 : f32
      %mul3A_548 = vector.broadcast %mul3A_547 : f32 to vector<16xf32>
      %mul3A_549 = arith.mulf %get3A_546, %mul3A_548 : vector<16xf32>
      %swap3A_550 = arith.index_cast %scan3A_172 : i32 to index
      %swap3A_551 = arith.constant 496 : index
      %swap3A_552 = tpu.vector_load %arg6[%swap3A_550, %swap3A_551] {strides = array<i32>} : memref<64x768xf32, #tpu.memory_space<vmem>>, vector<1x16xf32>,
      %swap3A_553 = vector.shape_cast %swap3A_552 : vector<1x16xf32> to vector<16xf32>
      %swap3A_554 = vector.shape_cast %mul3A_549 : vector<16xf32> to vector<1x16xf32>
      tpu.vector_store %arg6[%swap3A_550, %swap3A_551], %swap3A_554 {strides = array<i32>} : memref<64x768xf32, #tpu.memory_space<vmem>>, vector<1x16xf32>,
      %get3A_555 = arith.index_cast %scan3A_172 : i32 to index
      %get3A_556 = arith.constant 512 : index
      %get3A_557 = tpu.vector_load %arg6[%get3A_555, %get3A_556] {strides = array<i32>} : memref<64x768xf32, #tpu.memory_space<vmem>>, vector<1x16xf32>,
      %get3A_558 = vector.shape_cast %get3A_557 : vector<1x16xf32> to vector<16xf32>
      %mul3A_559 = arith.constant 8.000000e+00 : f32
      %mul3A_560 = vector.broadcast %mul3A_559 : f32 to vector<16xf32>
      %mul3A_561 = arith.mulf %get3A_558, %mul3A_560 : vector<16xf32>
      %swap3A_562 = arith.index_cast %scan3A_172 : i32 to index
      %swap3A_563 = arith.constant 512 : index
      %swap3A_564 = tpu.vector_load %arg6[%swap3A_562, %swap3A_563] {strides = array<i32>} : memref<64x768xf32, #tpu.memory_space<vmem>>, vector<1x16xf32>,
      %swap3A_565 = vector.shape_cast %swap3A_564 : vector<1x16xf32> to vector<16xf32>
      %swap3A_566 = vector.shape_cast %mul3A_561 : vector<16xf32> to vector<1x16xf32>
      tpu.vector_store %arg6[%swap3A_562, %swap3A_563], %swap3A_566 {strides = array<i32>} : memref<64x768xf32, #tpu.memory_space<vmem>>, vector<1x16xf32>,
      %get3A_567 = arith.index_cast %scan3A_172 : i32 to index
      %get3A_568 = arith.constant 528 : index
      %get3A_569 = tpu.vector_load %arg6[%get3A_567, %get3A_568] {strides = array<i32>} : memref<64x768xf32, #tpu.memory_space<vmem>>, vector<1x16xf32>,
      %get3A_570 = vector.shape_cast %get3A_569 : vector<1x16xf32> to vector<16xf32>
      %mul3A_571 = arith.constant 8.000000e+00 : f32
      %mul3A_572 = vector.broadcast %mul3A_571 : f32 to vector<16xf32>
      %mul3A_573 = arith.mulf %get3A_570, %mul3A_572 : vector<16xf32>
      %swap3A_574 = arith.index_cast %scan3A_172 : i32 to index
      %swap3A_575 = arith.constant 528 : index
      %swap3A_576 = tpu.vector_load %arg6[%swap3A_574, %swap3A_575] {strides = array<i32>} : memref<64x768xf32, #tpu.memory_space<vmem>>, vector<1x16xf32>,
      %swap3A_577 = vector.shape_cast %swap3A_576 : vector<1x16xf32> to vector<16xf32>
      %swap3A_578 = vector.shape_cast %mul3A_573 : vector<16xf32> to vector<1x16xf32>
      tpu.vector_store %arg6[%swap3A_574, %swap3A_575], %swap3A_578 {strides = array<i32>} : memref<64x768xf32, #tpu.memory_space<vmem>>, vector<1x16xf32>,
      %get3A_579 = arith.index_cast %scan3A_172 : i32 to index
      %get3A_580 = arith.constant 544 : index
      %get3A_581 = tpu.vector_load %arg6[%get3A_579, %get3A_580] {strides = array<i32>} : memref<64x768xf32, #tpu.memory_space<vmem>>, vector<1x16xf32>,
      %get3A_582 = vector.shape_cast %get3A_581 : vector<1x16xf32> to vector<16xf32>
      %mul3A_583 = arith.constant 8.000000e+00 : f32
      %mul3A_584 = vector.broadcast %mul3A_583 : f32 to vector<16xf32>
      %mul3A_585 = arith.mulf %get3A_582, %mul3A_584 : vector<16xf32>
      %swap3A_586 = arith.index_cast %scan3A_172 : i32 to index
      %swap3A_587 = arith.constant 544 : index
      %swap3A_588 = tpu.vector_load %arg6[%swap3A_586, %swap3A_587] {strides = array<i32>} : memref<64x768xf32, #tpu.memory_space<vmem>>, vector<1x16xf32>,
      %swap3A_589 = vector.shape_cast %swap3A_588 : vector<1x16xf32> to vector<16xf32>
      %swap3A_590 = vector.shape_cast %mul3A_585 : vector<16xf32> to vector<1x16xf32>
      tpu.vector_store %arg6[%swap3A_586, %swap3A_587], %swap3A_590 {strides = array<i32>} : memref<64x768xf32, #tpu.memory_space<vmem>>, vector<1x16xf32>,
      %get3A_591 = arith.index_cast %scan3A_172 : i32 to index
      %get3A_592 = arith.constant 560 : index
      %get3A_593 = tpu.vector_load %arg6[%get3A_591, %get3A_592] {strides = array<i32>} : memref<64x768xf32, #tpu.memory_space<vmem>>, vector<1x16xf32>,
      %get3A_594 = vector.shape_cast %get3A_593 : vector<1x16xf32> to vector<16xf32>
      %mul3A_595 = arith.constant 8.000000e+00 : f32
      %mul3A_596 = vector.broadcast %mul3A_595 : f32 to vector<16xf32>
      %mul3A_597 = arith.mulf %get3A_594, %mul3A_596 : vector<16xf32>
      %swap3A_598 = arith.index_cast %scan3A_172 : i32 to index
      %swap3A_599 = arith.constant 560 : index
      %swap3A_600 = tpu.vector_load %arg6[%swap3A_598, %swap3A_599] {strides = array<i32>} : memref<64x768xf32, #tpu.memory_space<vmem>>, vector<1x16xf32>,
      %swap3A_601 = vector.shape_cast %swap3A_600 : vector<1x16xf32> to vector<16xf32>
      %swap3A_602 = vector.shape_cast %mul3A_597 : vector<16xf32> to vector<1x16xf32>
      tpu.vector_store %arg6[%swap3A_598, %swap3A_599], %swap3A_602 {strides = array<i32>} : memref<64x768xf32, #tpu.memory_space<vmem>>, vector<1x16xf32>,
      %get3A_603 = arith.index_cast %scan3A_172 : i32 to index
      %get3A_604 = arith.constant 576 : index
      %get3A_605 = tpu.vector_load %arg6[%get3A_603, %get3A_604] {strides = array<i32>} : memref<64x768xf32, #tpu.memory_space<vmem>>, vector<1x16xf32>,
      %get3A_606 = vector.shape_cast %get3A_605 : vector<1x16xf32> to vector<16xf32>
      %mul3A_607 = arith.constant 8.000000e+00 : f32
      %mul3A_608 = vector.broadcast %mul3A_607 : f32 to vector<16xf32>
      %mul3A_609 = arith.mulf %get3A_606, %mul3A_608 : vector<16xf32>
      %swap3A_610 = arith.index_cast %scan3A_172 : i32 to index
      %swap3A_611 = arith.constant 576 : index
      %swap3A_612 = tpu.vector_load %arg6[%swap3A_610, %swap3A_611] {strides = array<i32>} : memref<64x768xf32, #tpu.memory_space<vmem>>, vector<1x16xf32>,
      %swap3A_613 = vector.shape_cast %swap3A_612 : vector<1x16xf32> to vector<16xf32>
      %swap3A_614 = vector.shape_cast %mul3A_609 : vector<16xf32> to vector<1x16xf32>
      tpu.vector_store %arg6[%swap3A_610, %swap3A_611], %swap3A_614 {strides = array<i32>} : memref<64x768xf32, #tpu.memory_space<vmem>>, vector<1x16xf32>,
      %get3A_615 = arith.index_cast %scan3A_172 : i32 to index
      %get3A_616 = arith.constant 592 : index
      %get3A_617 = tpu.vector_load %arg6[%get3A_615, %get3A_616] {strides = array<i32>} : memref<64x768xf32, #tpu.memory_space<vmem>>, vector<1x16xf32>,
      %get3A_618 = vector.shape_cast %get3A_617 : vector<1x16xf32> to vector<16xf32>
      %mul3A_619 = arith.constant 8.000000e+00 : f32
      %mul3A_620 = vector.broadcast %mul3A_619 : f32 to vector<16xf32>
      %mul3A_621 = arith.mulf %get3A_618, %mul3A_620 : vector<16xf32>
      %swap3A_622 = arith.index_cast %scan3A_172 : i32 to index
      %swap3A_623 = arith.constant 592 : index
      %swap3A_624 = tpu.vector_load %arg6[%swap3A_622, %swap3A_623] {strides = array<i32>} : memref<64x768xf32, #tpu.memory_space<vmem>>, vector<1x16xf32>,
      %swap3A_625 = vector.shape_cast %swap3A_624 : vector<1x16xf32> to vector<16xf32>
      %swap3A_626 = vector.shape_cast %mul3A_621 : vector<16xf32> to vector<1x16xf32>
      tpu.vector_store %arg6[%swap3A_622, %swap3A_623], %swap3A_626 {strides = array<i32>} : memref<64x768xf32, #tpu.memory_space<vmem>>, vector<1x16xf32>,
      %get3A_627 = arith.index_cast %scan3A_172 : i32 to index
      %get3A_628 = arith.constant 608 : index
      %get3A_629 = tpu.vector_load %arg6[%get3A_627, %get3A_628] {strides = array<i32>} : memref<64x768xf32, #tpu.memory_space<vmem>>, vector<1x16xf32>,
      %get3A_630 = vector.shape_cast %get3A_629 : vector<1x16xf32> to vector<16xf32>
      %mul3A_631 = arith.constant 8.000000e+00 : f32
      %mul3A_632 = vector.broadcast %mul3A_631 : f32 to vector<16xf32>
      %mul3A_633 = arith.mulf %get3A_630, %mul3A_632 : vector<16xf32>
      %swap3A_634 = arith.index_cast %scan3A_172 : i32 to index
      %swap3A_635 = arith.constant 608 : index
      %swap3A_636 = tpu.vector_load %arg6[%swap3A_634, %swap3A_635] {strides = array<i32>} : memref<64x768xf32, #tpu.memory_space<vmem>>, vector<1x16xf32>,
      %swap3A_637 = vector.shape_cast %swap3A_636 : vector<1x16xf32> to vector<16xf32>
      %swap3A_638 = vector.shape_cast %mul3A_633 : vector<16xf32> to vector<1x16xf32>
      tpu.vector_store %arg6[%swap3A_634, %swap3A_635], %swap3A_638 {strides = array<i32>} : memref<64x768xf32, #tpu.memory_space<vmem>>, vector<1x16xf32>,
      %get3A_639 = arith.index_cast %scan3A_172 : i32 to index
      %get3A_640 = arith.constant 624 : index
      %get3A_641 = tpu.vector_load %arg6[%get3A_639, %get3A_640] {strides = array<i32>} : memref<64x768xf32, #tpu.memory_space<vmem>>, vector<1x16xf32>,
      %get3A_642 = vector.shape_cast %get3A_641 : vector<1x16xf32> to vector<16xf32>
      %mul3A_643 = arith.constant 8.000000e+00 : f32
      %mul3A_644 = vector.broadcast %mul3A_643 : f32 to vector<16xf32>
      %mul3A_645 = arith.mulf %get3A_642, %mul3A_644 : vector<16xf32>
      %swap3A_646 = arith.index_cast %scan3A_172 : i32 to index
      %swap3A_647 = arith.constant 624 : index
      %swap3A_648 = tpu.vector_load %arg6[%swap3A_646, %swap3A_647] {strides = array<i32>} : memref<64x768xf32, #tpu.memory_space<vmem>>, vector<1x16xf32>,
      %swap3A_649 = vector.shape_cast %swap3A_648 : vector<1x16xf32> to vector<16xf32>
      %swap3A_650 = vector.shape_cast %mul3A_645 : vector<16xf32> to vector<1x16xf32>
      tpu.vector_store %arg6[%swap3A_646, %swap3A_647], %swap3A_650 {strides = array<i32>} : memref<64x768xf32, #tpu.memory_space<vmem>>, vector<1x16xf32>,
      %get3A_651 = arith.index_cast %scan3A_172 : i32 to index
      %get3A_652 = arith.constant 640 : index
      %get3A_653 = tpu.vector_load %arg6[%get3A_651, %get3A_652] {strides = array<i32>} : memref<64x768xf32, #tpu.memory_space<vmem>>, vector<1x16xf32>,
      %get3A_654 = vector.shape_cast %get3A_653 : vector<1x16xf32> to vector<16xf32>
      %mul3A_655 = arith.constant 8.000000e+00 : f32
      %mul3A_656 = vector.broadcast %mul3A_655 : f32 to vector<16xf32>
      %mul3A_657 = arith.mulf %get3A_654, %mul3A_656 : vector<16xf32>
      %swap3A_658 = arith.index_cast %scan3A_172 : i32 to index
      %swap3A_659 = arith.constant 640 : index
      %swap3A_660 = tpu.vector_load %arg6[%swap3A_658, %swap3A_659] {strides = array<i32>} : memref<64x768xf32, #tpu.memory_space<vmem>>, vector<1x16xf32>,
      %swap3A_661 = vector.shape_cast %swap3A_660 : vector<1x16xf32> to vector<16xf32>
      %swap3A_662 = vector.shape_cast %mul3A_657 : vector<16xf32> to vector<1x16xf32>
      tpu.vector_store %arg6[%swap3A_658, %swap3A_659], %swap3A_662 {strides = array<i32>} : memref<64x768xf32, #tpu.memory_space<vmem>>, vector<1x16xf32>,
      %get3A_663 = arith.index_cast %scan3A_172 : i32 to index
      %get3A_664 = arith.constant 656 : index
      %get3A_665 = tpu.vector_load %arg6[%get3A_663, %get3A_664] {strides = array<i32>} : memref<64x768xf32, #tpu.memory_space<vmem>>, vector<1x16xf32>,
      %get3A_666 = vector.shape_cast %get3A_665 : vector<1x16xf32> to vector<16xf32>
      %mul3A_667 = arith.constant 8.000000e+00 : f32
      %mul3A_668 = vector.broadcast %mul3A_667 : f32 to vector<16xf32>
      %mul3A_669 = arith.mulf %get3A_666, %mul3A_668 : vector<16xf32>
      %swap3A_670 = arith.index_cast %scan3A_172 : i32 to index
      %swap3A_671 = arith.constant 656 : index
      %swap3A_672 = tpu.vector_load %arg6[%swap3A_670, %swap3A_671] {strides = array<i32>} : memref<64x768xf32, #tpu.memory_space<vmem>>, vector<1x16xf32>,
      %swap3A_673 = vector.shape_cast %swap3A_672 : vector<1x16xf32> to vector<16xf32>
      %swap3A_674 = vector.shape_cast %mul3A_669 : vector<16xf32> to vector<1x16xf32>
      tpu.vector_store %arg6[%swap3A_670, %swap3A_671], %swap3A_674 {strides = array<i32>} : memref<64x768xf32, #tpu.memory_space<vmem>>, vector<1x16xf32>,
      %get3A_675 = arith.index_cast %scan3A_172 : i32 to index
      %get3A_676 = arith.constant 672 : index
      %get3A_677 = tpu.vector_load %arg6[%get3A_675, %get3A_676] {strides = array<i32>} : memref<64x768xf32, #tpu.memory_space<vmem>>, vector<1x16xf32>,
      %get3A_678 = vector.shape_cast %get3A_677 : vector<1x16xf32> to vector<16xf32>
      %mul3A_679 = arith.constant 8.000000e+00 : f32
      %mul3A_680 = vector.broadcast %mul3A_679 : f32 to vector<16xf32>
      %mul3A_681 = arith.mulf %get3A_678, %mul3A_680 : vector<16xf32>
      %swap3A_682 = arith.index_cast %scan3A_172 : i32 to index
      %swap3A_683 = arith.constant 672 : index
      %swap3A_684 = tpu.vector_load %arg6[%swap3A_682, %swap3A_683] {strides = array<i32>} : memref<64x768xf32, #tpu.memory_space<vmem>>, vector<1x16xf32>,
      %swap3A_685 = vector.shape_cast %swap3A_684 : vector<1x16xf32> to vector<16xf32>
      %swap3A_686 = vector.shape_cast %mul3A_681 : vector<16xf32> to vector<1x16xf32>
      tpu.vector_store %arg6[%swap3A_682, %swap3A_683], %swap3A_686 {strides = array<i32>} : memref<64x768xf32, #tpu.memory_space<vmem>>, vector<1x16xf32>,
      %get3A_687 = arith.index_cast %scan3A_172 : i32 to index
      %get3A_688 = arith.constant 688 : index
      %get3A_689 = tpu.vector_load %arg6[%get3A_687, %get3A_688] {strides = array<i32>} : memref<64x768xf32, #tpu.memory_space<vmem>>, vector<1x16xf32>,
      %get3A_690 = vector.shape_cast %get3A_689 : vector<1x16xf32> to vector<16xf32>
      %mul3A_691 = arith.constant 8.000000e+00 : f32
      %mul3A_692 = vector.broadcast %mul3A_691 : f32 to vector<16xf32>
      %mul3A_693 = arith.mulf %get3A_690, %mul3A_692 : vector<16xf32>
      %swap3A_694 = arith.index_cast %scan3A_172 : i32 to index
      %swap3A_695 = arith.constant 688 : index
      %swap3A_696 = tpu.vector_load %arg6[%swap3A_694, %swap3A_695] {strides = array<i32>} : memref<64x768xf32, #tpu.memory_space<vmem>>, vector<1x16xf32>,
      %swap3A_697 = vector.shape_cast %swap3A_696 : vector<1x16xf32> to vector<16xf32>
      %swap3A_698 = vector.shape_cast %mul3A_693 : vector<16xf32> to vector<1x16xf32>
      tpu.vector_store %arg6[%swap3A_694, %swap3A_695], %swap3A_698 {strides = array<i32>} : memref<64x768xf32, #tpu.memory_space<vmem>>, vector<1x16xf32>,
      %get3A_699 = arith.index_cast %scan3A_172 : i32 to index
      %get3A_700 = arith.constant 704 : index
      %get3A_701 = tpu.vector_load %arg6[%get3A_699, %get3A_700] {strides = array<i32>} : memref<64x768xf32, #tpu.memory_space<vmem>>, vector<1x16xf32>,
      %get3A_702 = vector.shape_cast %get3A_701 : vector<1x16xf32> to vector<16xf32>
      %mul3A_703 = arith.constant 8.000000e+00 : f32
      %mul3A_704 = vector.broadcast %mul3A_703 : f32 to vector<16xf32>
      %mul3A_705 = arith.mulf %get3A_702, %mul3A_704 : vector<16xf32>
      %swap3A_706 = arith.index_cast %scan3A_172 : i32 to index
      %swap3A_707 = arith.constant 704 : index
      %swap3A_708 = tpu.vector_load %arg6[%swap3A_706, %swap3A_707] {strides = array<i32>} : memref<64x768xf32, #tpu.memory_space<vmem>>, vector<1x16xf32>,
      %swap3A_709 = vector.shape_cast %swap3A_708 : vector<1x16xf32> to vector<16xf32>
      %swap3A_710 = vector.shape_cast %mul3A_705 : vector<16xf32> to vector<1x16xf32>
      tpu.vector_store %arg6[%swap3A_706, %swap3A_707], %swap3A_710 {strides = array<i32>} : memref<64x768xf32, #tpu.memory_space<vmem>>, vector<1x16xf32>,
      %get3A_711 = arith.index_cast %scan3A_172 : i32 to index
      %get3A_712 = arith.constant 720 : index
      %get3A_713 = tpu.vector_load %arg6[%get3A_711, %get3A_712] {strides = array<i32>} : memref<64x768xf32, #tpu.memory_space<vmem>>, vector<1x16xf32>,
      %get3A_714 = vector.shape_cast %get3A_713 : vector<1x16xf32> to vector<16xf32>
      %mul3A_715 = arith.constant 8.000000e+00 : f32
      %mul3A_716 = vector.broadcast %mul3A_715 : f32 to vector<16xf32>
      %mul3A_717 = arith.mulf %get3A_714, %mul3A_716 : vector<16xf32>
      %swap3A_718 = arith.index_cast %scan3A_172 : i32 to index
      %swap3A_719 = arith.constant 720 : index
      %swap3A_720 = tpu.vector_load %arg6[%swap3A_718, %swap3A_719] {strides = array<i32>} : memref<64x768xf32, #tpu.memory_space<vmem>>, vector<1x16xf32>,
      %swap3A_721 = vector.shape_cast %swap3A_720 : vector<1x16xf32> to vector<16xf32>
      %swap3A_722 = vector.shape_cast %mul3A_717 : vector<16xf32> to vector<1x16xf32>
      tpu.vector_store %arg6[%swap3A_718, %swap3A_719], %swap3A_722 {strides = array<i32>} : memref<64x768xf32, #tpu.memory_space<vmem>>, vector<1x16xf32>,
      %get3A_723 = arith.index_cast %scan3A_172 : i32 to index
      %get3A_724 = arith.constant 736 : index
      %get3A_725 = tpu.vector_load %arg6[%get3A_723, %get3A_724] {strides = array<i32>} : memref<64x768xf32, #tpu.memory_space<vmem>>, vector<1x16xf32>,
      %get3A_726 = vector.shape_cast %get3A_725 : vector<1x16xf32> to vector<16xf32>
      %mul3A_727 = arith.constant 8.000000e+00 : f32
      %mul3A_728 = vector.broadcast %mul3A_727 : f32 to vector<16xf32>
      %mul3A_729 = arith.mulf %get3A_726, %mul3A_728 : vector<16xf32>
      %swap3A_730 = arith.index_cast %scan3A_172 : i32 to index
      %swap3A_731 = arith.constant 736 : index
      %swap3A_732 = tpu.vector_load %arg6[%swap3A_730, %swap3A_731] {strides = array<i32>} : memref<64x768xf32, #tpu.memory_space<vmem>>, vector<1x16xf32>,
      %swap3A_733 = vector.shape_cast %swap3A_732 : vector<1x16xf32> to vector<16xf32>
      %swap3A_734 = vector.shape_cast %mul3A_729 : vector<16xf32> to vector<1x16xf32>
      tpu.vector_store %arg6[%swap3A_730, %swap3A_731], %swap3A_734 {strides = array<i32>} : memref<64x768xf32, #tpu.memory_space<vmem>>, vector<1x16xf32>,
      %get3A_735 = arith.index_cast %scan3A_172 : i32 to index
      %get3A_736 = arith.constant 752 : index
      %get3A_737 = tpu.vector_load %arg6[%get3A_735, %get3A_736] {strides = array<i32>} : memref<64x768xf32, #tpu.memory_space<vmem>>, vector<1x16xf32>,
      %get3A_738 = vector.shape_cast %get3A_737 : vector<1x16xf32> to vector<16xf32>
      %mul3A_739 = arith.constant 8.000000e+00 : f32
      %mul3A_740 = vector.broadcast %mul3A_739 : f32 to vector<16xf32>
      %mul3A_741 = arith.mulf %get3A_738, %mul3A_740 : vector<16xf32>
      %swap3A_742 = arith.index_cast %scan3A_172 : i32 to index
      %swap3A_743 = arith.constant 752 : index
      %swap3A_744 = tpu.vector_load %arg6[%swap3A_742, %swap3A_743] {strides = array<i32>} : memref<64x768xf32, #tpu.memory_space<vmem>>, vector<1x16xf32>,
      %swap3A_745 = vector.shape_cast %swap3A_744 : vector<1x16xf32> to vector<16xf32>
      %swap3A_746 = vector.shape_cast %mul3A_741 : vector<16xf32> to vector<1x16xf32>
      tpu.vector_store %arg6[%swap3A_742, %swap3A_743], %swap3A_746 {strides = array<i32>} : memref<64x768xf32, #tpu.memory_space<vmem>>, vector<1x16xf32>,
    }
    %scan3A_119 = arith.constant 16 : i32
    %add3A_120 = arith.constant 48 : i32
    %add3A_121 = arith.addi %mul3A_2, %add3A_120 : i32
    %dma_start3A_122 = arith.constant 48 : i32
    %dma_start3A_123 = arith.constant 0 : i32
    %dma_start3A_124 = tpu.memref_slice %arg6[%dma_start3A_122, %dma_start3A_123] : memref<64x768xf32, #tpu.memory_space<vmem>> -> memref<16x768xf32, #tpu.memory_space<vmem>>
    %dma_start3A_125 = arith.constant 0 : i32
    %dma_start3A_126 = tpu.memref_slice %arg4[%add3A_121, %dma_start3A_125] : memref<2048x768xf32, #tpu.memory_space<hbm>> -> memref<16x768xf32, #tpu.memory_space<hbm>>
    %dma_start3A_127 = arith.constant 0 : i32
    %dma_start3A_128 = tpu.memref_slice %arg4[%add3A_121, %dma_start3A_127] : memref<2048x768xf32, #tpu.memory_space<hbm>> -> memref<16x768xf32, #tpu.memory_space<hbm>>
    %dma_start3A_129 = arith.constant 48 : i32
    %dma_start3A_130 = arith.constant 0 : i32
    %dma_start3A_131 = tpu.memref_slice %arg6[%dma_start3A_129, %dma_start3A_130] : memref<64x768xf32, #tpu.memory_space<vmem>> -> memref<16x768xf32, #tpu.memory_space<vmem>>
    tpu.enqueue_dma source(%dma_start3A_131 : memref<16x768xf32, #tpu.memory_space<vmem>>) target(%dma_start3A_128 : memref<16x768xf32, #tpu.memory_space<hbm>>) target_semaphore(%arg11 : memref<!tpu.dma_semaphore, #tpu.memory_space<semaphore_mem>>)
    %dma_wait3A_132 = arith.constant 0 : i32
    %dma_wait3A_133 = arith.constant 0 : i32
    %dma_wait3A_134 = tpu.memref_slice %arg6[%dma_wait3A_132, %dma_wait3A_133] : memref<64x768xf32, #tpu.memory_space<vmem>> -> memref<16x768xf32, #tpu.memory_space<vmem>>
    %dma_wait3A_135 = arith.constant 0 : i32
    %dma_wait3A_136 = tpu.memref_slice %arg4[%add3A_46, %dma_wait3A_135] : memref<2048x768xf32, #tpu.memory_space<hbm>> -> memref<16x768xf32, #tpu.memory_space<hbm>>
    %dma_wait3A_137 = arith.constant 0 : i32
    %dma_wait3A_138 = tpu.memref_slice %arg4[%add3A_46, %dma_wait3A_137] : memref<2048x768xf32, #tpu.memory_space<hbm>> -> memref<16x768xf32, #tpu.memory_space<hbm>>
    %dma_wait3A_139 = arith.constant 0 : i32
    %dma_wait3A_140 = arith.constant 0 : i32
    %dma_wait3A_141 = tpu.memref_slice %arg6[%dma_wait3A_139, %dma_wait3A_140] : memref<64x768xf32, #tpu.memory_space<vmem>> -> memref<16x768xf32, #tpu.memory_space<vmem>>
    tpu.wait_dma2 semaphore(%arg11 : memref<!tpu.dma_semaphore, #tpu.memory_space<semaphore_mem>>) src(%dma_wait3A_141 : memref<16x768xf32, #tpu.memory_space<vmem>>) dst(%dma_wait3A_138 : memref<16x768xf32, #tpu.memory_space<hbm>>)
    %dma_wait3A_142 = arith.constant 16 : i32
    %dma_wait3A_143 = arith.constant 0 : i32
    %dma_wait3A_144 = tpu.memref_slice %arg6[%dma_wait3A_142, %dma_wait3A_143] : memref<64x768xf32, #tpu.memory_space<vmem>> -> memref<16x768xf32, #tpu.memory_space<vmem>>
    %dma_wait3A_145 = arith.constant 0 : i32
    %dma_wait3A_146 = tpu.memref_slice %arg4[%add3A_71, %dma_wait3A_145] : memref<2048x768xf32, #tpu.memory_space<hbm>> -> memref<16x768xf32, #tpu.memory_space<hbm>>
    %dma_wait3A_147 = arith.constant 0 : i32
    %dma_wait3A_148 = tpu.memref_slice %arg4[%add3A_71, %dma_wait3A_147] : memref<2048x768xf32, #tpu.memory_space<hbm>> -> memref<16x768xf32, #tpu.memory_space<hbm>>
    %dma_wait3A_149 = arith.constant 16 : i32
    %dma_wait3A_150 = arith.constant 0 : i32
    %dma_wait3A_151 = tpu.memref_slice %arg6[%dma_wait3A_149, %dma_wait3A_150] : memref<64x768xf32, #tpu.memory_space<vmem>> -> memref<16x768xf32, #tpu.memory_space<vmem>>
    tpu.wait_dma2 semaphore(%arg11 : memref<!tpu.dma_semaphore, #tpu.memory_space<semaphore_mem>>) src(%dma_wait3A_151 : memref<16x768xf32, #tpu.memory_space<vmem>>) dst(%dma_wait3A_148 : memref<16x768xf32, #tpu.memory_space<hbm>>)
    %dma_wait3A_152 = arith.constant 32 : i32
    %dma_wait3A_153 = arith.constant 0 : i32
    %dma_wait3A_154 = tpu.memref_slice %arg6[%dma_wait3A_152, %dma_wait3A_153] : memref<64x768xf32, #tpu.memory_space<vmem>> -> memref<16x768xf32, #tpu.memory_space<vmem>>
    %dma_wait3A_155 = arith.constant 0 : i32
    %dma_wait3A_156 = tpu.memref_slice %arg4[%add3A_96, %dma_wait3A_155] : memref<2048x768xf32, #tpu.memory_space<hbm>> -> memref<16x768xf32, #tpu.memory_space<hbm>>
    %dma_wait3A_157 = arith.constant 0 : i32
    %dma_wait3A_158 = tpu.memref_slice %arg4[%add3A_96, %dma_wait3A_157] : memref<2048x768xf32, #tpu.memory_space<hbm>> -> memref<16x768xf32, #tpu.memory_space<hbm>>
    %dma_wait3A_159 = arith.constant 32 : i32
    %dma_wait3A_160 = arith.constant 0 : i32
    %dma_wait3A_161 = tpu.memref_slice %arg6[%dma_wait3A_159, %dma_wait3A_160] : memref<64x768xf32, #tpu.memory_space<vmem>> -> memref<16x768xf32, #tpu.memory_space<vmem>>
    tpu.wait_dma2 semaphore(%arg11 : memref<!tpu.dma_semaphore, #tpu.memory_space<semaphore_mem>>) src(%dma_wait3A_161 : memref<16x768xf32, #tpu.memory_space<vmem>>) dst(%dma_wait3A_158 : memref<16x768xf32, #tpu.memory_space<hbm>>)
    %dma_wait3A_162 = arith.constant 48 : i32
    %dma_wait3A_163 = arith.constant 0 : i32
    %dma_wait3A_164 = tpu.memref_slice %arg6[%dma_wait3A_162, %dma_wait3A_163] : memref<64x768xf32, #tpu.memory_space<vmem>> -> memref<16x768xf32, #tpu.memory_space<vmem>>
    %dma_wait3A_165 = arith.constant 0 : i32
    %dma_wait3A_166 = tpu.memref_slice %arg4[%add3A_121, %dma_wait3A_165] : memref<2048x768xf32, #tpu.memory_space<hbm>> -> memref<16x768xf32, #tpu.memory_space<hbm>>
    %dma_wait3A_167 = arith.constant 0 : i32
    %dma_wait3A_168 = tpu.memref_slice %arg4[%add3A_121, %dma_wait3A_167] : memref<2048x768xf32, #tpu.memory_space<hbm>> -> memref<16x768xf32, #tpu.memory_space<hbm>>
    %dma_wait3A_169 = arith.constant 48 : i32
    %dma_wait3A_170 = arith.constant 0 : i32
    %dma_wait3A_171 = tpu.memref_slice %arg6[%dma_wait3A_169, %dma_wait3A_170] : memref<64x768xf32, #tpu.memory_space<vmem>> -> memref<16x768xf32, #tpu.memory_space<vmem>>
    tpu.wait_dma2 semaphore(%arg11 : memref<!tpu.dma_semaphore, #tpu.memory_space<semaphore_mem>>) src(%dma_wait3A_171 : memref<16x768xf32, #tpu.memory_space<vmem>>) dst(%dma_wait3A_168 : memref<16x768xf32, #tpu.memory_space<hbm>>)
    return
  }
}

</mosaic_0001>

<sc_bundles>
// kernel: kernel.3.cloned.1.call-start
scs
__scs_entry_jumppad:
0x0: {  	(pc) =	sbr.rel $0x88, $3  }
0x1: {  	(tag) =	ssettag $0x0;
	lr =	simm.s32 $0x1  }
0x2: {  	[smem:$0x3F9F] =	sst lr;
	_ =	strace $0xD0000000  }
0x3: {  	_ = 	snop  }
0x4: {  	_ = 	snop  }
0x5: {  	_ = 	snop  }
0x6: {  	_ = 	snop  }
0x7: {  	_ = 	snop  }
__scs_overlays_trampoline_lowered:
0x8: {  	[smem:$0x3FAE] =	sst s0  }
0x9: {  	[smem:$0x3FAF] =	sst s1  }
0xa: {  	[smem:$0x3FB0] =	sst s2  }
0xb: {  	[smem:$0x3FB1] =	sst s3  }
0xc: {  	[smem:$0x3FB2] =	sst s4  }
0xd: {  	[smem:$0x3FB3] =	sst s5  }
0xe: {  	[smem:$0x3FB4] =	sst s6  }
0xf: {  	[smem:$0x3FB5] =	sst s7  }
0x10: {  	[smem:$0x3FB6] =	sst s8  }
0x11: {  	[smem:$0x3FB7] =	sst s9;
	s0 =	simm.s32 @!p0 $0x0  }
0x12: {  	s1 =	sld [smem:$0x3F9D];
	s0 =	simm.s32 @p0 $0x1  }
0x13: {  	[smem:$0x3FB8] =	sst s0;
	s0 =	simm.s32 @!p1 $0x0  }
0x14: {  	s2 =	sld [smem:$0x3F9C];
	s0 =	simm.s32 @p1 $0x1  }
0x15: {  	[smem:$0x3FB9] =	sst s0;
	s0 =	simm.s32 @!p2 $0x0  }
0x16: {  	s3 =	sld [smem:$0x3FDB];
	s0 =	simm.s32 @p2 $0x1  }
0x17: {  	s4 =	simm.s32 $0x1BF5;
	[smem:$0x3FBB] =	sst s0  }
0x18: {  	s0 =	sld [smem:$0x3F9E];
	_ =	swait.ge [sflag:s4], $0x0  }
0x19: {  	s7 =	sld [smem:$0x3F9F]  }
0x1a: {  	s8 =	sadd.s32 $0xFFFFE003, lr  }
0x1b: {  	s9 =	sadd.s32 $0xFFFFFEF7, lr;
	s5 =	simm.s32 $0xFFFFFFFF;
	p2 =	slt.u32 s8, $0xFFFFF086  }
0x1c: {  	p1 =	slt.u32 s9, $0xF7A;
	s5 =	simm.s32 @!p2 $0x0  }
0x1d: {  	s5 =	simm.s32 @p1 $0x1;
	p0 =	seq.s32 s7, s2  }
0x1e: {  	s7 =	smul.u32 @!p0 $0xF7A, s2;
	p2 =	seq.s32 @!p0 s5, $0x0  }
0x1f: {  	s9 =	smul.u32 $0xF7A, s1;
	s8 =	simm.s32 @!p0 $0x1BF5;
	p2 =	por !p2, p0  }
0x20: {  	[sflag:s8] =	ssyncset.s32 @!p0 $0xFFFFF086;
	s6 =	sadd.s32 @!p0 s3, s7;
	s7 =	simm.s32 @!p0 $0x108  }
0x21: {  	s3 =	sadd.s32 s3, s9;
	s6 =	sadd.s32 @!p0 $0x88, s6;
	s7 =	simm.s32 @p2 $0x1082  }
0x22: {  	[simem:s7], [sflag:s8] =	dma.local @!p0 [hbm:s6], $0xF7A  }
0x23: {  	s9 =	sor.u32 $0xD0000000, s2;
	s6 =	simm.s32 $0x108;
	_ =	swait.ge @!p0 [sflag:s8], $0x0  }
0x24: {  	s3 =	sadd.s32 $0x88, s3;
	s6 =	simm.s32 @!p1 $0x1082;
	[sflag:s4] =	ssyncset.s32 $0xFFFFF086  }
0x25: {  	[simem:s6], [sflag:s4] =	dma.local [hbm:s3], $0xF7A  }
0x26: {  	[smem:$0x3F9F] =	sst s1;
	(tag) =	ssettag s2;
	_ =	strace s9  }
0x27: {  	s1 =	sld [smem:$0x3FAF]  }
0x28: {  	s2 =	sld [smem:$0x3FB0]  }
0x29: {  	s4 =	sld [smem:$0x3FB2]  }
0x2a: {  	p0 =	seq.s32 s5, $0x0;
	s5 =	sld [smem:$0x3FB3]  }
0x2b: {  	s6 =	sld [smem:$0x3FB4]  }
0x2c: {  	s7 =	sld [smem:$0x3FB5]  }
0x2d: {  	s3 =	simm.s32 $0x108;
	s8 =	sld [smem:$0x3FB6]  }
0x2e: {  	s3 =	simm.s32 @!p0 $0x1082;
	s9 =	sld [smem:$0x3FB7]  }
0x2f: {  	lr =	sadd.s32 s0, s3;
	s0 =	sld [smem:$0x3FAE]  }
0x30: {  	s3 =	sld [smem:$0x3FB1]  }
0x31: {  	[smem:$0x3FBA] =	sst s10  }
0x32: {  	s10 =	sld [smem:$0x3FB8];
	_ =	sdelay $0x3  }
0x33: {  	p0 =	seq.s32 s10, $0x1;
	s10 =	sld [smem:$0x3FBA];
	_ =	sdelay $0x3  }
0x34: {  	[smem:$0x3FBA] =	sst s10  }
0x35: {  	s10 =	sld [smem:$0x3FB9];
	_ =	sdelay $0x3  }
0x36: {  	p1 =	seq.s32 s10, $0x1;
	s10 =	sld [smem:$0x3FBA];
	_ =	sdelay $0x3  }
0x37: {  	[smem:$0x3FBA] =	sst s10  }
0x38: {  	s10 =	sld [smem:$0x3FBB]  }
0x39: {  	_ = 	snop;
	(pc) =	sbr.ind lr, $3  }
0x3a: {  	_ = 	snop  }
0x3b: {  	_ = 	snop  }
0x3c: {  	p2 =	seq.s32 s10, $0x1;
	s10 =	sld [smem:$0x3FBA]  }
0x3d: {  	_ =	shalt  }
0x3e: {  	_ =	shalt  }
0x3f: {  	_ =	shalt  }
0x40: {  	_ =	shalt  }
0x41: {  	_ =	shalt  }
0x42: {  	_ =	shalt  }
0x43: {  	_ =	shalt  }
0x44: {  	_ =	shalt  }
0x45: {  	_ =	shalt  }
0x46: {  	_ =	shalt  }
0x47: {  	_ =	shalt  }
0x48: {  	_ =	shalt  }
0x49: {  	_ =	shalt  }
0x4a: {  	_ =	shalt  }
0x4b: {  	_ =	shalt  }
0x4c: {  	_ =	shalt  }
0x4d: {  	_ =	shalt  }
0x4e: {  	_ =	shalt  }
0x4f: {  	_ =	shalt  }
0x50: {  	_ =	shalt  }
0x51: {  	_ =	shalt  }
0x52: {  	_ =	shalt  }
0x53: {  	_ =	shalt  }
0x54: {  	_ =	shalt  }
0x55: {  	_ =	shalt  }
0x56: {  	_ =	shalt  }
0x57: {  	_ =	shalt  }
0x58: {  	_ =	shalt  }
0x59: {  	_ =	shalt  }
0x5a: {  	_ =	shalt  }
0x5b: {  	_ =	shalt  }
0x5c: {  	_ =	shalt  }
0x5d: {  	_ =	shalt  }
0x5e: {  	_ =	shalt  }
0x5f: {  	_ =	shalt  }
0x60: {  	_ =	shalt  }
0x61: {  	_ =	shalt  }
0x62: {  	_ =	shalt  }
0x63: {  	_ =	shalt  }
0x64: {  	_ =	shalt  }
0x65: {  	_ =	shalt  }
0x66: {  	_ =	shalt  }
0x67: {  	_ =	shalt  }
0x68: {  	_ =	shalt  }
0x69: {  	_ =	shalt  }
0x6a: {  	_ =	shalt  }
0x6b: {  	_ =	shalt  }
0x6c: {  	_ =	shalt  }
0x6d: {  	_ =	shalt  }
0x6e: {  	_ =	shalt  }
0x6f: {  	_ =	shalt  }
0x70: {  	_ =	shalt  }
0x71: {  	_ =	shalt  }
0x72: {  	_ =	shalt  }
0x73: {  	_ =	shalt  }
0x74: {  	_ =	shalt  }
0x75: {  	_ =	shalt  }
0x76: {  	_ =	shalt  }
0x77: {  	_ =	shalt  }
0x78: {  	_ =	shalt  }
0x79: {  	_ =	shalt  }
0x7a: {  	_ =	shalt  }
0x7b: {  	_ =	shalt  }
0x7c: {  	_ =	shalt  }
0x7d: {  	_ =	shalt  }
0x7e: {  	_ =	shalt  }
0x7f: {  	_ =	shalt  }
0x80: {  	_ =	shalt  }
0x81: {  	_ =	shalt  }
0x82: {  	_ =	shalt  }
0x83: {  	_ =	shalt  }
0x84: {  	_ =	shalt  }
0x85: {  	_ =	shalt  }
0x86: {  	_ =	shalt  }
0x87: {  	_ =	shalt  }
.Lfunc_end0:
.L_simem_size_0:
called_computation_lowered:
.L_overlay_start_0:
0x88: {  	s2 =	sld [smem:$0x3FD9]  }
0x89: {  	s3 =	sld [smem:$0x3FFE];
	_ =	sdelay $0x1  }
0x8a: {  	s1 =	srdreg.scid  }
0x8b: {  	s0 =	sand.u32 $0x1, s1  }
0x8c: {  	s17 =	sshll.u32 s0, $0xA;
	s2 =	sadd.s32 s3, s2  }
0x8d: {  	s2 =	sadd.s32 s2, s17  }
0x8e: {  	[smem:$0x3FC6] =	sst s2  }
0x8f: {  	_ = 	snop  }
0x90: {  	s2 =	sld [smem:$0x3FC9]  }
0x91: {  	s18 =	sld [smem:$0x3FC8];
	(tm) =	ssettm $0x1  }
0x92: {  	s4 =	sld [smem:$0x3FFB];
	_ =	sdelay $0x3  }
0x93: {  	_ =	strace s4  }
0x94: {  	s4 =	sld [smem:$0x3FFC];
	_ =	sdelay $0x3  }
0x95: {  	_ =	strace s4  }
0x96: {  	s4 =	sld [smem:$0x3FFD];
	_ =	sdelay $0x3  }
0x97: {  	_ =	strace s4  }
0x98: {  	_ =	strace $0x8FFFFFFF  }
0x99: {  	s19 =	sld [smem:$0x3FDB];
	_ =	sdelay $0x1  }
0x9a: {  	s5 =	simm.s32 $_scs_section_size  }
0x9b: {  	s6 =	simm.s32 $_size__tile_overlayer_lowered;
	s7 =	simm.s32 $_tile_overlayer_lowered  }
0x9c: {  	s22 =	simm.s32 $0x1BFF;
	s21 =	sshll.u32 s7, $0x1;
	s4 =	sadd.s32 s5, s19  }
0x9d: {  	s8 =	simm.s32 $0x0;
	s20 =	sshll.u32 s6, $0x1;
	s6 =	sadd.s32 s21, s4  }
0x9e: {  	[timem:s8], [sflag:s22] =	dma.local [hbm:s6], s20  }
0x9f: {  	_ =	swait.ge [sflag:s22], s20  }
0xa0: {  	s5 =	ssub.s32 $0x0, s20;
	[sflag:s22] =	ssyncset.done $0x0  }
0xa1: {  	[sflag:s22] =	ssyncadd.s32 s5;
	_ =	sdelay $0x1  }
0xa2: {  	s23 =	simm.s32 $0x1B8B  }
0xa3: {  	_ =	swait.ge [sflag:s23], $0x1  }
0xa4: {  	[sflag:s23] =	ssyncset.done $0x0  }
0xa5: {  	s25 =	simm.s32 $0x1B8E;
	s24 =	sld [smem:$0x3FFE];
	[sflag:s23] =	ssyncadd.s32 $0xFFFFFFFF  }
0xa6: {  	s26 =	simm.s32 $execute0_lowered;
	[smem:$0x3FD2] =	sst s25  }
0xa7: {  	s6 =	sshll.u32 s26, $0x1;
	_ =	strace $0x80000046;
	[dreg:$0x1] =	wrdreg $0xFFFFFFFF  }
0xa8: {  	s28 =	simm.s32 $_size_execute0_lowered;
	s4 =	sadd.s32 s4, s6;
	[dreg:$0x0] =	wrdreg $0x0  }
0xa9: {  	s6 =	sshll.u32 s28, $0x1;
	[dreg:$0x2] =	wrdreg s4  }
0xaa: {  	[dreg:$0x3] =	wrdreg s6  }
0xab: {  	[dreg:$0x4] =	wrdreg $0xC0  }
0xac: {  	_ =	task [dreg:s8], $0x5FFFF  }
0xad: {  	[dreg:$0x1] =	wrdreg $0xFFFFFFFF  }
0xae: {  	[dreg:$0x0] =	wrdreg $0x60  }
0xaf: {  	[dreg:$0x2] =	wrdreg s2  }
0xb0: {  	[dreg:$0x3] =	wrdreg s18  }
0xb1: {  	[dreg:$0x4] =	wrdreg s24  }
0xb2: {  	[dreg:$0x5] =	wrdreg $0x9  }
0xb3: {  	_ =	task.clear_ibuf [dreg:s8], $0x6FFFF;
	_ =	strace $0x90000046  }
0xb4: {  	s29 =	simm.s32 $0x9;
	_ =	strace $0x80000048  }
0xb5: {  	_ =	swait.ge [sflag:s29], $0x1  }
0xb6: {  	[sflag:s29] =	ssyncadd.s32 $0xFFFFFFFF  }
0xb7: {  	_ =	strace $0x90000048  }
0xb8: {  	_ =	sfence  }
0xb9: {  	s30 =	sld [smem:$0x0];
	_ =	sdelay $0x2  }
0xba: {  	s31 =	sshll.u32 s1, $0xD;
	s1 =	sshrl.u32 s1, $0x2  }
0xbb: {  	s3 =	sand.u32 $0x4000, s31;
	s1 =	sadd.s32 s1, s30  }
0xbc: {  	s0 =	sor.u32 s3, s0;
	s1 =	sshll.u32 s1, $0x11  }
0xbd: {  	s0 =	sor.u32 s1, s0  }
0xbe: {  	s0 =	sadd.s32 $0x8F2B, s0  }
0xbf: {  	[sflag:s0] =	ssyncadd.remote.s32 $0x1  }
0xc0: {  	_ =	sfence.sel $0xFFFF  }
0xc1: {  	[dreg:$0x0] =	wrdreg $0xFFFFFFFF;
	(pc) =	sbr.abs _section_cstart, $3  }
0xc2: {  	[dreg:$0x1] =	wrdreg $0xFFFFFFFF  }
0xc3: {  	_ =	task.clear_ibuf [dreg:s8], $0x2FFFF;
	_ =	strace $0x9FFFFFFF  }
0xc4: {  	(tm) =	ssettm $0x7FFFFFFF  }
0xc5: {  	_ =	shalt  }
tec
execute0_lowered:
.L_overlay_start_1:
0x0: {  	(tag) =	ssettag $0x1  }
0x1: {  	s0 =	rddreg [dreg:$0x0]  }
0x2: {  	s2 =	rddreg [dreg:$0x1]  }
0x3: {  	s1 =	rddreg [dreg:$0x2]  }
0x4: {  	s3 =	srdreg.scid;
	s5 =	stileid.u32  }
0x5: {  	s12 =	simm.s32 $0x6;
	s13 =	simm.s32 $0x80;
	s19 =	simm.s32 $0x3080  }
0x6: {  	s25 =	simm.s32 $0x6080;
	s14 =	simm.s32 $0xA080;
	s15 =	simm.s32 $0xA880  }
0x7: {  	s16 =	simm.s32 $0xB080;
	s17 =	simm.s32 $0xB880;
	s18 =	simm.s32 $0x1  }
0x8: {  	s20 =	simm.s32 $0x2;
	s21 =	simm.s32 $0x3;
	s22 =	simm.s32 $0x4  }
0x9: {  	s23 =	simm.s32 $0x5;
	s24 =	simm.s32 $0x0;
	s4 =	sand.u32 $0x1, s3  }
0xa: {  	s3 =	simm.s32 $0x0;
	s5 =	sshll.u32 s5, $0x4;
	s6 =	sshll.u32 s4, $0x3  }
0xb: {  	s1 =	sadd.s32 $0x400, s1;
	s4 =	ssub.s32 $0x2, s4;
	s5 =	sor.u32 s6, s5  }
0xc: {  	[smem:$0x7FF] =	sst s3;
	s7 =	sshrl.u32 s4, $0x1;
	s6 =	smul.u32 $0x1800, s5  }
0xd: {  	_ =	strace $0x80000047;
	s8 =	smul.u32 $0x300, s5;
	s11 =	ssub.s32 s4, s7  }
0xe: {  	s4 =	sadd.s32 s0, s5;
	s5 =	sadd.s32 $0x100, s2;
	s7 =	sadd.s32 $0x200, s2  }
0xf: {  	v2 =	vlaneseq.u32;
	s11 =	smax.u32 s11, $0x1;
	s31 =	sshrl.u32 s6, $0x3;
	s6 =	sadd.s32 s1, s8  }
0x10: {  	vm0 =	vmmov $0xffff;
	v1 =	vshrl.u32 v2, $0x3;
	s0 =	sadd.s32 s1, s31;
	s8 =	sadd.s32 $0x600, s6;
	s1 =	simm.s32 $0x9880  }
0x11: {  	v0 =	vand.u32 $0x7, v2;
	v2 =	vor.u32 $0x8, v2;
	v1 =	vmul.u32 $0x8, v1;
	s9 =	sadd.s32 $0xC00, s0;
	s10 =	sadd.s32 $0x1200, s0;
	s0 =	simm.s32 $0x9080  }
.LBB2_1:
0x12: {  	[tilespmem:s3], [sflag:$0x6] =	stream.linear.gather [hbm4b:s4+s3], $0x40, $0x38;
	[tilespmem:$0xC080] =	vst v63  }
0x13: {  	_ =	swait.ge [sflag:s12], $0x40  }
0x14: {  	[sflag:s12] =	ssyncset.done $0x0  }
0x15: {  	[sflag:s12] =	ssyncadd.s32 $0xFFFFFFC0  }
0x16: {  	v3 =	vld [tilespmem:$0x0];
	_ =	sdelay $0x4  }
0x17: {  	v4 =	vshrl.u32 v3, $0x3  }
0x18: {  	v4 =	vmul.u32 $0x30, v4  }
0x19: {  	v3 =	vand.u32 $0x7, v3  }
0x1a: {  	v3 =	vor.u32 v3, v4  }
0x1b: {  	v4 =	vperm.xlane v3, v0;
	_ =	sdelay $0x1  }
0x1c: {  	v4 =	vadd.s32 v1, v4;
	_ =	sdelay $0x3  }
0x1d: {  	v3 =	vperm.xlane v3, v2  }
0x1e: {  	[tilespmem:s13], [sflag:$0x1] =	stream.indirect_vreg.gather [hbm4b:s2+s3], $0x80, v4, vm0, $0xb8;
	[tilespmem:$0xC080] =	vst v63  }
0x1f: {  	s26 =	simm.s32 $0x880;
	v3 =	vadd.s32 v1, v3  }
0x20: {  	[tilespmem:s26], [sflag:$0x1] =	stream.indirect_vreg.gather [hbm4b:s5+s3], $0x80, v4, vm0, $0xb8;
	[tilespmem:$0xC080] =	vst v63  }
0x21: {  	s31 =	simm.s32 $0x1080  }
0x22: {  	[tilespmem:s31], [sflag:$0x1] =	stream.indirect_vreg.gather [hbm4b:s7+s3], $0x80, v4, vm0, $0xb8;
	[tilespmem:$0xC080] =	vst v63  }
0x23: {  	s30 =	simm.s32 $0x1880  }
0x24: {  	[tilespmem:s30], [sflag:$0x1] =	stream.indirect_vreg.gather [hbm4b:s2+s3], $0x80, v3, vm0, $0xb8;
	[tilespmem:$0xC080] =	vst v63  }
0x25: {  	s31 =	simm.s32 $0x2080  }
0x26: {  	[tilespmem:s31], [sflag:$0x1] =	stream.indirect_vreg.gather [hbm4b:s5+s3], $0x80, v3, vm0, $0xb8;
	[tilespmem:$0xC080] =	vst v63  }
0x27: {  	s30 =	simm.s32 $0x2880  }
0x28: {  	[tilespmem:s30], [sflag:$0x1] =	stream.indirect_vreg.gather [hbm4b:s7+s3], $0x80, v3, vm0, $0xb8;
	[tilespmem:$0xC080] =	vst v63  }
0x29: {  	v3 =	vld [tilespmem:$0x10];
	_ =	sdelay $0x4  }
0x2a: {  	v4 =	vshrl.u32 v3, $0x3  }
0x2b: {  	v4 =	vmul.u32 $0x30, v4  }
0x2c: {  	v3 =	vand.u32 $0x7, v3  }
0x2d: {  	v3 =	vor.u32 v3, v4  }
0x2e: {  	v4 =	vperm.xlane v3, v0;
	_ =	sdelay $0x1  }
0x2f: {  	v4 =	vadd.s32 v1, v4;
	_ =	sdelay $0x3  }
0x30: {  	v3 =	vperm.xlane v3, v2  }
0x31: {  	[tilespmem:s19], [sflag:$0x2] =	stream.indirect_vreg.gather [hbm4b:s2+s3], $0x80, v4, vm0, $0xb8;
	[tilespmem:$0xC080] =	vst v63  }
0x32: {  	s31 =	simm.s32 $0x3880;
	v3 =	vadd.s32 v1, v3  }
0x33: {  	[tilespmem:s31], [sflag:$0x2] =	stream.indirect_vreg.gather [hbm4b:s5+s3], $0x80, v4, vm0, $0xb8;
	[tilespmem:$0xC080] =	vst v63  }
0x34: {  	s30 =	simm.s32 $0x4080  }
0x35: {  	[tilespmem:s30], [sflag:$0x2] =	stream.indirect_vreg.gather [hbm4b:s7+s3], $0x80, v4, vm0, $0xb8;
	[tilespmem:$0xC080] =	vst v63  }
0x36: {  	s31 =	simm.s32 $0x4880  }
0x37: {  	[tilespmem:s31], [sflag:$0x2] =	stream.indirect_vreg.gather [hbm4b:s2+s3], $0x80, v3, vm0, $0xb8;
	[tilespmem:$0xC080] =	vst v63  }
0x38: {  	s30 =	simm.s32 $0x5080  }
0x39: {  	[tilespmem:s30], [sflag:$0x2] =	stream.indirect_vreg.gather [hbm4b:s5+s3], $0x80, v3, vm0, $0xb8;
	[tilespmem:$0xC080] =	vst v63  }
0x3a: {  	s31 =	simm.s32 $0x5880  }
0x3b: {  	[tilespmem:s31], [sflag:$0x2] =	stream.indirect_vreg.gather [hbm4b:s7+s3], $0x80, v3, vm0, $0xb8;
	[tilespmem:$0xC080] =	vst v63  }
0x3c: {  	v3 =	vld [tilespmem:$0x20];
	_ =	sdelay $0x4  }
0x3d: {  	v4 =	vshrl.u32 v3, $0x3  }
0x3e: {  	v4 =	vmul.u32 $0x30, v4  }
0x3f: {  	v3 =	vand.u32 $0x7, v3  }
0x40: {  	v3 =	vor.u32 v3, v4  }
0x41: {  	v4 =	vperm.xlane v3, v0;
	_ =	sdelay $0x1  }
0x42: {  	v4 =	vadd.s32 v1, v4;
	_ =	sdelay $0x3  }
0x43: {  	v3 =	vperm.xlane v3, v2  }
0x44: {  	[tilespmem:s25], [sflag:$0x3] =	stream.indirect_vreg.gather [hbm4b:s2+s3], $0x80, v4, vm0, $0xb8;
	[tilespmem:$0xC080] =	vst v63  }
0x45: {  	s30 =	simm.s32 $0x6880;
	v3 =	vadd.s32 v1, v3  }
0x46: {  	[tilespmem:s30], [sflag:$0x3] =	stream.indirect_vreg.gather [hbm4b:s5+s3], $0x80, v4, vm0, $0xb8;
	[tilespmem:$0xC080] =	vst v63  }
0x47: {  	s31 =	simm.s32 $0x7080  }
0x48: {  	[tilespmem:s31], [sflag:$0x3] =	stream.indirect_vreg.gather [hbm4b:s7+s3], $0x80, v4, vm0, $0xb8;
	[tilespmem:$0xC080] =	vst v63  }
0x49: {  	s30 =	simm.s32 $0x7880  }
0x4a: {  	[tilespmem:s30], [sflag:$0x3] =	stream.indirect_vreg.gather [hbm4b:s2+s3], $0x80, v3, vm0, $0xb8;
	[tilespmem:$0xC080] =	vst v63  }
0x4b: {  	s31 =	simm.s32 $0x8080  }
0x4c: {  	[tilespmem:s31], [sflag:$0x3] =	stream.indirect_vreg.gather [hbm4b:s5+s3], $0x80, v3, vm0, $0xb8;
	[tilespmem:$0xC080] =	vst v63  }
0x4d: {  	s30 =	simm.s32 $0x8880  }
0x4e: {  	[tilespmem:s30], [sflag:$0x3] =	stream.indirect_vreg.gather [hbm4b:s7+s3], $0x80, v3, vm0, $0xb8;
	[tilespmem:$0xC080] =	vst v63  }
0x4f: {  	v3 =	vld [tilespmem:$0x30];
	_ =	sdelay $0x4  }
0x50: {  	v4 =	vshrl.u32 v3, $0x3  }
0x51: {  	v4 =	vmul.u32 $0x30, v4  }
0x52: {  	v3 =	vand.u32 $0x7, v3  }
0x53: {  	v3 =	vor.u32 v3, v4  }
0x54: {  	v4 =	vperm.xlane v3, v0;
	_ =	sdelay $0x1  }
0x55: {  	v4 =	vadd.s32 v1, v4;
	_ =	sdelay $0x3  }
0x56: {  	v3 =	vperm.xlane v3, v2  }
0x57: {  	[tilespmem:s0], [sflag:$0x4] =	stream.indirect_vreg.gather [hbm4b:s2+s3], $0x80, v4, vm0, $0xb8;
	[tilespmem:$0xC080] =	vst v63  }
0x58: {  	v3 =	vadd.s32 v1, v3  }
0x59: {  	[tilespmem:s1], [sflag:$0x4] =	stream.indirect_vreg.gather [hbm4b:s5+s3], $0x80, v4, vm0, $0xb8;
	[tilespmem:$0xC080] =	vst v63  }
0x5a: {  	_ = 	snop  }
0x5b: {  	[tilespmem:s14], [sflag:$0x4] =	stream.indirect_vreg.gather [hbm4b:s7+s3], $0x80, v4, vm0, $0xb8;
	[tilespmem:$0xC080] =	vst v63  }
0x5c: {  	_ = 	snop  }
0x5d: {  	[tilespmem:s15], [sflag:$0x4] =	stream.indirect_vreg.gather [hbm4b:s2+s3], $0x80, v3, vm0, $0xb8;
	[tilespmem:$0xC080] =	vst v63  }
0x5e: {  	s31 =	simm.s32 $0x0  }
0x5f: {  	[tilespmem:s16], [sflag:$0x4] =	stream.indirect_vreg.gather [hbm4b:s5+s3], $0x80, v3, vm0, $0xb8;
	[tilespmem:$0xC080] =	vst v63  }
0x60: {  	s26 =	smul.u32 $0x6000, s31  }
0x61: {  	[tilespmem:s17], [sflag:$0x4] =	stream.indirect_vreg.gather [hbm4b:s7+s3], $0x80, v3, vm0, $0xb8;
	[tilespmem:$0xC080] =	vst v63  }
0x62: {  	_ =	swait.ge [sflag:s18], $0x3000  }
0x63: {  	s28 =	sand.u32 $0x380, s3;
	s26 =	sshra.s32 s26, $0x2;
	[sflag:s18] =	ssyncset.done $0x0  }
0x64: {  	s26 =	sor.u32 s28, s26;
	[sflag:s18] =	ssyncadd.s32 $0xFFFFD000  }
0x65: {  	v3 =	vld [tilespmem:s26+$0x80]  }
0x66: {  	v4 =	vld [tilespmem:s26+$0x90]  }
0x67: {  	v5 =	vld [tilespmem:s26+$0xA0]  }
0x68: {  	v6 =	vld [tilespmem:s26+$0xB0]  }
0x69: {  	v7 =	vld [tilespmem:s26+$0xC0]  }
0x6a: {  	v8 =	vld [tilespmem:s26+$0xD0];
	v3 =	vmul.f32 $8.000000000e+00, v3  }
0x6b: {  	v9 =	vld [tilespmem:s26+$0xE0];
	v4 =	vmul.f32 $8.000000000e+00, v4  }
0x6c: {  	[tilespmem:s26+$0x80] =	vst v3;
	v3 =	vmul.f32 $8.000000000e+00, v5;
	v5 =	vld [tilespmem:s26+$0xF0]  }
0x6d: {  	[tilespmem:s26+$0x90] =	vst v4;
	v4 =	vmul.f32 $8.000000000e+00, v6;
	v6 =	vld [tilespmem:s26+$0x480]  }
0x6e: {  	[tilespmem:s26+$0xA0] =	vst v3;
	v3 =	vmul.f32 $8.000000000e+00, v7;
	v7 =	vld [tilespmem:s26+$0x490]  }
0x6f: {  	[tilespmem:s26+$0xB0] =	vst v4;
	v4 =	vmul.f32 $8.000000000e+00, v8;
	v8 =	vld [tilespmem:s26+$0x4A0];
	_ =	sdelay $0x1  }
0x70: {  	[tilespmem:s26+$0xC0] =	vst v3;
	v3 =	vmul.f32 $8.000000000e+00, v9;
	v9 =	vld [tilespmem:s26+$0x4F0]  }
0x71: {  	[tilespmem:s26+$0xD0] =	vst v4;
	v4 =	vmul.f32 $8.000000000e+00, v5;
	v5 =	vld [tilespmem:s26+$0x4B0]  }
0x72: {  	[tilespmem:s26+$0xE0] =	vst v3;
	v3 =	vmul.f32 $8.000000000e+00, v6;
	v6 =	vld [tilespmem:s26+$0x4C0]  }
0x73: {  	[tilespmem:s26+$0xF0] =	vst v4;
	v4 =	vmul.f32 $8.000000000e+00, v7;
	v7 =	vmul.f32 $8.000000000e+00, v8;
	v8 =	vld [tilespmem:s26+$0x4E0]  }
0x74: {  	[tilespmem:s26+$0x480] =	vst v3;
	v3 =	vld [tilespmem:s26+$0x4D0]  }
0x75: {  	[tilespmem:s26+$0x490] =	vst v4;
	v4 =	vld [tilespmem:s26+$0x880];
	v9 =	vmul.f32 $8.000000000e+00, v9  }
0x76: {  	[tilespmem:s26+$0x4A0] =	vst v7;
	v7 =	vld [tilespmem:s26+$0x890];
	v5 =	vmul.f32 $8.000000000e+00, v5  }
0x77: {  	v6 =	vmul.f32 $8.000000000e+00, v6;
	[tilespmem:s26+$0x4F0] =	vst v9  }
0x78: {  	[tilespmem:s26+$0x4B0] =	vst v5;
	v5 =	vld [tilespmem:s26+$0x8A0];
	v8 =	vmul.f32 $8.000000000e+00, v8  }
0x79: {  	v3 =	vmul.f32 $8.000000000e+00, v3;
	[tilespmem:s26+$0x4C0] =	vst v6;
	v6 =	vld [tilespmem:s26+$0x8B0]  }
0x7a: {  	v9 =	vld [tilespmem:s26+$0x8F0];
	[tilespmem:s26+$0x4E0] =	vst v8;
	v4 =	vmul.f32 $8.000000000e+00, v4  }
0x7b: {  	v7 =	vmul.f32 $8.000000000e+00, v7;
	[tilespmem:s26+$0x4D0] =	vst v3;
	v3 =	vld [tilespmem:s26+$0x8C0]  }
0x7c: {  	v8 =	vld [tilespmem:s26+$0x8D0];
	[tilespmem:s26+$0x880] =	vst v4  }
0x7d: {  	[tilespmem:s26+$0x890] =	vst v7;
	v7 =	vld [tilespmem:s26+$0x8E0];
	v4 =	vmul.f32 $8.000000000e+00, v5  }
0x7e: {  	v5 =	vld [tilespmem:s26+$0xC80];
	v6 =	vmul.f32 $8.000000000e+00, v6  }
0x7f: {  	[tilespmem:s26+$0x8A0] =	vst v4;
	v4 =	vld [tilespmem:s26+$0xC90]  }
0x80: {  	v3 =	vmul.f32 $8.000000000e+00, v3;
	[tilespmem:s26+$0x8B0] =	vst v6;
	v6 =	vld [tilespmem:s26+$0xCA0]  }
0x81: {  	v8 =	vmul.f32 $8.000000000e+00, v8  }
0x82: {  	v7 =	vmul.f32 $8.000000000e+00, v7;
	[tilespmem:s26+$0x8C0] =	vst v3;
	v3 =	vld [tilespmem:s26+$0xCB0]  }
0x83: {  	[tilespmem:s26+$0x8D0] =	vst v8;
	v8 =	vld [tilespmem:s26+$0xCC0];
	v5 =	vmul.f32 $8.000000000e+00, v5  }
0x84: {  	v9 =	vmul.f32 $8.000000000e+00, v9;
	[tilespmem:s26+$0x8E0] =	vst v7;
	v7 =	vld [tilespmem:s26+$0xCD0]  }
0x85: {  	v4 =	vmul.f32 $8.000000000e+00, v4;
	[tilespmem:s26+$0xC80] =	vst v5;
	v5 =	vmul.f32 $8.000000000e+00, v6;
	v6 =	vld [tilespmem:s26+$0xCE0]  }
0x86: {  	[tilespmem:s26+$0x8F0] =	vst v9;
	v9 =	vld [tilespmem:s26+$0xCF0]  }
0x87: {  	[tilespmem:s26+$0xC90] =	vst v4;
	v4 =	vld [tilespmem:s26+$0x1080];
	v3 =	vmul.f32 $8.000000000e+00, v3  }
0x88: {  	v8 =	vmul.f32 $8.000000000e+00, v8;
	[tilespmem:s26+$0xCA0] =	vst v5;
	v5 =	vld [tilespmem:s26+$0x1090]  }
0x89: {  	v7 =	vmul.f32 $8.000000000e+00, v7;
	[tilespmem:s26+$0xCB0] =	vst v3;
	v3 =	vld [tilespmem:s26+$0x10A0]  }
0x8a: {  	[tilespmem:s26+$0xCC0] =	vst v8;
	v8 =	vld [tilespmem:s26+$0x10B0];
	v6 =	vmul.f32 $8.000000000e+00, v6  }
0x8b: {  	v10 =	vld [tilespmem:s26+$0x10C0];
	[tilespmem:s26+$0xCD0] =	vst v7;
	v7 =	vmul.f32 $8.000000000e+00, v9  }
0x8c: {  	v11 =	vld [tilespmem:s26+$0x10D0];
	v4 =	vmul.f32 $8.000000000e+00, v4;
	[tilespmem:s26+$0xCE0] =	vst v6  }
0x8d: {  	[tilespmem:s26+$0xCF0] =	vst v7;
	v5 =	vmul.f32 $8.000000000e+00, v5;
	v6 =	vld [tilespmem:s26+$0x10E0]  }
0x8e: {  	v7 =	vld [tilespmem:s26+$0x10F0];
	[tilespmem:s26+$0x1080] =	vst v4;
	v3 =	vmul.f32 $8.000000000e+00, v3  }
0x8f: {  	v4 =	vld [tilespmem:s26+$0x1480];
	[tilespmem:s26+$0x1090] =	vst v5;
	v5 =	vmul.f32 $8.000000000e+00, v8  }
0x90: {  	v9 =	vmul.f32 $8.000000000e+00, v10;
	[tilespmem:s26+$0x10A0] =	vst v3;
	v3 =	vld [tilespmem:s26+$0x1490]  }
0x91: {  	s29 =	simm.s32 $0x0;
	s28 =	simm.s32 $0x1;
	v8 =	vmul.f32 $8.000000000e+00, v11;
	[tilespmem:s26+$0x10B0] =	vst v5;
	v5 =	vld [tilespmem:s26+$0x14A0]  }
.LBB2_2:
0x92: {  	s30 =	sshrl.u32 s28, $0x3;
	p0 =	sne.s32 s28, $0xF;
	[tilespmem:s26+$0x10C0] =	vst v9;
	v6 =	vmul.f32 $8.000000000e+00, v6;
	v9 =	vld [tilespmem:s26+$0x14B0]  }
0x93: {  	s30 =	smul.u32 $0x6000, s30;
	[tilespmem:s26+$0x10D0] =	vst v8;
	v7 =	vmul.f32 $8.000000000e+00, v7;
	v8 =	vld [tilespmem:s26+$0x14C0]  }
0x94: {  	s29 =	sadd.s32 $0x80, s29;
	[tilespmem:s26+$0x10E0] =	vst v6;
	v4 =	vmul.f32 $8.000000000e+00, v4;
	v6 =	vld [tilespmem:s26+$0x14D0]  }
0x95: {  	s31 =	sand.u32 $0x380, s29;
	s30 =	sshra.s32 s30, $0x2;
	[tilespmem:s26+$0x10F0] =	vst v7;
	v3 =	vmul.f32 $8.000000000e+00, v3;
	v7 =	vld [tilespmem:s26+$0x14E0]  }
0x96: {  	s30 =	sor.u32 s31, s30;
	[tilespmem:s26+$0x1480] =	vst v4;
	v4 =	vmul.f32 $8.000000000e+00, v5;
	v5 =	vld [tilespmem:s26+$0x14F0]  }
0x97: {  	v10 =	vld [tilespmem:s30+$0x80];
	[tilespmem:s26+$0x1490] =	vst v3;
	v3 =	vmul.f32 $8.000000000e+00, v9  }
0x98: {  	v9 =	vld [tilespmem:s30+$0x90];
	[tilespmem:s26+$0x14A0] =	vst v4;
	v4 =	vmul.f32 $8.000000000e+00, v8  }
0x99: {  	v8 =	vld [tilespmem:s30+$0xA0];
	[tilespmem:s26+$0x14B0] =	vst v3;
	v3 =	vmul.f32 $8.000000000e+00, v6  }
0x9a: {  	v6 =	vld [tilespmem:s30+$0xB0];
	[tilespmem:s26+$0x14C0] =	vst v4;
	v4 =	vmul.f32 $8.000000000e+00, v7  }
0x9b: {  	v7 =	vld [tilespmem:s30+$0xC0];
	[tilespmem:s26+$0x14D0] =	vst v3;
	v3 =	vmul.f32 $8.000000000e+00, v5  }
0x9c: {  	v5 =	vmul.f32 $8.000000000e+00, v10;
	v10 =	vld [tilespmem:s30+$0xD0];
	[tilespmem:s26+$0x14E0] =	vst v4  }
0x9d: {  	v4 =	vmul.f32 $8.000000000e+00, v9;
	v9 =	vld [tilespmem:s30+$0xE0];
	[tilespmem:s26+$0x14F0] =	vst v3;
	s26 =	smov.u32 s30  }
0x9e: {  	[tilespmem:s26+$0x80] =	vst v5;
	v3 =	vmul.f32 $8.000000000e+00, v8;
	v5 =	vld [tilespmem:s26+$0xF0]  }
0x9f: {  	[tilespmem:s26+$0x90] =	vst v4;
	v4 =	vmul.f32 $8.000000000e+00, v6;
	v6 =	vld [tilespmem:s26+$0x480]  }
0xa0: {  	[tilespmem:s26+$0xA0] =	vst v3;
	v3 =	vmul.f32 $8.000000000e+00, v7;
	v7 =	vld [tilespmem:s26+$0x490]  }
0xa1: {  	[tilespmem:s26+$0xB0] =	vst v4;
	v4 =	vmul.f32 $8.000000000e+00, v10;
	v8 =	vld [tilespmem:s26+$0x4A0]  }
0xa2: {  	[tilespmem:s26+$0xC0] =	vst v3;
	v3 =	vmul.f32 $8.000000000e+00, v9;
	v9 =	vld [tilespmem:s26+$0x4B0]  }
0xa3: {  	[tilespmem:s26+$0xD0] =	vst v4;
	v4 =	vmul.f32 $8.000000000e+00, v5;
	v5 =	vld [tilespmem:s26+$0x4C0]  }
0xa4: {  	[tilespmem:s26+$0xE0] =	vst v3;
	v3 =	vmul.f32 $8.000000000e+00, v6;
	v6 =	vld [tilespmem:s26+$0x4D0]  }
0xa5: {  	[tilespmem:s26+$0xF0] =	vst v4;
	v4 =	vmul.f32 $8.000000000e+00, v7;
	v7 =	vld [tilespmem:s26+$0x4E0]  }
0xa6: {  	[tilespmem:s26+$0x480] =	vst v3;
	v3 =	vmul.f32 $8.000000000e+00, v8;
	v8 =	vld [tilespmem:s26+$0x4F0]  }
0xa7: {  	[tilespmem:s26+$0x490] =	vst v4;
	v4 =	vmul.f32 $8.000000000e+00, v9;
	v9 =	vld [tilespmem:s26+$0x880]  }
0xa8: {  	[tilespmem:s26+$0x4A0] =	vst v3;
	v3 =	vmul.f32 $8.000000000e+00, v5;
	v5 =	vld [tilespmem:s26+$0x890]  }
0xa9: {  	[tilespmem:s26+$0x4B0] =	vst v4;
	v4 =	vmul.f32 $8.000000000e+00, v6;
	v6 =	vld [tilespmem:s26+$0x8A0]  }
0xaa: {  	[tilespmem:s26+$0x4C0] =	vst v3;
	v3 =	vmul.f32 $8.000000000e+00, v7;
	v7 =	vld [tilespmem:s26+$0x8B0]  }
0xab: {  	[tilespmem:s26+$0x4D0] =	vst v4;
	v4 =	vmul.f32 $8.000000000e+00, v8;
	v8 =	vld [tilespmem:s26+$0x8C0]  }
0xac: {  	[tilespmem:s26+$0x4E0] =	vst v3;
	v3 =	vmul.f32 $8.000000000e+00, v9;
	v9 =	vld [tilespmem:s26+$0x8D0]  }
0xad: {  	[tilespmem:s26+$0x4F0] =	vst v4;
	v4 =	vmul.f32 $8.000000000e+00, v5;
	v5 =	vld [tilespmem:s26+$0x8E0]  }
0xae: {  	[tilespmem:s26+$0x880] =	vst v3;
	v3 =	vmul.f32 $8.000000000e+00, v6;
	v6 =	vld [tilespmem:s26+$0x8F0]  }
0xaf: {  	[tilespmem:s26+$0x890] =	vst v4;
	v4 =	vmul.f32 $8.000000000e+00, v7;
	v7 =	vld [tilespmem:s26+$0xC80]  }
0xb0: {  	[tilespmem:s26+$0x8A0] =	vst v3;
	v3 =	vmul.f32 $8.000000000e+00, v8;
	v8 =	vld [tilespmem:s26+$0xC90]  }
0xb1: {  	[tilespmem:s26+$0x8B0] =	vst v4;
	v4 =	vmul.f32 $8.000000000e+00, v9;
	v9 =	vld [tilespmem:s26+$0xCA0]  }
0xb2: {  	[tilespmem:s26+$0x8C0] =	vst v3;
	v3 =	vmul.f32 $8.000000000e+00, v5;
	v5 =	vld [tilespmem:s26+$0xCB0]  }
0xb3: {  	[tilespmem:s26+$0x8D0] =	vst v4;
	v4 =	vmul.f32 $8.000000000e+00, v6;
	v6 =	vld [tilespmem:s26+$0xCC0]  }
0xb4: {  	[tilespmem:s26+$0x8E0] =	vst v3;
	v3 =	vmul.f32 $8.000000000e+00, v7;
	v7 =	vld [tilespmem:s26+$0xCD0]  }
0xb5: {  	[tilespmem:s26+$0x8F0] =	vst v4;
	v4 =	vmul.f32 $8.000000000e+00, v8;
	v8 =	vld [tilespmem:s26+$0xCE0]  }
0xb6: {  	[tilespmem:s26+$0xC80] =	vst v3;
	v3 =	vmul.f32 $8.000000000e+00, v9;
	v9 =	vld [tilespmem:s26+$0xCF0]  }
0xb7: {  	[tilespmem:s26+$0xC90] =	vst v4;
	v4 =	vmul.f32 $8.000000000e+00, v5;
	v5 =	vld [tilespmem:s26+$0x1080]  }
0xb8: {  	[tilespmem:s26+$0xCA0] =	vst v3;
	v3 =	vmul.f32 $8.000000000e+00, v6;
	v6 =	vld [tilespmem:s26+$0x1090]  }
0xb9: {  	[tilespmem:s26+$0xCB0] =	vst v4;
	v4 =	vmul.f32 $8.000000000e+00, v7;
	v7 =	vld [tilespmem:s26+$0x10A0]  }
0xba: {  	[tilespmem:s26+$0xCC0] =	vst v3;
	v3 =	vmul.f32 $8.000000000e+00, v8;
	v8 =	vld [tilespmem:s26+$0x10B0]  }
0xbb: {  	[tilespmem:s26+$0xCD0] =	vst v4;
	v4 =	vmul.f32 $8.000000000e+00, v9;
	v9 =	vld [tilespmem:s26+$0x10C0]  }
0xbc: {  	[tilespmem:s26+$0xCE0] =	vst v3;
	v3 =	vmul.f32 $8.000000000e+00, v5;
	v5 =	vld [tilespmem:s26+$0x10D0]  }
.Ltmp0:
0xbd: {  	[tilespmem:s26+$0xCF0] =	vst v4;
	v4 =	vmul.f32 $8.000000000e+00, v6;
	v6 =	vld [tilespmem:s26+$0x10E0];
	(pc) =	sbr.rel @p0 .LBB2_2-.Ltmp0, $4  }
0xbe: {  	[tilespmem:s26+$0x1080] =	vst v3;
	v3 =	vmul.f32 $8.000000000e+00, v7;
	v7 =	vld [tilespmem:s26+$0x10F0]  }
0xbf: {  	[tilespmem:s26+$0x1090] =	vst v4;
	v8 =	vmul.f32 $8.000000000e+00, v8;
	v4 =	vld [tilespmem:s26+$0x1480]  }
0xc0: {  	[tilespmem:s26+$0x10A0] =	vst v3;
	v9 =	vmul.f32 $8.000000000e+00, v9;
	v3 =	vld [tilespmem:s26+$0x1490]  }
0xc1: {  	s28 =	sadd.s32 $0x1, s28;
	[tilespmem:s26+$0x10B0] =	vst v8;
	v8 =	vmul.f32 $8.000000000e+00, v5;
	v5 =	vld [tilespmem:s26+$0x14A0]  }
0xc2: {  	[tilespmem:s26+$0x10C0] =	vst v9;
	v9 =	vld [tilespmem:s26+$0x14B0];
	v6 =	vmul.f32 $8.000000000e+00, v6  }
0xc3: {  	[tilespmem:s26+$0x10D0] =	vst v8;
	v8 =	vld [tilespmem:s26+$0x14C0];
	v7 =	vmul.f32 $8.000000000e+00, v7  }
0xc4: {  	[tilespmem:s26+$0x10E0] =	vst v6;
	v6 =	vld [tilespmem:s26+$0x14D0];
	v4 =	vmul.f32 $8.000000000e+00, v4  }
0xc5: {  	[tilespmem:s26+$0x10F0] =	vst v7;
	v3 =	vmul.f32 $8.000000000e+00, v3;
	v7 =	vld [tilespmem:s26+$0x14E0]  }
0xc6: {  	[tilespmem:s26+$0x1480] =	vst v4;
	v4 =	vmul.f32 $8.000000000e+00, v5;
	v5 =	vld [tilespmem:s26+$0x14F0]  }
0xc7: {  	[tilespmem:s26+$0x1490] =	vst v3;
	v3 =	vmul.f32 $8.000000000e+00, v9  }
0xc8: {  	[tilespmem:s26+$0x14A0] =	vst v4;
	v4 =	vmul.f32 $8.000000000e+00, v8  }
0xc9: {  	[tilespmem:s26+$0x14B0] =	vst v3;
	v3 =	vmul.f32 $8.000000000e+00, v6  }
0xca: {  	[tilespmem:s26+$0x14C0] =	vst v4;
	v4 =	vmul.f32 $8.000000000e+00, v7  }
0xcb: {  	[tilespmem:s26+$0x14D0] =	vst v3;
	v3 =	vmul.f32 $8.000000000e+00, v5  }
0xcc: {  	s31 =	simm.s32 $0x2;
	[tilespmem:s26+$0x14E0] =	vst v4  }
0xcd: {  	[tilespmem:s26+$0x14F0] =	vst v3;
	s26 =	smul.u32 $0x6000, s31  }
0xce: {  	[hbm4b:s6+s3] =	stream.linear.scatter [tilespmem:s13], [sflag:$0x5], $0x3000, $0x38;
	[tilespmem:$0xC080] =	vst v63  }
0xcf: {  	s28 =	simm.s32 $0x800;
	_ =	swait.ge [sflag:s20], $0x3000  }
0xd0: {  	s29 =	sand.u32 $0x380, s28;
	s26 =	sshra.s32 s26, $0x2;
	[sflag:s20] =	ssyncset.done $0x0  }
0xd1: {  	s26 =	sor.u32 s29, s26;
	[sflag:s20] =	ssyncadd.s32 $0xFFFFD000  }
0xd2: {  	v3 =	vld [tilespmem:s26+$0x80]  }
0xd3: {  	v4 =	vld [tilespmem:s26+$0x90]  }
0xd4: {  	v5 =	vld [tilespmem:s26+$0xA0]  }
0xd5: {  	v6 =	vld [tilespmem:s26+$0xB0]  }
0xd6: {  	v7 =	vld [tilespmem:s26+$0xC0]  }
0xd7: {  	v8 =	vld [tilespmem:s26+$0xD0];
	v3 =	vmul.f32 $8.000000000e+00, v3  }
0xd8: {  	v9 =	vld [tilespmem:s26+$0xE0];
	v4 =	vmul.f32 $8.000000000e+00, v4  }
0xd9: {  	[tilespmem:s26+$0x80] =	vst v3;
	v3 =	vmul.f32 $8.000000000e+00, v5;
	v5 =	vld [tilespmem:s26+$0xF0]  }
0xda: {  	[tilespmem:s26+$0x90] =	vst v4;
	v4 =	vmul.f32 $8.000000000e+00, v6;
	v6 =	vld [tilespmem:s26+$0x480]  }
0xdb: {  	[tilespmem:s26+$0xA0] =	vst v3;
	v3 =	vmul.f32 $8.000000000e+00, v7;
	v7 =	vld [tilespmem:s26+$0x490]  }
0xdc: {  	[tilespmem:s26+$0xB0] =	vst v4;
	v4 =	vmul.f32 $8.000000000e+00, v8;
	v8 =	vld [tilespmem:s26+$0x4A0];
	_ =	sdelay $0x1  }
0xdd: {  	[tilespmem:s26+$0xC0] =	vst v3;
	v3 =	vmul.f32 $8.000000000e+00, v9;
	v9 =	vld [tilespmem:s26+$0x4F0]  }
0xde: {  	[tilespmem:s26+$0xD0] =	vst v4;
	v4 =	vmul.f32 $8.000000000e+00, v5;
	v5 =	vld [tilespmem:s26+$0x4B0]  }
0xdf: {  	[tilespmem:s26+$0xE0] =	vst v3;
	v3 =	vmul.f32 $8.000000000e+00, v6;
	v6 =	vld [tilespmem:s26+$0x4C0]  }
0xe0: {  	[tilespmem:s26+$0xF0] =	vst v4;
	v4 =	vmul.f32 $8.000000000e+00, v7;
	v7 =	vmul.f32 $8.000000000e+00, v8;
	v8 =	vld [tilespmem:s26+$0x4E0]  }
0xe1: {  	[tilespmem:s26+$0x480] =	vst v3;
	v3 =	vld [tilespmem:s26+$0x4D0]  }
0xe2: {  	[tilespmem:s26+$0x490] =	vst v4;
	v4 =	vld [tilespmem:s26+$0x880];
	v9 =	vmul.f32 $8.000000000e+00, v9  }
0xe3: {  	[tilespmem:s26+$0x4A0] =	vst v7;
	v7 =	vld [tilespmem:s26+$0x890];
	v5 =	vmul.f32 $8.000000000e+00, v5  }
0xe4: {  	v6 =	vmul.f32 $8.000000000e+00, v6;
	[tilespmem:s26+$0x4F0] =	vst v9  }
0xe5: {  	[tilespmem:s26+$0x4B0] =	vst v5;
	v5 =	vld [tilespmem:s26+$0x8A0];
	v8 =	vmul.f32 $8.000000000e+00, v8  }
0xe6: {  	v3 =	vmul.f32 $8.000000000e+00, v3;
	[tilespmem:s26+$0x4C0] =	vst v6;
	v6 =	vld [tilespmem:s26+$0x8B0]  }
0xe7: {  	v9 =	vld [tilespmem:s26+$0x8F0];
	[tilespmem:s26+$0x4E0] =	vst v8;
	v4 =	vmul.f32 $8.000000000e+00, v4  }
0xe8: {  	v7 =	vmul.f32 $8.000000000e+00, v7;
	[tilespmem:s26+$0x4D0] =	vst v3;
	v3 =	vld [tilespmem:s26+$0x8C0]  }
0xe9: {  	v8 =	vld [tilespmem:s26+$0x8D0];
	[tilespmem:s26+$0x880] =	vst v4  }
0xea: {  	[tilespmem:s26+$0x890] =	vst v7;
	v7 =	vld [tilespmem:s26+$0x8E0];
	v4 =	vmul.f32 $8.000000000e+00, v5  }
0xeb: {  	v5 =	vld [tilespmem:s26+$0xC80];
	v6 =	vmul.f32 $8.000000000e+00, v6  }
0xec: {  	[tilespmem:s26+$0x8A0] =	vst v4;
	v4 =	vld [tilespmem:s26+$0xC90]  }
0xed: {  	v3 =	vmul.f32 $8.000000000e+00, v3;
	[tilespmem:s26+$0x8B0] =	vst v6;
	v6 =	vld [tilespmem:s26+$0xCA0]  }
0xee: {  	v8 =	vmul.f32 $8.000000000e+00, v8  }
0xef: {  	v7 =	vmul.f32 $8.000000000e+00, v7;
	[tilespmem:s26+$0x8C0] =	vst v3;
	v3 =	vld [tilespmem:s26+$0xCB0]  }
0xf0: {  	[tilespmem:s26+$0x8D0] =	vst v8;
	v8 =	vld [tilespmem:s26+$0xCC0];
	v5 =	vmul.f32 $8.000000000e+00, v5  }
0xf1: {  	v9 =	vmul.f32 $8.000000000e+00, v9;
	[tilespmem:s26+$0x8E0] =	vst v7;
	v7 =	vld [tilespmem:s26+$0xCD0]  }
0xf2: {  	v4 =	vmul.f32 $8.000000000e+00, v4;
	[tilespmem:s26+$0xC80] =	vst v5;
	v5 =	vmul.f32 $8.000000000e+00, v6;
	v6 =	vld [tilespmem:s26+$0xCE0]  }
0xf3: {  	[tilespmem:s26+$0x8F0] =	vst v9;
	v9 =	vld [tilespmem:s26+$0xCF0]  }
0xf4: {  	[tilespmem:s26+$0xC90] =	vst v4;
	v4 =	vld [tilespmem:s26+$0x1080];
	v3 =	vmul.f32 $8.000000000e+00, v3  }
0xf5: {  	v8 =	vmul.f32 $8.000000000e+00, v8;
	[tilespmem:s26+$0xCA0] =	vst v5;
	v5 =	vld [tilespmem:s26+$0x1090]  }
0xf6: {  	v7 =	vmul.f32 $8.000000000e+00, v7;
	[tilespmem:s26+$0xCB0] =	vst v3;
	v3 =	vld [tilespmem:s26+$0x10A0]  }
0xf7: {  	[tilespmem:s26+$0xCC0] =	vst v8;
	v8 =	vld [tilespmem:s26+$0x10B0];
	v6 =	vmul.f32 $8.000000000e+00, v6  }
0xf8: {  	v10 =	vld [tilespmem:s26+$0x10C0];
	[tilespmem:s26+$0xCD0] =	vst v7;
	v7 =	vmul.f32 $8.000000000e+00, v9  }
0xf9: {  	v11 =	vld [tilespmem:s26+$0x10D0];
	v4 =	vmul.f32 $8.000000000e+00, v4;
	[tilespmem:s26+$0xCE0] =	vst v6  }
0xfa: {  	[tilespmem:s26+$0xCF0] =	vst v7;
	v5 =	vmul.f32 $8.000000000e+00, v5;
	v6 =	vld [tilespmem:s26+$0x10E0]  }
0xfb: {  	v7 =	vld [tilespmem:s26+$0x10F0];
	[tilespmem:s26+$0x1080] =	vst v4;
	v3 =	vmul.f32 $8.000000000e+00, v3  }
0xfc: {  	v4 =	vld [tilespmem:s26+$0x1480];
	[tilespmem:s26+$0x1090] =	vst v5;
	v5 =	vmul.f32 $8.000000000e+00, v8  }
0xfd: {  	v9 =	vmul.f32 $8.000000000e+00, v10;
	[tilespmem:s26+$0x10A0] =	vst v3;
	v3 =	vld [tilespmem:s26+$0x1490]  }
0xfe: {  	s29 =	simm.s32 $0x11;
	v8 =	vmul.f32 $8.000000000e+00, v11;
	[tilespmem:s26+$0x10B0] =	vst v5;
	v5 =	vld [tilespmem:s26+$0x14A0]  }
.LBB2_4:
0xff: {  	s30 =	sshrl.u32 s29, $0x3;
	p0 =	sne.s32 s29, $0x1F;
	[tilespmem:s26+$0x10C0] =	vst v9;
	v6 =	vmul.f32 $8.000000000e+00, v6;
	v9 =	vld [tilespmem:s26+$0x14B0]  }
0x100: {  	s30 =	smul.u32 $0x6000, s30;
	[tilespmem:s26+$0x10D0] =	vst v8;
	v7 =	vmul.f32 $8.000000000e+00, v7;
	v8 =	vld [tilespmem:s26+$0x14C0]  }
0x101: {  	s28 =	sadd.s32 $0x80, s28;
	[tilespmem:s26+$0x10E0] =	vst v6;
	v4 =	vmul.f32 $8.000000000e+00, v4;
	v6 =	vld [tilespmem:s26+$0x14D0]  }
0x102: {  	s31 =	sand.u32 $0x380, s28;
	s30 =	sshra.s32 s30, $0x2;
	[tilespmem:s26+$0x10F0] =	vst v7;
	v3 =	vmul.f32 $8.000000000e+00, v3;
	v7 =	vld [tilespmem:s26+$0x14E0]  }
0x103: {  	s30 =	sor.u32 s31, s30;
	[tilespmem:s26+$0x1480] =	vst v4;
	v4 =	vmul.f32 $8.000000000e+00, v5;
	v5 =	vld [tilespmem:s26+$0x14F0]  }
0x104: {  	v10 =	vld [tilespmem:s30+$0x80];
	[tilespmem:s26+$0x1490] =	vst v3;
	v3 =	vmul.f32 $8.000000000e+00, v9  }
0x105: {  	v9 =	vld [tilespmem:s30+$0x90];
	[tilespmem:s26+$0x14A0] =	vst v4;
	v4 =	vmul.f32 $8.000000000e+00, v8  }
0x106: {  	v8 =	vld [tilespmem:s30+$0xA0];
	[tilespmem:s26+$0x14B0] =	vst v3;
	v3 =	vmul.f32 $8.000000000e+00, v6  }
0x107: {  	v6 =	vld [tilespmem:s30+$0xB0];
	[tilespmem:s26+$0x14C0] =	vst v4;
	v4 =	vmul.f32 $8.000000000e+00, v7  }
0x108: {  	v7 =	vld [tilespmem:s30+$0xC0];
	[tilespmem:s26+$0x14D0] =	vst v3;
	v3 =	vmul.f32 $8.000000000e+00, v5  }
0x109: {  	v5 =	vmul.f32 $8.000000000e+00, v10;
	v10 =	vld [tilespmem:s30+$0xD0];
	[tilespmem:s26+$0x14E0] =	vst v4  }
0x10a: {  	v4 =	vmul.f32 $8.000000000e+00, v9;
	v9 =	vld [tilespmem:s30+$0xE0];
	[tilespmem:s26+$0x14F0] =	vst v3;
	s26 =	smov.u32 s30  }
0x10b: {  	[tilespmem:s26+$0x80] =	vst v5;
	v3 =	vmul.f32 $8.000000000e+00, v8;
	v5 =	vld [tilespmem:s26+$0xF0]  }
0x10c: {  	[tilespmem:s26+$0x90] =	vst v4;
	v4 =	vmul.f32 $8.000000000e+00, v6;
	v6 =	vld [tilespmem:s26+$0x480]  }
0x10d: {  	[tilespmem:s26+$0xA0] =	vst v3;
	v3 =	vmul.f32 $8.000000000e+00, v7;
	v7 =	vld [tilespmem:s26+$0x490]  }
0x10e: {  	[tilespmem:s26+$0xB0] =	vst v4;
	v4 =	vmul.f32 $8.000000000e+00, v10;
	v8 =	vld [tilespmem:s26+$0x4A0]  }
0x10f: {  	[tilespmem:s26+$0xC0] =	vst v3;
	v3 =	vmul.f32 $8.000000000e+00, v9;
	v9 =	vld [tilespmem:s26+$0x4B0]  }
0x110: {  	[tilespmem:s26+$0xD0] =	vst v4;
	v4 =	vmul.f32 $8.000000000e+00, v5;
	v5 =	vld [tilespmem:s26+$0x4C0]  }
0x111: {  	[tilespmem:s26+$0xE0] =	vst v3;
	v3 =	vmul.f32 $8.000000000e+00, v6;
	v6 =	vld [tilespmem:s26+$0x4D0]  }
0x112: {  	[tilespmem:s26+$0xF0] =	vst v4;
	v4 =	vmul.f32 $8.000000000e+00, v7;
	v7 =	vld [tilespmem:s26+$0x4E0]  }
0x113: {  	[tilespmem:s26+$0x480] =	vst v3;
	v3 =	vmul.f32 $8.000000000e+00, v8;
	v8 =	vld [tilespmem:s26+$0x4F0]  }
0x114: {  	[tilespmem:s26+$0x490] =	vst v4;
	v4 =	vmul.f32 $8.000000000e+00, v9;
	v9 =	vld [tilespmem:s26+$0x880]  }
0x115: {  	[tilespmem:s26+$0x4A0] =	vst v3;
	v3 =	vmul.f32 $8.000000000e+00, v5;
	v5 =	vld [tilespmem:s26+$0x890]  }
0x116: {  	[tilespmem:s26+$0x4B0] =	vst v4;
	v4 =	vmul.f32 $8.000000000e+00, v6;
	v6 =	vld [tilespmem:s26+$0x8A0]  }
0x117: {  	[tilespmem:s26+$0x4C0] =	vst v3;
	v3 =	vmul.f32 $8.000000000e+00, v7;
	v7 =	vld [tilespmem:s26+$0x8B0]  }
0x118: {  	[tilespmem:s26+$0x4D0] =	vst v4;
	v4 =	vmul.f32 $8.000000000e+00, v8;
	v8 =	vld [tilespmem:s26+$0x8C0]  }
0x119: {  	[tilespmem:s26+$0x4E0] =	vst v3;
	v3 =	vmul.f32 $8.000000000e+00, v9;
	v9 =	vld [tilespmem:s26+$0x8D0]  }
0x11a: {  	[tilespmem:s26+$0x4F0] =	vst v4;
	v4 =	vmul.f32 $8.000000000e+00, v5;
	v5 =	vld [tilespmem:s26+$0x8E0]  }
0x11b: {  	[tilespmem:s26+$0x880] =	vst v3;
	v3 =	vmul.f32 $8.000000000e+00, v6;
	v6 =	vld [tilespmem:s26+$0x8F0]  }
0x11c: {  	[tilespmem:s26+$0x890] =	vst v4;
	v4 =	vmul.f32 $8.000000000e+00, v7;
	v7 =	vld [tilespmem:s26+$0xC80]  }
0x11d: {  	[tilespmem:s26+$0x8A0] =	vst v3;
	v3 =	vmul.f32 $8.000000000e+00, v8;
	v8 =	vld [tilespmem:s26+$0xC90]  }
0x11e: {  	[tilespmem:s26+$0x8B0] =	vst v4;
	v4 =	vmul.f32 $8.000000000e+00, v9;
	v9 =	vld [tilespmem:s26+$0xCA0]  }
0x11f: {  	[tilespmem:s26+$0x8C0] =	vst v3;
	v3 =	vmul.f32 $8.000000000e+00, v5;
	v5 =	vld [tilespmem:s26+$0xCB0]  }
0x120: {  	[tilespmem:s26+$0x8D0] =	vst v4;
	v4 =	vmul.f32 $8.000000000e+00, v6;
	v6 =	vld [tilespmem:s26+$0xCC0]  }
0x121: {  	[tilespmem:s26+$0x8E0] =	vst v3;
	v3 =	vmul.f32 $8.000000000e+00, v7;
	v7 =	vld [tilespmem:s26+$0xCD0]  }
0x122: {  	[tilespmem:s26+$0x8F0] =	vst v4;
	v4 =	vmul.f32 $8.000000000e+00, v8;
	v8 =	vld [tilespmem:s26+$0xCE0]  }
0x123: {  	[tilespmem:s26+$0xC80] =	vst v3;
	v3 =	vmul.f32 $8.000000000e+00, v9;
	v9 =	vld [tilespmem:s26+$0xCF0]  }
0x124: {  	[tilespmem:s26+$0xC90] =	vst v4;
	v4 =	vmul.f32 $8.000000000e+00, v5;
	v5 =	vld [tilespmem:s26+$0x1080]  }
0x125: {  	[tilespmem:s26+$0xCA0] =	vst v3;
	v3 =	vmul.f32 $8.000000000e+00, v6;
	v6 =	vld [tilespmem:s26+$0x1090]  }
0x126: {  	[tilespmem:s26+$0xCB0] =	vst v4;
	v4 =	vmul.f32 $8.000000000e+00, v7;
	v7 =	vld [tilespmem:s26+$0x10A0]  }
0x127: {  	[tilespmem:s26+$0xCC0] =	vst v3;
	v3 =	vmul.f32 $8.000000000e+00, v8;
	v8 =	vld [tilespmem:s26+$0x10B0]  }
0x128: {  	[tilespmem:s26+$0xCD0] =	vst v4;
	v4 =	vmul.f32 $8.000000000e+00, v9;
	v9 =	vld [tilespmem:s26+$0x10C0]  }
0x129: {  	[tilespmem:s26+$0xCE0] =	vst v3;
	v3 =	vmul.f32 $8.000000000e+00, v5;
	v5 =	vld [tilespmem:s26+$0x10D0]  }
.Ltmp1:
0x12a: {  	[tilespmem:s26+$0xCF0] =	vst v4;
	v4 =	vmul.f32 $8.000000000e+00, v6;
	v6 =	vld [tilespmem:s26+$0x10E0];
	(pc) =	sbr.rel @p0 .LBB2_4-.Ltmp1, $4  }
0x12b: {  	[tilespmem:s26+$0x1080] =	vst v3;
	v3 =	vmul.f32 $8.000000000e+00, v7;
	v7 =	vld [tilespmem:s26+$0x10F0]  }
0x12c: {  	[tilespmem:s26+$0x1090] =	vst v4;
	v8 =	vmul.f32 $8.000000000e+00, v8;
	v4 =	vld [tilespmem:s26+$0x1480]  }
0x12d: {  	[tilespmem:s26+$0x10A0] =	vst v3;
	v9 =	vmul.f32 $8.000000000e+00, v9;
	v3 =	vld [tilespmem:s26+$0x1490]  }
0x12e: {  	s29 =	sadd.s32 $0x1, s29;
	[tilespmem:s26+$0x10B0] =	vst v8;
	v8 =	vmul.f32 $8.000000000e+00, v5;
	v5 =	vld [tilespmem:s26+$0x14A0]  }
0x12f: {  	[tilespmem:s26+$0x10C0] =	vst v9;
	v9 =	vld [tilespmem:s26+$0x14B0];
	v6 =	vmul.f32 $8.000000000e+00, v6  }
0x130: {  	[tilespmem:s26+$0x10D0] =	vst v8;
	v8 =	vld [tilespmem:s26+$0x14C0];
	v7 =	vmul.f32 $8.000000000e+00, v7  }
0x131: {  	[tilespmem:s26+$0x10E0] =	vst v6;
	v6 =	vld [tilespmem:s26+$0x14D0];
	v4 =	vmul.f32 $8.000000000e+00, v4  }
0x132: {  	[tilespmem:s26+$0x10F0] =	vst v7;
	v3 =	vmul.f32 $8.000000000e+00, v3;
	v7 =	vld [tilespmem:s26+$0x14E0]  }
0x133: {  	[tilespmem:s26+$0x1480] =	vst v4;
	v4 =	vmul.f32 $8.000000000e+00, v5;
	v5 =	vld [tilespmem:s26+$0x14F0]  }
0x134: {  	[tilespmem:s26+$0x1490] =	vst v3;
	v3 =	vmul.f32 $8.000000000e+00, v9  }
0x135: {  	[tilespmem:s26+$0x14A0] =	vst v4;
	v4 =	vmul.f32 $8.000000000e+00, v8  }
0x136: {  	[tilespmem:s26+$0x14B0] =	vst v3;
	v3 =	vmul.f32 $8.000000000e+00, v6  }
0x137: {  	[tilespmem:s26+$0x14C0] =	vst v4;
	v4 =	vmul.f32 $8.000000000e+00, v7  }
0x138: {  	[tilespmem:s26+$0x14D0] =	vst v3;
	v3 =	vmul.f32 $8.000000000e+00, v5  }
0x139: {  	s31 =	simm.s32 $0x4;
	[tilespmem:s26+$0x14E0] =	vst v4  }
0x13a: {  	[tilespmem:s26+$0x14F0] =	vst v3;
	s26 =	smul.u32 $0x6000, s31  }
0x13b: {  	[hbm4b:s8+s3] =	stream.linear.scatter [tilespmem:s19], [sflag:$0x5], $0x3000, $0x38;
	[tilespmem:$0xC080] =	vst v63  }
0x13c: {  	s28 =	simm.s32 $0x1000;
	_ =	swait.ge [sflag:s21], $0x3000  }
0x13d: {  	s29 =	sand.u32 $0x380, s28;
	s26 =	sshra.s32 s26, $0x2;
	[sflag:s21] =	ssyncset.done $0x0  }
0x13e: {  	s26 =	sor.u32 s29, s26;
	[sflag:s21] =	ssyncadd.s32 $0xFFFFD000  }
0x13f: {  	v3 =	vld [tilespmem:s26+$0x80]  }
0x140: {  	v4 =	vld [tilespmem:s26+$0x90]  }
0x141: {  	v5 =	vld [tilespmem:s26+$0xA0]  }
0x142: {  	v6 =	vld [tilespmem:s26+$0xB0]  }
0x143: {  	v7 =	vld [tilespmem:s26+$0xC0]  }
0x144: {  	v8 =	vld [tilespmem:s26+$0xD0];
	v3 =	vmul.f32 $8.000000000e+00, v3  }
0x145: {  	v9 =	vld [tilespmem:s26+$0xE0];
	v4 =	vmul.f32 $8.000000000e+00, v4  }
0x146: {  	[tilespmem:s26+$0x80] =	vst v3;
	v3 =	vmul.f32 $8.000000000e+00, v5;
	v5 =	vld [tilespmem:s26+$0xF0]  }
0x147: {  	[tilespmem:s26+$0x90] =	vst v4;
	v4 =	vmul.f32 $8.000000000e+00, v6;
	v6 =	vld [tilespmem:s26+$0x480]  }
0x148: {  	[tilespmem:s26+$0xA0] =	vst v3;
	v3 =	vmul.f32 $8.000000000e+00, v7;
	v7 =	vld [tilespmem:s26+$0x490]  }
0x149: {  	[tilespmem:s26+$0xB0] =	vst v4;
	v4 =	vmul.f32 $8.000000000e+00, v8;
	v8 =	vld [tilespmem:s26+$0x4A0];
	_ =	sdelay $0x1  }
0x14a: {  	[tilespmem:s26+$0xC0] =	vst v3;
	v3 =	vmul.f32 $8.000000000e+00, v9;
	v9 =	vld [tilespmem:s26+$0x4F0]  }
0x14b: {  	[tilespmem:s26+$0xD0] =	vst v4;
	v4 =	vmul.f32 $8.000000000e+00, v5;
	v5 =	vld [tilespmem:s26+$0x4B0]  }
0x14c: {  	[tilespmem:s26+$0xE0] =	vst v3;
	v3 =	vmul.f32 $8.000000000e+00, v6;
	v6 =	vld [tilespmem:s26+$0x4C0]  }
0x14d: {  	[tilespmem:s26+$0xF0] =	vst v4;
	v4 =	vmul.f32 $8.000000000e+00, v7;
	v7 =	vmul.f32 $8.000000000e+00, v8;
	v8 =	vld [tilespmem:s26+$0x4E0]  }
0x14e: {  	[tilespmem:s26+$0x480] =	vst v3;
	v3 =	vld [tilespmem:s26+$0x4D0]  }
0x14f: {  	[tilespmem:s26+$0x490] =	vst v4;
	v4 =	vld [tilespmem:s26+$0x880];
	v9 =	vmul.f32 $8.000000000e+00, v9  }
0x150: {  	[tilespmem:s26+$0x4A0] =	vst v7;
	v7 =	vld [tilespmem:s26+$0x890];
	v5 =	vmul.f32 $8.000000000e+00, v5  }
0x151: {  	v6 =	vmul.f32 $8.000000000e+00, v6;
	[tilespmem:s26+$0x4F0] =	vst v9  }
0x152: {  	[tilespmem:s26+$0x4B0] =	vst v5;
	v5 =	vld [tilespmem:s26+$0x8A0];
	v8 =	vmul.f32 $8.000000000e+00, v8  }
0x153: {  	v3 =	vmul.f32 $8.000000000e+00, v3;
	[tilespmem:s26+$0x4C0] =	vst v6;
	v6 =	vld [tilespmem:s26+$0x8B0]  }
0x154: {  	v9 =	vld [tilespmem:s26+$0x8F0];
	[tilespmem:s26+$0x4E0] =	vst v8;
	v4 =	vmul.f32 $8.000000000e+00, v4  }
0x155: {  	v7 =	vmul.f32 $8.000000000e+00, v7;
	[tilespmem:s26+$0x4D0] =	vst v3;
	v3 =	vld [tilespmem:s26+$0x8C0]  }
0x156: {  	v8 =	vld [tilespmem:s26+$0x8D0];
	[tilespmem:s26+$0x880] =	vst v4  }
0x157: {  	[tilespmem:s26+$0x890] =	vst v7;
	v7 =	vld [tilespmem:s26+$0x8E0];
	v4 =	vmul.f32 $8.000000000e+00, v5  }
0x158: {  	v5 =	vld [tilespmem:s26+$0xC80];
	v6 =	vmul.f32 $8.000000000e+00, v6  }
0x159: {  	[tilespmem:s26+$0x8A0] =	vst v4;
	v4 =	vld [tilespmem:s26+$0xC90]  }
0x15a: {  	v3 =	vmul.f32 $8.000000000e+00, v3;
	[tilespmem:s26+$0x8B0] =	vst v6;
	v6 =	vld [tilespmem:s26+$0xCA0]  }
0x15b: {  	v8 =	vmul.f32 $8.000000000e+00, v8  }
0x15c: {  	v7 =	vmul.f32 $8.000000000e+00, v7;
	[tilespmem:s26+$0x8C0] =	vst v3;
	v3 =	vld [tilespmem:s26+$0xCB0]  }
0x15d: {  	[tilespmem:s26+$0x8D0] =	vst v8;
	v8 =	vld [tilespmem:s26+$0xCC0];
	v5 =	vmul.f32 $8.000000000e+00, v5  }
0x15e: {  	v9 =	vmul.f32 $8.000000000e+00, v9;
	[tilespmem:s26+$0x8E0] =	vst v7;
	v7 =	vld [tilespmem:s26+$0xCD0]  }
0x15f: {  	v4 =	vmul.f32 $8.000000000e+00, v4;
	[tilespmem:s26+$0xC80] =	vst v5;
	v5 =	vmul.f32 $8.000000000e+00, v6;
	v6 =	vld [tilespmem:s26+$0xCE0]  }
0x160: {  	[tilespmem:s26+$0x8F0] =	vst v9;
	v9 =	vld [tilespmem:s26+$0xCF0]  }
0x161: {  	[tilespmem:s26+$0xC90] =	vst v4;
	v4 =	vld [tilespmem:s26+$0x1080];
	v3 =	vmul.f32 $8.000000000e+00, v3  }
0x162: {  	v8 =	vmul.f32 $8.000000000e+00, v8;
	[tilespmem:s26+$0xCA0] =	vst v5;
	v5 =	vld [tilespmem:s26+$0x1090]  }
0x163: {  	v7 =	vmul.f32 $8.000000000e+00, v7;
	[tilespmem:s26+$0xCB0] =	vst v3;
	v3 =	vld [tilespmem:s26+$0x10A0]  }
0x164: {  	[tilespmem:s26+$0xCC0] =	vst v8;
	v8 =	vld [tilespmem:s26+$0x10B0];
	v6 =	vmul.f32 $8.000000000e+00, v6  }
0x165: {  	v10 =	vld [tilespmem:s26+$0x10C0];
	[tilespmem:s26+$0xCD0] =	vst v7;
	v7 =	vmul.f32 $8.000000000e+00, v9  }
0x166: {  	v11 =	vld [tilespmem:s26+$0x10D0];
	v4 =	vmul.f32 $8.000000000e+00, v4;
	[tilespmem:s26+$0xCE0] =	vst v6  }
0x167: {  	[tilespmem:s26+$0xCF0] =	vst v7;
	v5 =	vmul.f32 $8.000000000e+00, v5;
	v6 =	vld [tilespmem:s26+$0x10E0]  }
0x168: {  	v7 =	vld [tilespmem:s26+$0x10F0];
	[tilespmem:s26+$0x1080] =	vst v4;
	v3 =	vmul.f32 $8.000000000e+00, v3  }
0x169: {  	v4 =	vld [tilespmem:s26+$0x1480];
	[tilespmem:s26+$0x1090] =	vst v5;
	v5 =	vmul.f32 $8.000000000e+00, v8  }
0x16a: {  	v9 =	vmul.f32 $8.000000000e+00, v10;
	[tilespmem:s26+$0x10A0] =	vst v3;
	v3 =	vld [tilespmem:s26+$0x1490]  }
0x16b: {  	s29 =	simm.s32 $0x21;
	v8 =	vmul.f32 $8.000000000e+00, v11;
	[tilespmem:s26+$0x10B0] =	vst v5;
	v5 =	vld [tilespmem:s26+$0x14A0]  }
.LBB2_6:
0x16c: {  	s30 =	sshrl.u32 s29, $0x3;
	p0 =	sne.s32 s29, $0x2F;
	[tilespmem:s26+$0x10C0] =	vst v9;
	v6 =	vmul.f32 $8.000000000e+00, v6;
	v9 =	vld [tilespmem:s26+$0x14B0]  }
0x16d: {  	s30 =	smul.u32 $0x6000, s30;
	[tilespmem:s26+$0x10D0] =	vst v8;
	v7 =	vmul.f32 $8.000000000e+00, v7;
	v8 =	vld [tilespmem:s26+$0x14C0]  }
0x16e: {  	s28 =	sadd.s32 $0x80, s28;
	[tilespmem:s26+$0x10E0] =	vst v6;
	v4 =	vmul.f32 $8.000000000e+00, v4;
	v6 =	vld [tilespmem:s26+$0x14D0]  }
0x16f: {  	s31 =	sand.u32 $0x380, s28;
	s30 =	sshra.s32 s30, $0x2;
	[tilespmem:s26+$0x10F0] =	vst v7;
	v3 =	vmul.f32 $8.000000000e+00, v3;
	v7 =	vld [tilespmem:s26+$0x14E0]  }
0x170: {  	s30 =	sor.u32 s31, s30;
	[tilespmem:s26+$0x1480] =	vst v4;
	v4 =	vmul.f32 $8.000000000e+00, v5;
	v5 =	vld [tilespmem:s26+$0x14F0]  }
0x171: {  	v10 =	vld [tilespmem:s30+$0x80];
	[tilespmem:s26+$0x1490] =	vst v3;
	v3 =	vmul.f32 $8.000000000e+00, v9  }
0x172: {  	v9 =	vld [tilespmem:s30+$0x90];
	[tilespmem:s26+$0x14A0] =	vst v4;
	v4 =	vmul.f32 $8.000000000e+00, v8  }
0x173: {  	v8 =	vld [tilespmem:s30+$0xA0];
	[tilespmem:s26+$0x14B0] =	vst v3;
	v3 =	vmul.f32 $8.000000000e+00, v6  }
0x174: {  	v6 =	vld [tilespmem:s30+$0xB0];
	[tilespmem:s26+$0x14C0] =	vst v4;
	v4 =	vmul.f32 $8.000000000e+00, v7  }
0x175: {  	v7 =	vld [tilespmem:s30+$0xC0];
	[tilespmem:s26+$0x14D0] =	vst v3;
	v3 =	vmul.f32 $8.000000000e+00, v5  }
0x176: {  	v5 =	vmul.f32 $8.000000000e+00, v10;
	v10 =	vld [tilespmem:s30+$0xD0];
	[tilespmem:s26+$0x14E0] =	vst v4  }
0x177: {  	v4 =	vmul.f32 $8.000000000e+00, v9;
	v9 =	vld [tilespmem:s30+$0xE0];
	[tilespmem:s26+$0x14F0] =	vst v3;
	s26 =	smov.u32 s30  }
0x178: {  	[tilespmem:s26+$0x80] =	vst v5;
	v3 =	vmul.f32 $8.000000000e+00, v8;
	v5 =	vld [tilespmem:s26+$0xF0]  }
0x179: {  	[tilespmem:s26+$0x90] =	vst v4;
	v4 =	vmul.f32 $8.000000000e+00, v6;
	v6 =	vld [tilespmem:s26+$0x480]  }
0x17a: {  	[tilespmem:s26+$0xA0] =	vst v3;
	v3 =	vmul.f32 $8.000000000e+00, v7;
	v7 =	vld [tilespmem:s26+$0x490]  }
0x17b: {  	[tilespmem:s26+$0xB0] =	vst v4;
	v4 =	vmul.f32 $8.000000000e+00, v10;
	v8 =	vld [tilespmem:s26+$0x4A0]  }
0x17c: {  	[tilespmem:s26+$0xC0] =	vst v3;
	v3 =	vmul.f32 $8.000000000e+00, v9;
	v9 =	vld [tilespmem:s26+$0x4B0]  }
0x17d: {  	[tilespmem:s26+$0xD0] =	vst v4;
	v4 =	vmul.f32 $8.000000000e+00, v5;
	v5 =	vld [tilespmem:s26+$0x4C0]  }
0x17e: {  	[tilespmem:s26+$0xE0] =	vst v3;
	v3 =	vmul.f32 $8.000000000e+00, v6;
	v6 =	vld [tilespmem:s26+$0x4D0]  }
0x17f: {  	[tilespmem:s26+$0xF0] =	vst v4;
	v4 =	vmul.f32 $8.000000000e+00, v7;
	v7 =	vld [tilespmem:s26+$0x4E0]  }
0x180: {  	[tilespmem:s26+$0x480] =	vst v3;
	v3 =	vmul.f32 $8.000000000e+00, v8;
	v8 =	vld [tilespmem:s26+$0x4F0]  }
0x181: {  	[tilespmem:s26+$0x490] =	vst v4;
	v4 =	vmul.f32 $8.000000000e+00, v9;
	v9 =	vld [tilespmem:s26+$0x880]  }
0x182: {  	[tilespmem:s26+$0x4A0] =	vst v3;
	v3 =	vmul.f32 $8.000000000e+00, v5;
	v5 =	vld [tilespmem:s26+$0x890]  }
0x183: {  	[tilespmem:s26+$0x4B0] =	vst v4;
	v4 =	vmul.f32 $8.000000000e+00, v6;
	v6 =	vld [tilespmem:s26+$0x8A0]  }
0x184: {  	[tilespmem:s26+$0x4C0] =	vst v3;
	v3 =	vmul.f32 $8.000000000e+00, v7;
	v7 =	vld [tilespmem:s26+$0x8B0]  }
0x185: {  	[tilespmem:s26+$0x4D0] =	vst v4;
	v4 =	vmul.f32 $8.000000000e+00, v8;
	v8 =	vld [tilespmem:s26+$0x8C0]  }
0x186: {  	[tilespmem:s26+$0x4E0] =	vst v3;
	v3 =	vmul.f32 $8.000000000e+00, v9;
	v9 =	vld [tilespmem:s26+$0x8D0]  }
0x187: {  	[tilespmem:s26+$0x4F0] =	vst v4;
	v4 =	vmul.f32 $8.000000000e+00, v5;
	v5 =	vld [tilespmem:s26+$0x8E0]  }
0x188: {  	[tilespmem:s26+$0x880] =	vst v3;
	v3 =	vmul.f32 $8.000000000e+00, v6;
	v6 =	vld [tilespmem:s26+$0x8F0]  }
0x189: {  	[tilespmem:s26+$0x890] =	vst v4;
	v4 =	vmul.f32 $8.000000000e+00, v7;
	v7 =	vld [tilespmem:s26+$0xC80]  }
0x18a: {  	[tilespmem:s26+$0x8A0] =	vst v3;
	v3 =	vmul.f32 $8.000000000e+00, v8;
	v8 =	vld [tilespmem:s26+$0xC90]  }
0x18b: {  	[tilespmem:s26+$0x8B0] =	vst v4;
	v4 =	vmul.f32 $8.000000000e+00, v9;
	v9 =	vld [tilespmem:s26+$0xCA0]  }
0x18c: {  	[tilespmem:s26+$0x8C0] =	vst v3;
	v3 =	vmul.f32 $8.000000000e+00, v5;
	v5 =	vld [tilespmem:s26+$0xCB0]  }
0x18d: {  	[tilespmem:s26+$0x8D0] =	vst v4;
	v4 =	vmul.f32 $8.000000000e+00, v6;
	v6 =	vld [tilespmem:s26+$0xCC0]  }
0x18e: {  	[tilespmem:s26+$0x8E0] =	vst v3;
	v3 =	vmul.f32 $8.000000000e+00, v7;
	v7 =	vld [tilespmem:s26+$0xCD0]  }
0x18f: {  	[tilespmem:s26+$0x8F0] =	vst v4;
	v4 =	vmul.f32 $8.000000000e+00, v8;
	v8 =	vld [tilespmem:s26+$0xCE0]  }
0x190: {  	[tilespmem:s26+$0xC80] =	vst v3;
	v3 =	vmul.f32 $8.000000000e+00, v9;
	v9 =	vld [tilespmem:s26+$0xCF0]  }
0x191: {  	[tilespmem:s26+$0xC90] =	vst v4;
	v4 =	vmul.f32 $8.000000000e+00, v5;
	v5 =	vld [tilespmem:s26+$0x1080]  }
0x192: {  	[tilespmem:s26+$0xCA0] =	vst v3;
	v3 =	vmul.f32 $8.000000000e+00, v6;
	v6 =	vld [tilespmem:s26+$0x1090]  }
0x193: {  	[tilespmem:s26+$0xCB0] =	vst v4;
	v4 =	vmul.f32 $8.000000000e+00, v7;
	v7 =	vld [tilespmem:s26+$0x10A0]  }
0x194: {  	[tilespmem:s26+$0xCC0] =	vst v3;
	v3 =	vmul.f32 $8.000000000e+00, v8;
	v8 =	vld [tilespmem:s26+$0x10B0]  }
0x195: {  	[tilespmem:s26+$0xCD0] =	vst v4;
	v4 =	vmul.f32 $8.000000000e+00, v9;
	v9 =	vld [tilespmem:s26+$0x10C0]  }
0x196: {  	[tilespmem:s26+$0xCE0] =	vst v3;
	v3 =	vmul.f32 $8.000000000e+00, v5;
	v5 =	vld [tilespmem:s26+$0x10D0]  }
.Ltmp2:
0x197: {  	[tilespmem:s26+$0xCF0] =	vst v4;
	v4 =	vmul.f32 $8.000000000e+00, v6;
	v6 =	vld [tilespmem:s26+$0x10E0];
	(pc) =	sbr.rel @p0 .LBB2_6-.Ltmp2, $4  }
0x198: {  	[tilespmem:s26+$0x1080] =	vst v3;
	v3 =	vmul.f32 $8.000000000e+00, v7;
	v7 =	vld [tilespmem:s26+$0x10F0]  }
0x199: {  	[tilespmem:s26+$0x1090] =	vst v4;
	v8 =	vmul.f32 $8.000000000e+00, v8;
	v4 =	vld [tilespmem:s26+$0x1480]  }
0x19a: {  	[tilespmem:s26+$0x10A0] =	vst v3;
	v9 =	vmul.f32 $8.000000000e+00, v9;
	v3 =	vld [tilespmem:s26+$0x1490]  }
0x19b: {  	s29 =	sadd.s32 $0x1, s29;
	[tilespmem:s26+$0x10B0] =	vst v8;
	v8 =	vmul.f32 $8.000000000e+00, v5;
	v5 =	vld [tilespmem:s26+$0x14A0]  }
0x19c: {  	[tilespmem:s26+$0x10C0] =	vst v9;
	v9 =	vld [tilespmem:s26+$0x14B0];
	v6 =	vmul.f32 $8.000000000e+00, v6  }
0x19d: {  	[tilespmem:s26+$0x10D0] =	vst v8;
	v8 =	vld [tilespmem:s26+$0x14C0];
	v7 =	vmul.f32 $8.000000000e+00, v7  }
0x19e: {  	[tilespmem:s26+$0x10E0] =	vst v6;
	v6 =	vld [tilespmem:s26+$0x14D0];
	v4 =	vmul.f32 $8.000000000e+00, v4  }
0x19f: {  	[tilespmem:s26+$0x10F0] =	vst v7;
	v3 =	vmul.f32 $8.000000000e+00, v3;
	v7 =	vld [tilespmem:s26+$0x14E0]  }
0x1a0: {  	[tilespmem:s26+$0x1480] =	vst v4;
	v4 =	vmul.f32 $8.000000000e+00, v5;
	v5 =	vld [tilespmem:s26+$0x14F0]  }
0x1a1: {  	[tilespmem:s26+$0x1490] =	vst v3;
	v3 =	vmul.f32 $8.000000000e+00, v9  }
0x1a2: {  	[tilespmem:s26+$0x14A0] =	vst v4;
	v4 =	vmul.f32 $8.000000000e+00, v8  }
0x1a3: {  	[tilespmem:s26+$0x14B0] =	vst v3;
	v3 =	vmul.f32 $8.000000000e+00, v6  }
0x1a4: {  	[tilespmem:s26+$0x14C0] =	vst v4;
	v4 =	vmul.f32 $8.000000000e+00, v7  }
0x1a5: {  	[tilespmem:s26+$0x14D0] =	vst v3;
	v3 =	vmul.f32 $8.000000000e+00, v5  }
0x1a6: {  	s31 =	simm.s32 $0x6;
	[tilespmem:s26+$0x14E0] =	vst v4  }
0x1a7: {  	[tilespmem:s26+$0x14F0] =	vst v3;
	s26 =	smul.u32 $0x6000, s31  }
0x1a8: {  	[hbm4b:s9+s3] =	stream.linear.scatter [tilespmem:s25], [sflag:$0x5], $0x3000, $0x38;
	[tilespmem:$0xC080] =	vst v63  }
0x1a9: {  	s28 =	simm.s32 $0x1800;
	_ =	swait.ge [sflag:s22], $0x3000  }
0x1aa: {  	s29 =	sand.u32 $0x380, s28;
	s26 =	sshra.s32 s26, $0x2;
	[sflag:s22] =	ssyncset.done $0x0  }
0x1ab: {  	s26 =	sor.u32 s29, s26;
	[sflag:s22] =	ssyncadd.s32 $0xFFFFD000  }
0x1ac: {  	v3 =	vld [tilespmem:s26+$0x80]  }
0x1ad: {  	v4 =	vld [tilespmem:s26+$0x90]  }
0x1ae: {  	v5 =	vld [tilespmem:s26+$0xA0]  }
0x1af: {  	v6 =	vld [tilespmem:s26+$0xB0]  }
0x1b0: {  	v7 =	vld [tilespmem:s26+$0xC0]  }
0x1b1: {  	v8 =	vld [tilespmem:s26+$0xD0];
	v3 =	vmul.f32 $8.000000000e+00, v3  }
0x1b2: {  	v9 =	vld [tilespmem:s26+$0xE0];
	v4 =	vmul.f32 $8.000000000e+00, v4  }
0x1b3: {  	[tilespmem:s26+$0x80] =	vst v3;
	v3 =	vmul.f32 $8.000000000e+00, v5;
	v5 =	vld [tilespmem:s26+$0xF0]  }
0x1b4: {  	[tilespmem:s26+$0x90] =	vst v4;
	v4 =	vmul.f32 $8.000000000e+00, v6;
	v6 =	vld [tilespmem:s26+$0x480]  }
0x1b5: {  	[tilespmem:s26+$0xA0] =	vst v3;
	v3 =	vmul.f32 $8.000000000e+00, v7;
	v7 =	vld [tilespmem:s26+$0x490]  }
0x1b6: {  	[tilespmem:s26+$0xB0] =	vst v4;
	v4 =	vmul.f32 $8.000000000e+00, v8;
	v8 =	vld [tilespmem:s26+$0x4A0];
	_ =	sdelay $0x1  }
0x1b7: {  	[tilespmem:s26+$0xC0] =	vst v3;
	v3 =	vmul.f32 $8.000000000e+00, v9;
	v9 =	vld [tilespmem:s26+$0x4F0]  }
0x1b8: {  	[tilespmem:s26+$0xD0] =	vst v4;
	v4 =	vmul.f32 $8.000000000e+00, v5;
	v5 =	vld [tilespmem:s26+$0x4B0]  }
0x1b9: {  	[tilespmem:s26+$0xE0] =	vst v3;
	v3 =	vmul.f32 $8.000000000e+00, v6;
	v6 =	vld [tilespmem:s26+$0x4C0]  }
0x1ba: {  	[tilespmem:s26+$0xF0] =	vst v4;
	v4 =	vmul.f32 $8.000000000e+00, v7;
	v7 =	vmul.f32 $8.000000000e+00, v8;
	v8 =	vld [tilespmem:s26+$0x4E0]  }
0x1bb: {  	[tilespmem:s26+$0x480] =	vst v3;
	v3 =	vld [tilespmem:s26+$0x4D0]  }
0x1bc: {  	[tilespmem:s26+$0x490] =	vst v4;
	v4 =	vld [tilespmem:s26+$0x880];
	v9 =	vmul.f32 $8.000000000e+00, v9  }
0x1bd: {  	[tilespmem:s26+$0x4A0] =	vst v7;
	v7 =	vld [tilespmem:s26+$0x890];
	v5 =	vmul.f32 $8.000000000e+00, v5  }
0x1be: {  	v6 =	vmul.f32 $8.000000000e+00, v6;
	[tilespmem:s26+$0x4F0] =	vst v9  }
0x1bf: {  	[tilespmem:s26+$0x4B0] =	vst v5;
	v5 =	vld [tilespmem:s26+$0x8A0];
	v8 =	vmul.f32 $8.000000000e+00, v8  }
0x1c0: {  	v3 =	vmul.f32 $8.000000000e+00, v3;
	[tilespmem:s26+$0x4C0] =	vst v6;
	v6 =	vld [tilespmem:s26+$0x8B0]  }
0x1c1: {  	v9 =	vld [tilespmem:s26+$0x8F0];
	[tilespmem:s26+$0x4E0] =	vst v8;
	v4 =	vmul.f32 $8.000000000e+00, v4  }
0x1c2: {  	v7 =	vmul.f32 $8.000000000e+00, v7;
	[tilespmem:s26+$0x4D0] =	vst v3;
	v3 =	vld [tilespmem:s26+$0x8C0]  }
0x1c3: {  	v8 =	vld [tilespmem:s26+$0x8D0];
	[tilespmem:s26+$0x880] =	vst v4  }
0x1c4: {  	[tilespmem:s26+$0x890] =	vst v7;
	v7 =	vld [tilespmem:s26+$0x8E0];
	v4 =	vmul.f32 $8.000000000e+00, v5  }
0x1c5: {  	v5 =	vld [tilespmem:s26+$0xC80];
	v6 =	vmul.f32 $8.000000000e+00, v6  }
0x1c6: {  	[tilespmem:s26+$0x8A0] =	vst v4;
	v4 =	vld [tilespmem:s26+$0xC90]  }
0x1c7: {  	v3 =	vmul.f32 $8.000000000e+00, v3;
	[tilespmem:s26+$0x8B0] =	vst v6;
	v6 =	vld [tilespmem:s26+$0xCA0]  }
0x1c8: {  	v8 =	vmul.f32 $8.000000000e+00, v8  }
0x1c9: {  	v7 =	vmul.f32 $8.000000000e+00, v7;
	[tilespmem:s26+$0x8C0] =	vst v3;
	v3 =	vld [tilespmem:s26+$0xCB0]  }
0x1ca: {  	[tilespmem:s26+$0x8D0] =	vst v8;
	v8 =	vld [tilespmem:s26+$0xCC0];
	v5 =	vmul.f32 $8.000000000e+00, v5  }
0x1cb: {  	v9 =	vmul.f32 $8.000000000e+00, v9;
	[tilespmem:s26+$0x8E0] =	vst v7;
	v7 =	vld [tilespmem:s26+$0xCD0]  }
0x1cc: {  	v4 =	vmul.f32 $8.000000000e+00, v4;
	[tilespmem:s26+$0xC80] =	vst v5;
	v5 =	vmul.f32 $8.000000000e+00, v6;
	v6 =	vld [tilespmem:s26+$0xCE0]  }
0x1cd: {  	[tilespmem:s26+$0x8F0] =	vst v9;
	v9 =	vld [tilespmem:s26+$0xCF0]  }
0x1ce: {  	[tilespmem:s26+$0xC90] =	vst v4;
	v4 =	vld [tilespmem:s26+$0x1080];
	v3 =	vmul.f32 $8.000000000e+00, v3  }
0x1cf: {  	v8 =	vmul.f32 $8.000000000e+00, v8;
	[tilespmem:s26+$0xCA0] =	vst v5;
	v5 =	vld [tilespmem:s26+$0x1090]  }
0x1d0: {  	v7 =	vmul.f32 $8.000000000e+00, v7;
	[tilespmem:s26+$0xCB0] =	vst v3;
	v3 =	vld [tilespmem:s26+$0x10A0]  }
0x1d1: {  	[tilespmem:s26+$0xCC0] =	vst v8;
	v8 =	vld [tilespmem:s26+$0x10B0];
	v6 =	vmul.f32 $8.000000000e+00, v6  }
0x1d2: {  	v10 =	vld [tilespmem:s26+$0x10C0];
	[tilespmem:s26+$0xCD0] =	vst v7;
	v7 =	vmul.f32 $8.000000000e+00, v9  }
0x1d3: {  	v11 =	vld [tilespmem:s26+$0x10D0];
	v4 =	vmul.f32 $8.000000000e+00, v4;
	[tilespmem:s26+$0xCE0] =	vst v6  }
0x1d4: {  	[tilespmem:s26+$0xCF0] =	vst v7;
	v5 =	vmul.f32 $8.000000000e+00, v5;
	v6 =	vld [tilespmem:s26+$0x10E0]  }
0x1d5: {  	v7 =	vld [tilespmem:s26+$0x10F0];
	[tilespmem:s26+$0x1080] =	vst v4;
	v3 =	vmul.f32 $8.000000000e+00, v3  }
0x1d6: {  	v4 =	vld [tilespmem:s26+$0x1480];
	[tilespmem:s26+$0x1090] =	vst v5;
	v5 =	vmul.f32 $8.000000000e+00, v8  }
0x1d7: {  	v9 =	vmul.f32 $8.000000000e+00, v10;
	[tilespmem:s26+$0x10A0] =	vst v3;
	v3 =	vld [tilespmem:s26+$0x1490]  }
0x1d8: {  	s29 =	simm.s32 $0x31;
	v8 =	vmul.f32 $8.000000000e+00, v11;
	[tilespmem:s26+$0x10B0] =	vst v5;
	v5 =	vld [tilespmem:s26+$0x14A0]  }
.LBB2_8:
0x1d9: {  	s30 =	sshrl.u32 s29, $0x3;
	p0 =	sne.s32 s29, $0x3F;
	[tilespmem:s26+$0x10C0] =	vst v9;
	v6 =	vmul.f32 $8.000000000e+00, v6;
	v9 =	vld [tilespmem:s26+$0x14B0]  }
0x1da: {  	s30 =	smul.u32 $0x6000, s30;
	[tilespmem:s26+$0x10D0] =	vst v8;
	v7 =	vmul.f32 $8.000000000e+00, v7;
	v8 =	vld [tilespmem:s26+$0x14C0]  }
0x1db: {  	s28 =	sadd.s32 $0x80, s28;
	[tilespmem:s26+$0x10E0] =	vst v6;
	v4 =	vmul.f32 $8.000000000e+00, v4;
	v6 =	vld [tilespmem:s26+$0x14D0]  }
0x1dc: {  	s31 =	sand.u32 $0x380, s28;
	s30 =	sshra.s32 s30, $0x2;
	[tilespmem:s26+$0x10F0] =	vst v7;
	v3 =	vmul.f32 $8.000000000e+00, v3;
	v7 =	vld [tilespmem:s26+$0x14E0]  }
0x1dd: {  	s30 =	sor.u32 s31, s30;
	[tilespmem:s26+$0x1480] =	vst v4;
	v4 =	vmul.f32 $8.000000000e+00, v5;
	v5 =	vld [tilespmem:s26+$0x14F0]  }
0x1de: {  	v10 =	vld [tilespmem:s30+$0x80];
	[tilespmem:s26+$0x1490] =	vst v3;
	v3 =	vmul.f32 $8.000000000e+00, v9  }
0x1df: {  	v9 =	vld [tilespmem:s30+$0x90];
	[tilespmem:s26+$0x14A0] =	vst v4;
	v4 =	vmul.f32 $8.000000000e+00, v8  }
0x1e0: {  	v8 =	vld [tilespmem:s30+$0xA0];
	[tilespmem:s26+$0x14B0] =	vst v3;
	v3 =	vmul.f32 $8.000000000e+00, v6  }
0x1e1: {  	v6 =	vld [tilespmem:s30+$0xB0];
	[tilespmem:s26+$0x14C0] =	vst v4;
	v4 =	vmul.f32 $8.000000000e+00, v7  }
0x1e2: {  	v7 =	vld [tilespmem:s30+$0xC0];
	[tilespmem:s26+$0x14D0] =	vst v3;
	v3 =	vmul.f32 $8.000000000e+00, v5  }
0x1e3: {  	v5 =	vmul.f32 $8.000000000e+00, v10;
	v10 =	vld [tilespmem:s30+$0xD0];
	[tilespmem:s26+$0x14E0] =	vst v4  }
0x1e4: {  	v4 =	vmul.f32 $8.000000000e+00, v9;
	v9 =	vld [tilespmem:s30+$0xE0];
	[tilespmem:s26+$0x14F0] =	vst v3;
	s26 =	smov.u32 s30  }
0x1e5: {  	[tilespmem:s26+$0x80] =	vst v5;
	v3 =	vmul.f32 $8.000000000e+00, v8;
	v5 =	vld [tilespmem:s26+$0xF0]  }
0x1e6: {  	[tilespmem:s26+$0x90] =	vst v4;
	v4 =	vmul.f32 $8.000000000e+00, v6;
	v6 =	vld [tilespmem:s26+$0x480]  }
0x1e7: {  	[tilespmem:s26+$0xA0] =	vst v3;
	v3 =	vmul.f32 $8.000000000e+00, v7;
	v7 =	vld [tilespmem:s26+$0x490]  }
0x1e8: {  	[tilespmem:s26+$0xB0] =	vst v4;
	v4 =	vmul.f32 $8.000000000e+00, v10;
	v8 =	vld [tilespmem:s26+$0x4A0]  }
0x1e9: {  	[tilespmem:s26+$0xC0] =	vst v3;
	v3 =	vmul.f32 $8.000000000e+00, v9;
	v9 =	vld [tilespmem:s26+$0x4B0]  }
0x1ea: {  	[tilespmem:s26+$0xD0] =	vst v4;
	v4 =	vmul.f32 $8.000000000e+00, v5;
	v5 =	vld [tilespmem:s26+$0x4C0]  }
0x1eb: {  	[tilespmem:s26+$0xE0] =	vst v3;
	v3 =	vmul.f32 $8.000000000e+00, v6;
	v6 =	vld [tilespmem:s26+$0x4D0]  }
0x1ec: {  	[tilespmem:s26+$0xF0] =	vst v4;
	v4 =	vmul.f32 $8.000000000e+00, v7;
	v7 =	vld [tilespmem:s26+$0x4E0]  }
0x1ed: {  	[tilespmem:s26+$0x480] =	vst v3;
	v3 =	vmul.f32 $8.000000000e+00, v8;
	v8 =	vld [tilespmem:s26+$0x4F0]  }
0x1ee: {  	[tilespmem:s26+$0x490] =	vst v4;
	v4 =	vmul.f32 $8.000000000e+00, v9;
	v9 =	vld [tilespmem:s26+$0x880]  }
0x1ef: {  	[tilespmem:s26+$0x4A0] =	vst v3;
	v3 =	vmul.f32 $8.000000000e+00, v5;
	v5 =	vld [tilespmem:s26+$0x890]  }
0x1f0: {  	[tilespmem:s26+$0x4B0] =	vst v4;
	v4 =	vmul.f32 $8.000000000e+00, v6;
	v6 =	vld [tilespmem:s26+$0x8A0]  }
0x1f1: {  	[tilespmem:s26+$0x4C0] =	vst v3;
	v3 =	vmul.f32 $8.000000000e+00, v7;
	v7 =	vld [tilespmem:s26+$0x8B0]  }
0x1f2: {  	[tilespmem:s26+$0x4D0] =	vst v4;
	v4 =	vmul.f32 $8.000000000e+00, v8;
	v8 =	vld [tilespmem:s26+$0x8C0]  }
0x1f3: {  	[tilespmem:s26+$0x4E0] =	vst v3;
	v3 =	vmul.f32 $8.000000000e+00, v9;
	v9 =	vld [tilespmem:s26+$0x8D0]  }
0x1f4: {  	[tilespmem:s26+$0x4F0] =	vst v4;
	v4 =	vmul.f32 $8.000000000e+00, v5;
	v5 =	vld [tilespmem:s26+$0x8E0]  }
0x1f5: {  	[tilespmem:s26+$0x880] =	vst v3;
	v3 =	vmul.f32 $8.000000000e+00, v6;
	v6 =	vld [tilespmem:s26+$0x8F0]  }
0x1f6: {  	[tilespmem:s26+$0x890] =	vst v4;
	v4 =	vmul.f32 $8.000000000e+00, v7;
	v7 =	vld [tilespmem:s26+$0xC80]  }
0x1f7: {  	[tilespmem:s26+$0x8A0] =	vst v3;
	v3 =	vmul.f32 $8.000000000e+00, v8;
	v8 =	vld [tilespmem:s26+$0xC90]  }
0x1f8: {  	[tilespmem:s26+$0x8B0] =	vst v4;
	v4 =	vmul.f32 $8.000000000e+00, v9;
	v9 =	vld [tilespmem:s26+$0xCA0]  }
0x1f9: {  	[tilespmem:s26+$0x8C0] =	vst v3;
	v3 =	vmul.f32 $8.000000000e+00, v5;
	v5 =	vld [tilespmem:s26+$0xCB0]  }
0x1fa: {  	[tilespmem:s26+$0x8D0] =	vst v4;
	v4 =	vmul.f32 $8.000000000e+00, v6;
	v6 =	vld [tilespmem:s26+$0xCC0]  }
0x1fb: {  	[tilespmem:s26+$0x8E0] =	vst v3;
	v3 =	vmul.f32 $8.000000000e+00, v7;
	v7 =	vld [tilespmem:s26+$0xCD0]  }
0x1fc: {  	[tilespmem:s26+$0x8F0] =	vst v4;
	v4 =	vmul.f32 $8.000000000e+00, v8;
	v8 =	vld [tilespmem:s26+$0xCE0]  }
0x1fd: {  	[tilespmem:s26+$0xC80] =	vst v3;
	v3 =	vmul.f32 $8.000000000e+00, v9;
	v9 =	vld [tilespmem:s26+$0xCF0]  }
0x1fe: {  	[tilespmem:s26+$0xC90] =	vst v4;
	v4 =	vmul.f32 $8.000000000e+00, v5;
	v5 =	vld [tilespmem:s26+$0x1080]  }
0x1ff: {  	[tilespmem:s26+$0xCA0] =	vst v3;
	v3 =	vmul.f32 $8.000000000e+00, v6;
	v6 =	vld [tilespmem:s26+$0x1090]  }
0x200: {  	[tilespmem:s26+$0xCB0] =	vst v4;
	v4 =	vmul.f32 $8.000000000e+00, v7;
	v7 =	vld [tilespmem:s26+$0x10A0]  }
0x201: {  	[tilespmem:s26+$0xCC0] =	vst v3;
	v3 =	vmul.f32 $8.000000000e+00, v8;
	v8 =	vld [tilespmem:s26+$0x10B0]  }
0x202: {  	[tilespmem:s26+$0xCD0] =	vst v4;
	v4 =	vmul.f32 $8.000000000e+00, v9;
	v9 =	vld [tilespmem:s26+$0x10C0]  }
0x203: {  	[tilespmem:s26+$0xCE0] =	vst v3;
	v3 =	vmul.f32 $8.000000000e+00, v5;
	v5 =	vld [tilespmem:s26+$0x10D0]  }
.Ltmp3:
0x204: {  	[tilespmem:s26+$0xCF0] =	vst v4;
	v4 =	vmul.f32 $8.000000000e+00, v6;
	v6 =	vld [tilespmem:s26+$0x10E0];
	(pc) =	sbr.rel @p0 .LBB2_8-.Ltmp3, $4  }
0x205: {  	[tilespmem:s26+$0x1080] =	vst v3;
	v3 =	vmul.f32 $8.000000000e+00, v7;
	v7 =	vld [tilespmem:s26+$0x10F0]  }
0x206: {  	[tilespmem:s26+$0x1090] =	vst v4;
	v8 =	vmul.f32 $8.000000000e+00, v8;
	v4 =	vld [tilespmem:s26+$0x1480]  }
0x207: {  	[tilespmem:s26+$0x10A0] =	vst v3;
	v9 =	vmul.f32 $8.000000000e+00, v9;
	v3 =	vld [tilespmem:s26+$0x1490]  }
0x208: {  	s29 =	sadd.s32 $0x1, s29;
	[tilespmem:s26+$0x10B0] =	vst v8;
	v8 =	vmul.f32 $8.000000000e+00, v5;
	v5 =	vld [tilespmem:s26+$0x14A0]  }
0x209: {  	[tilespmem:s26+$0x10C0] =	vst v9;
	v56 =	vld [tilespmem:s26+$0x14B0];
	v6 =	vmul.f32 $8.000000000e+00, v6  }
0x20a: {  	v57 =	vld [tilespmem:s26+$0x14C0];
	[tilespmem:s26+$0x10D0] =	vst v8;
	v7 =	vmul.f32 $8.000000000e+00, v7  }
0x20b: {  	v58 =	vld [tilespmem:s26+$0x14D0];
	[tilespmem:s26+$0x10E0] =	vst v6;
	v4 =	vmul.f32 $8.000000000e+00, v4  }
0x20c: {  	v59 =	vld [tilespmem:s26+$0x14E0];
	[tilespmem:s26+$0x10F0] =	vst v7;
	v3 =	vmul.f32 $8.000000000e+00, v3  }
0x20d: {  	v61 =	vld [tilespmem:s26+$0x14F0];
	[tilespmem:s26+$0x1480] =	vst v4;
	v60 =	vmul.f32 $8.000000000e+00, v5  }
0x20e: {  	[tilespmem:s26+$0x1490] =	vst v3;
	v3 =	vmul.f32 $8.000000000e+00, v56  }
0x20f: {  	v62 =	vmul.f32 $8.000000000e+00, v57;
	[tilespmem:s26+$0x14A0] =	vst v60  }
0x210: {  	[tilespmem:s26+$0x14B0] =	vst v3;
	v3 =	vmul.f32 $8.000000000e+00, v58  }
0x211: {  	v63 =	vmul.f32 $8.000000000e+00, v59;
	[tilespmem:s26+$0x14C0] =	vst v62  }
0x212: {  	[tilespmem:s26+$0x14D0] =	vst v3;
	v3 =	vmul.f32 $8.000000000e+00, v61  }
0x213: {  	[tilespmem:s26+$0x14E0] =	vst v63  }
0x214: {  	[tilespmem:s26+$0x14F0] =	vst v3  }
0x215: {  	[hbm4b:s10+s3] =	stream.linear.scatter [tilespmem:s0], [sflag:$0x5], $0x3000, $0x38;
	[tilespmem:$0xC080] =	vst v63  }
0x216: {  	_ =	swait.ge [sflag:s23], $0x3000  }
0x217: {  	[sflag:s23] =	ssyncset.done $0x0  }
0x218: {  	[sflag:s23] =	ssyncadd.s32 $0xFFFFD000  }
0x219: {  	_ =	swait.ge [sflag:s23], $0x3000  }
0x21a: {  	[sflag:s23] =	ssyncset.done $0x0  }
0x21b: {  	s24 =	sadd.s32 $0x1, s24;
	[sflag:s23] =	ssyncadd.s32 $0xFFFFD000  }
0x21c: {  	p0 =	sne.s32 s24, s11;
	_ =	swait.ge [sflag:s23], $0x3000  }
.Ltmp4:
0x21d: {  	[sflag:s23] =	ssyncset.done $0x0;
	(pc) =	sbr.rel @p0 .LBB2_1-.Ltmp4, $4  }
0x21e: {  	[sflag:s23] =	ssyncadd.s32 $0xFFFFD000  }
0x21f: {  	_ =	swait.ge [sflag:s23], $0x3000  }
0x220: {  	[sflag:s23] =	ssyncset.done $0x0  }
0x221: {  	[sflag:s23] =	ssyncadd.s32 $0xFFFFD000  }
0x222: {  	_ =	sfence.sel $0x180000  }
0x223: {  	[bflag:$0x0] =	sbarrier.arrive $0xFFFF  }
0x224: {  	_ =	strace $0x90000047  }
0x225: {  	s0 =	stileid.u32;
	[bflag:$0x2] =	sbarrier.arrive $0xFFFF  }
0x226: {  	p0 =	sne.s32 s0, $0x0;
	s0 =	rddreg [dreg:$0x3]  }
0x227: {  	s0 =	sadd.s32 @!p0 $0x100000, s0  }
0x228: {  	[sflag:s0] =	ssyncadd.tile.s32 @!p0 $0x1;
	_ =	shalt  }
.Lfunc_end2:
_tile_overlayer_lowered:
.L_overlay_start_2:
0x229: {  	(tag) =	ssettag $0x2  }
0x22a: {  	s0 =	rddreg [dreg:$0x0];
	s2 =	stileid.u32  }
0x22b: {  	s1 =	rddreg [dreg:$0x1];
	p0 =	sne.s32 s2, $0x0  }
0x22c: {  	s3 =	rddreg [dreg:$0x2];
	[bflag:$0x3] =	sbarrier.arrive $0xFFFF;
	s2 =	simm.s32 @!p0 $0x1C06  }
0x22d: {  	[timem:s3], [sflag:s2] =	dma.local @!p0 [hbm:s0], s1  }
0x22e: {  	s0 =	simm.s32 @!p0 $0x6  }
0x22f: {  	_ =	swait.ge @!p0 [sflag:s0], s1  }
0x230: {  	s1 =	ssub.s32 @!p0 $0x0, s1;
	[sflag:s0] =	ssyncset.done @!p0 $0x0  }
0x231: {  	[sflag:s0] =	ssyncadd.s32 @!p0 s1  }
0x232: {  	[bflag:$0x3] =	sbarrier.arrive $0xFFFF  }
0x233: {  	_ =	shalt  }

</sc_bundles>
